<compile_context>
chip_gen: v7x
topology: tpu7x:2x2x1
jax: 0.10.2.dev20260603
libtpu: 0.0.44.dev20260713+nightly
codegen_flags: <defaults>
</compile_context>

<pallas_src>
import functools

import numpy as np
import jax
import jax.numpy as jnp
from jax import lax
from jax.experimental import pallas as pl
from jax.experimental.pallas import tpu as pltpu
from jax.experimental.pallas import tpu_sc as plsc

_NUM_FIELDS = 26
_FIELD_SIZE = 100000
_BATCH = 4096
_OUT_F = 64

_NW = 32
_TOTAL = _BATCH * _NUM_FIELDS
_PER_W = _TOTAL // _NW
_R = 8
_NROUND = _PER_W // _R
_NP = 8
_TAILS = 2600000 - 64
_TAILP = _TAILS >> 7

_OFF = ((np.arange(_TOTAL) % _NUM_FIELDS) * _FIELD_SIZE).astype(np.int32)

_mesh = plsc.VectorSubcoreMesh(core_axis_name="c", subcore_axis_name="s")


@functools.partial(
    pl.kernel,
    mesh=_mesh,
    out_type=jax.ShapeDtypeStruct((_TOTAL * _OUT_F,), jnp.float32),
    scratch_types=[
        pltpu.VMEM((_PER_W + 16,), jnp.int32),
        pltpu.VMEM((_PER_W + 16,), jnp.int32),
        pltpu.VMEM((_NP * _OUT_F, 128), jnp.float32),
        pltpu.VMEM((_R * _OUT_F,), jnp.float32),
        pltpu.VMEM((_OUT_F, 64), jnp.float32),
        pltpu.SemaphoreType.DMA,
        pltpu.SemaphoreType.DMA,
    ],
    compiler_params=pltpu.CompilerParams(needs_layout_passes=False),
)
def _sc_gather(sk_hbm, sv_hbm, rowdrain_hbm, tabt_hbm, tailt_hbm, out_hbm,
               idx_v, pos_v, pbuf, rowstage, tailbuf, psem, osem):
    wid = lax.axis_index("s") * 2 + lax.axis_index("c")
    base = wid * _PER_W
    pltpu.sync_copy(sk_hbm.at[pl.ds(base, _PER_W)], idx_v.at[pl.ds(0, _PER_W)])
    pltpu.sync_copy(sv_hbm.at[pl.ds(base, _PER_W)], pos_v.at[pl.ds(0, _PER_W)])
    pltpu.sync_copy(tailt_hbm, tailbuf)

    iota16 = lax.iota(jnp.int32, 16)

    def drain_panel():
        pltpu.make_async_copy(
            tabt_hbm.at[:, pl.ds(0, 128)], pbuf.at[pl.ds(0, _OUT_F)], psem
        ).wait()

    def drain_row(n):
        pltpu.make_async_copy(
            rowdrain_hbm, rowstage.at[pl.ds(n * _OUT_F, _OUT_F)], osem
        ).wait()

    def issue_block(start, p_run, ic_run):
        vec = idx_v[pl.ds(start, 16)]
        for n in range(_R):
            s = jax.lax.index_in_dim(vec, n, 0, keepdims=False)
            pn = lax.shift_right_logical(s, 7)
            newp = jnp.logical_and(pn > p_run, pn < _TAILP)

            @pl.when(newp)
            def _(pn=pn, ic=ic_run):
                off = pl.multiple_of(pn * 128, 128)
                slot = lax.bitwise_and(ic, _NP - 1)
                pltpu.async_copy(
                    tabt_hbm.at[:, pl.ds(off, 128)],
                    pbuf.at[pl.ds(slot * _OUT_F, _OUT_F)],
                    psem,
                )

            ic_run = ic_run + newp.astype(jnp.int32)
            p_run = lax.max(p_run, pn)
        return p_run, ic_run

    def extract_block(start, p_run, ic_run):
        vec_i = idx_v[pl.ds(start, 16)]
        vec_p = pos_v[pl.ds(start, 16)]
        for n in range(_R):
            s = jax.lax.index_in_dim(vec_i, n, 0, keepdims=False)
            opos = jax.lax.index_in_dim(vec_p, n, 0, keepdims=False)
            pn = lax.shift_right_logical(s, 7)
            col = lax.bitwise_and(s, 127)
            newp = jnp.logical_and(pn > p_run, pn < _TAILP)
            ic_run = ic_run + newp.astype(jnp.int32)
            p_run = lax.max(p_run, pn)
            slot = lax.bitwise_and(ic_run - 1, _NP - 1)
            is_tail = s >= _TAILS

            @pl.when(jnp.logical_not(is_tail))
            def _(slot=slot, col=col, n=n):
                rbase = jnp.full((16,), slot * _OUT_F, jnp.int32) + iota16
                cvec = jnp.full((16,), col, jnp.int32)
                for c16 in range(_OUT_F // 16):
                    vals = plsc.load_gather(pbuf, [rbase + c16 * 16, cvec])
                    rowstage[pl.ds(n * _OUT_F + c16 * 16, 16)] = vals

            @pl.when(is_tail)
            def _(s=s, n=n):
                ct = jnp.full((16,), s - _TAILS, jnp.int32)
                for c16 in range(_OUT_F // 16):
                    vals = plsc.load_gather(tailbuf, [iota16 + c16 * 16, ct])
                    rowstage[pl.ds(n * _OUT_F + c16 * 16, 16)] = vals
            pltpu.async_copy(
                rowstage.at[pl.ds(n * _OUT_F, _OUT_F)],
                out_hbm.at[pl.ds(opos * _OUT_F, _OUT_F)], osem
            )

    def round_body(r, carry):
        p1, ic1, p2, ic2, dc = carry
        for j in range(_R):
            @pl.when(dc + j < ic1)
            def _():
                drain_panel()

        @pl.when(r > 1)
        def _():
            for n in range(_R):
                drain_row(n)

        @pl.when(r > 0)
        def _():
            extract_block((r - 1) * _R, p2, ic2)

        p1n, ic1n = issue_block(r * _R, p1, ic1)
        return p1n, ic1n, p1, ic1, ic1

    mone = jnp.int32(-1)
    zero = jnp.int32(0)
    p1, ic1, p2, ic2, dc = lax.fori_loop(
        0, _NROUND, round_body, (mone, zero, mone, zero, zero)
    )

    for j in range(_R):
        @pl.when(dc + j < ic1)
        def _():
            drain_panel()
    for n in range(_R):
        drain_row(n)
    extract_block((_NROUND - 1) * _R, p2, ic2)
    for n in range(_R):
        drain_row(n)


def kernel(x, table):
    xf = x.reshape(_TOTAL)
    idx = xf + jnp.asarray(_OFF)
    pos = jnp.arange(_TOTAL, dtype=jnp.int32)
    sk, sv = lax.sort((idx, pos), num_keys=1)
    tabt = table.T
    tailt = table[_TAILS:, :].T
    rowdrain = jnp.zeros((_OUT_F,), jnp.float32)
    out = _sc_gather(sk, sv, rowdrain, tabt, tailt)
    return out.reshape(_BATCH, _NUM_FIELDS, _OUT_F)

# --- scband reference (transcript-rebuilt; emitter-appended) ---
"""Pipeline reference for scband-rpcfeatures-embedding-3126736191803 (READ-ONLY COPY).

The authoritative reference and input builder live on the scoring server;
editing this copy changes nothing except your own understanding.
"""

import jax, jax.numpy as jnp
import numpy as np

IN_FEATURES = [100000] * 26
OUT_FEATURES = 64
BATCH = 4096


def setup_inputs(seed: int = 0) -> dict:
    key = jax.random.key(seed)
    k1, k2 = jax.random.split(key)
    x = jax.random.randint(k1, (BATCH, len(IN_FEATURES)), 0, IN_FEATURES[0], dtype=jnp.int32)
    total_rows = int(np.sum(IN_FEATURES))
    table = jax.random.normal(k2, (total_rows, OUT_FEATURES), dtype=jnp.float32) * 0.01
    return {"x": x, "table": table}


def reference(x, table):
    # FeaturesEmbedding: single concatenated table with per-field offsets.
    offsets = jnp.asarray(np.cumsum([0] + IN_FEATURES[:-1]), dtype=x.dtype)
    idx = x + offsets[None, :]  # [B, num_fields]
    out = jnp.take(table, idx, axis=0)  # [B, num_fields, out_features]
    return out

if __name__ == "__main__":
    import jax
    _d = setup_inputs()
    print(jax.jit(kernel)(*tuple(_d.values())))

</pallas_src>

<mosaic_0001>
#map = affine_map<(d0, d1) -> (0)>
#map1 = affine_map<(d0, d1) -> (0, 0)>
module attributes {stable_mosaic.version = 14 : i64} {
  func.func @_sc_gather(%arg0: i32, %arg1: i32, %arg2: memref<106496xi32, #tpu.memory_space<hbm>>, %arg3: memref<106496xi32, #tpu.memory_space<hbm>>, %arg4: memref<64xf32, #tpu.memory_space<hbm>>, %arg5: memref<64x2600000xf32, #tpu.memory_space<hbm>>, %arg6: memref<64x64xf32, #tpu.memory_space<hbm>>, %arg7: memref<6815744xf32, #tpu.memory_space<hbm>>, %arg8: memref<3344xi32, #tpu.memory_space<vmem>>, %arg9: memref<3344xi32, #tpu.memory_space<vmem>>, %arg10: memref<512x128xf32, #tpu.memory_space<vmem>>, %arg11: memref<512xf32, #tpu.memory_space<vmem>>, %arg12: memref<64x64xf32, #tpu.memory_space<vmem>>, %arg13: memref<!tpu.dma_semaphore, #tpu.memory_space<semaphore_mem>>, %arg14: memref<!tpu.dma_semaphore, #tpu.memory_space<semaphore_mem>>) attributes {dimension_semantics = [#tpu.dimension_semantics<core_parallel>, #tpu.dimension_semantics<subcore_parallel>], iteration_bounds = array<i64: 2, 16>, scalar_prefetch = 0 : i64, scratch_operands = 7 : i64, tpu.core_type = #tpu.core_type<sc_vector_subcore>, window_params = [{transform_indices = #map}, {transform_indices = #map}, {transform_indices = #map}, {transform_indices = #map1}, {transform_indices = #map1}, {transform_indices = #map}]} {
    %mul3A = arith.constant 2 : i32
    %mul3A_0 = arith.muli %arg1, %mul3A : i32
    %add3A = arith.addi %mul3A_0, %arg0 : i32
    %mul3A_1 = arith.constant 3328 : i32
    %mul3A_2 = arith.muli %add3A, %mul3A_1 : i32
    "tpu.region"() ({
      %run_scoped3A = tpu.sem_alloc : memref<!tpu.dma_semaphore, #tpu.memory_space<semaphore_mem>>
      %dma_start3A_410 = arith.constant 0 : i32
      %dma_start3A_411 = tpu.memref_slice %arg8[%dma_start3A_410] : memref<3344xi32, #tpu.memory_space<vmem>> -> memref<3328xi32, #tpu.memory_space<vmem>>
      %dma_start3A_412 = tpu.memref_slice %arg2[%mul3A_2] : memref<106496xi32, #tpu.memory_space<hbm>> -> memref<3328xi32, #tpu.memory_space<hbm>>
      %dma_start3A_413 = arith.constant 0 : i32
      %dma_start3A_414 = tpu.memref_slice %arg8[%dma_start3A_413] : memref<3344xi32, #tpu.memory_space<vmem>> -> memref<3328xi32, #tpu.memory_space<vmem>>
      %dma_start3A_415 = tpu.memref_slice %arg2[%mul3A_2] : memref<106496xi32, #tpu.memory_space<hbm>> -> memref<3328xi32, #tpu.memory_space<hbm>>
      tpu.enqueue_dma source(%dma_start3A_415 : memref<3328xi32, #tpu.memory_space<hbm>>) target(%dma_start3A_414 : memref<3328xi32, #tpu.memory_space<vmem>>) target_semaphore(%run_scoped3A : memref<!tpu.dma_semaphore, #tpu.memory_space<semaphore_mem>>)
      %dma_wait3A_416 = arith.constant 0 : i32
      %dma_wait3A_417 = tpu.memref_slice %arg8[%dma_wait3A_416] : memref<3344xi32, #tpu.memory_space<vmem>> -> memref<3328xi32, #tpu.memory_space<vmem>>
      %dma_wait3A_418 = tpu.memref_slice %arg2[%mul3A_2] : memref<106496xi32, #tpu.memory_space<hbm>> -> memref<3328xi32, #tpu.memory_space<hbm>>
      %dma_wait3A_419 = arith.constant 0 : i32
      %dma_wait3A_420 = tpu.memref_slice %arg8[%dma_wait3A_419] : memref<3344xi32, #tpu.memory_space<vmem>> -> memref<3328xi32, #tpu.memory_space<vmem>>
      %dma_wait3A_421 = tpu.memref_slice %arg2[%mul3A_2] : memref<106496xi32, #tpu.memory_space<hbm>> -> memref<3328xi32, #tpu.memory_space<hbm>>
      tpu.wait_dma2 semaphore(%run_scoped3A : memref<!tpu.dma_semaphore, #tpu.memory_space<semaphore_mem>>) src(%dma_wait3A_421 : memref<3328xi32, #tpu.memory_space<hbm>>) dst(%dma_wait3A_420 : memref<3328xi32, #tpu.memory_space<vmem>>)
      tpu.yield
    }) : () -> ()
    "tpu.region"() ({
      %run_scoped3A = tpu.sem_alloc : memref<!tpu.dma_semaphore, #tpu.memory_space<semaphore_mem>>
      %dma_start3A_410 = arith.constant 0 : i32
      %dma_start3A_411 = tpu.memref_slice %arg9[%dma_start3A_410] : memref<3344xi32, #tpu.memory_space<vmem>> -> memref<3328xi32, #tpu.memory_space<vmem>>
      %dma_start3A_412 = tpu.memref_slice %arg3[%mul3A_2] : memref<106496xi32, #tpu.memory_space<hbm>> -> memref<3328xi32, #tpu.memory_space<hbm>>
      %dma_start3A_413 = arith.constant 0 : i32
      %dma_start3A_414 = tpu.memref_slice %arg9[%dma_start3A_413] : memref<3344xi32, #tpu.memory_space<vmem>> -> memref<3328xi32, #tpu.memory_space<vmem>>
      %dma_start3A_415 = tpu.memref_slice %arg3[%mul3A_2] : memref<106496xi32, #tpu.memory_space<hbm>> -> memref<3328xi32, #tpu.memory_space<hbm>>
      tpu.enqueue_dma source(%dma_start3A_415 : memref<3328xi32, #tpu.memory_space<hbm>>) target(%dma_start3A_414 : memref<3328xi32, #tpu.memory_space<vmem>>) target_semaphore(%run_scoped3A : memref<!tpu.dma_semaphore, #tpu.memory_space<semaphore_mem>>)
      %dma_wait3A_416 = arith.constant 0 : i32
      %dma_wait3A_417 = tpu.memref_slice %arg9[%dma_wait3A_416] : memref<3344xi32, #tpu.memory_space<vmem>> -> memref<3328xi32, #tpu.memory_space<vmem>>
      %dma_wait3A_418 = tpu.memref_slice %arg3[%mul3A_2] : memref<106496xi32, #tpu.memory_space<hbm>> -> memref<3328xi32, #tpu.memory_space<hbm>>
      %dma_wait3A_419 = arith.constant 0 : i32
      %dma_wait3A_420 = tpu.memref_slice %arg9[%dma_wait3A_419] : memref<3344xi32, #tpu.memory_space<vmem>> -> memref<3328xi32, #tpu.memory_space<vmem>>
      %dma_wait3A_421 = tpu.memref_slice %arg3[%mul3A_2] : memref<106496xi32, #tpu.memory_space<hbm>> -> memref<3328xi32, #tpu.memory_space<hbm>>
      tpu.wait_dma2 semaphore(%run_scoped3A : memref<!tpu.dma_semaphore, #tpu.memory_space<semaphore_mem>>) src(%dma_wait3A_421 : memref<3328xi32, #tpu.memory_space<hbm>>) dst(%dma_wait3A_420 : memref<3328xi32, #tpu.memory_space<vmem>>)
      tpu.yield
    }) : () -> ()
    "tpu.region"() ({
      %run_scoped3A = tpu.sem_alloc : memref<!tpu.dma_semaphore, #tpu.memory_space<semaphore_mem>>
      tpu.enqueue_dma source(%arg6 : memref<64x64xf32, #tpu.memory_space<hbm>>) target(%arg12 : memref<64x64xf32, #tpu.memory_space<vmem>>) target_semaphore(%run_scoped3A : memref<!tpu.dma_semaphore, #tpu.memory_space<semaphore_mem>>)
      tpu.wait_dma2 semaphore(%run_scoped3A : memref<!tpu.dma_semaphore, #tpu.memory_space<semaphore_mem>>) src(%arg6 : memref<64x64xf32, #tpu.memory_space<hbm>>) dst(%arg12 : memref<64x64xf32, #tpu.memory_space<vmem>>)
      tpu.yield
    }) : () -> ()
    %iota3A = tpu.iota {dimensions = array<i32: 0>} : vector<16xi32>
    %scan3A = arith.constant -1 : i32
    %scan3A_3 = arith.constant 0 : i32
    %scan3A_4 = arith.constant -1 : i32
    %scan3A_5 = arith.constant 0 : i32
    %scan3A_6 = arith.constant 0 : i32
    %scan3A_7 = arith.constant 0 : i32
    %scan3A_8 = arith.constant 416 : i32
    %scan3A_9 = arith.addi %scan3A_7, %scan3A_8 : i32
    %scan3A_10 = arith.constant 1 : i32
    %scan3A_11:5 = scf.for %scan3A_410 = %scan3A_7 to %scan3A_9 step %scan3A_10 iter_args(%scan3A_411 = %scan3A, %scan3A_412 = %scan3A_3, %scan3A_413 = %scan3A_4, %scan3A_414 = %scan3A_5, %scan3A_415 = %scan3A_6) -> (i32, i32, i32, i32, i32)  : i32 {
      %add3A_416 = arith.constant 0 : i32
      %add3A_417 = arith.addi %scan3A_415, %add3A_416 : i32
      %lt3A_418 = arith.cmpi slt, %add3A_417, %scan3A_412 : i32
      %convert_element_type3A_419 = arith.extui %lt3A_418 : i1 to i32
      %cond3A_420 = arith.constant 0 : i32
      %cond3A_421 = arith.cmpi ne, %convert_element_type3A_419, %cond3A_420 : i32
      scf.if %cond3A_421 {
        %dma_wait3A_590 = arith.constant 0 : i32
        %dma_wait3A_591 = arith.constant 0 : i32
        %dma_wait3A_592 = tpu.memref_slice %arg10[%dma_wait3A_590, %dma_wait3A_591] : memref<512x128xf32, #tpu.memory_space<vmem>> -> memref<64x128xf32, #tpu.memory_space<vmem>>
        %dma_wait3A_593 = arith.constant 0 : i32
        %dma_wait3A_594 = arith.constant 0 : i32
        %dma_wait3A_595 = tpu.memref_slice %arg5[%dma_wait3A_593, %dma_wait3A_594] : memref<64x2600000xf32, #tpu.memory_space<hbm>> -> memref<64x128xf32, #tpu.memory_space<hbm>>
        %dma_wait3A_596 = arith.constant 0 : i32
        %dma_wait3A_597 = arith.constant 0 : i32
        %dma_wait3A_598 = tpu.memref_slice %arg10[%dma_wait3A_596, %dma_wait3A_597] : memref<512x128xf32, #tpu.memory_space<vmem>> -> memref<64x128xf32, #tpu.memory_space<vmem>>
        %dma_wait3A_599 = arith.constant 0 : i32
        %dma_wait3A_600 = arith.constant 0 : i32
        %dma_wait3A_601 = tpu.memref_slice %arg5[%dma_wait3A_599, %dma_wait3A_600] : memref<64x2600000xf32, #tpu.memory_space<hbm>> -> memref<64x128xf32, #tpu.memory_space<hbm>>
        tpu.wait_dma2 semaphore(%arg13 : memref<!tpu.dma_semaphore, #tpu.memory_space<semaphore_mem>>) src(%dma_wait3A_601 : memref<64x128xf32, #tpu.memory_space<hbm>>) dst(%dma_wait3A_598 : memref<64x128xf32, #tpu.memory_space<vmem>>)
      } else {
      }
      %add3A_422 = arith.constant 1 : i32
      %add3A_423 = arith.addi %scan3A_415, %add3A_422 : i32
      %lt3A_424 = arith.cmpi slt, %add3A_423, %scan3A_412 : i32
      %convert_element_type3A_425 = arith.extui %lt3A_424 : i1 to i32
      %cond3A_426 = arith.constant 0 : i32
      %cond3A_427 = arith.cmpi ne, %convert_element_type3A_425, %cond3A_426 : i32
      scf.if %cond3A_427 {
        %dma_wait3A_590 = arith.constant 0 : i32
        %dma_wait3A_591 = arith.constant 0 : i32
        %dma_wait3A_592 = tpu.memref_slice %arg10[%dma_wait3A_590, %dma_wait3A_591] : memref<512x128xf32, #tpu.memory_space<vmem>> -> memref<64x128xf32, #tpu.memory_space<vmem>>
        %dma_wait3A_593 = arith.constant 0 : i32
        %dma_wait3A_594 = arith.constant 0 : i32
        %dma_wait3A_595 = tpu.memref_slice %arg5[%dma_wait3A_593, %dma_wait3A_594] : memref<64x2600000xf32, #tpu.memory_space<hbm>> -> memref<64x128xf32, #tpu.memory_space<hbm>>
        %dma_wait3A_596 = arith.constant 0 : i32
        %dma_wait3A_597 = arith.constant 0 : i32
        %dma_wait3A_598 = tpu.memref_slice %arg10[%dma_wait3A_596, %dma_wait3A_597] : memref<512x128xf32, #tpu.memory_space<vmem>> -> memref<64x128xf32, #tpu.memory_space<vmem>>
        %dma_wait3A_599 = arith.constant 0 : i32
        %dma_wait3A_600 = arith.constant 0 : i32
        %dma_wait3A_601 = tpu.memref_slice %arg5[%dma_wait3A_599, %dma_wait3A_600] : memref<64x2600000xf32, #tpu.memory_space<hbm>> -> memref<64x128xf32, #tpu.memory_space<hbm>>
        tpu.wait_dma2 semaphore(%arg13 : memref<!tpu.dma_semaphore, #tpu.memory_space<semaphore_mem>>) src(%dma_wait3A_601 : memref<64x128xf32, #tpu.memory_space<hbm>>) dst(%dma_wait3A_598 : memref<64x128xf32, #tpu.memory_space<vmem>>)
      } else {
      }
      %add3A_428 = arith.constant 2 : i32
      %add3A_429 = arith.addi %scan3A_415, %add3A_428 : i32
      %lt3A_430 = arith.cmpi slt, %add3A_429, %scan3A_412 : i32
      %convert_element_type3A_431 = arith.extui %lt3A_430 : i1 to i32
      %cond3A_432 = arith.constant 0 : i32
      %cond3A_433 = arith.cmpi ne, %convert_element_type3A_431, %cond3A_432 : i32
      scf.if %cond3A_433 {
        %dma_wait3A_590 = arith.constant 0 : i32
        %dma_wait3A_591 = arith.constant 0 : i32
        %dma_wait3A_592 = tpu.memref_slice %arg10[%dma_wait3A_590, %dma_wait3A_591] : memref<512x128xf32, #tpu.memory_space<vmem>> -> memref<64x128xf32, #tpu.memory_space<vmem>>
        %dma_wait3A_593 = arith.constant 0 : i32
        %dma_wait3A_594 = arith.constant 0 : i32
        %dma_wait3A_595 = tpu.memref_slice %arg5[%dma_wait3A_593, %dma_wait3A_594] : memref<64x2600000xf32, #tpu.memory_space<hbm>> -> memref<64x128xf32, #tpu.memory_space<hbm>>
        %dma_wait3A_596 = arith.constant 0 : i32
        %dma_wait3A_597 = arith.constant 0 : i32
        %dma_wait3A_598 = tpu.memref_slice %arg10[%dma_wait3A_596, %dma_wait3A_597] : memref<512x128xf32, #tpu.memory_space<vmem>> -> memref<64x128xf32, #tpu.memory_space<vmem>>
        %dma_wait3A_599 = arith.constant 0 : i32
        %dma_wait3A_600 = arith.constant 0 : i32
        %dma_wait3A_601 = tpu.memref_slice %arg5[%dma_wait3A_599, %dma_wait3A_600] : memref<64x2600000xf32, #tpu.memory_space<hbm>> -> memref<64x128xf32, #tpu.memory_space<hbm>>
        tpu.wait_dma2 semaphore(%arg13 : memref<!tpu.dma_semaphore, #tpu.memory_space<semaphore_mem>>) src(%dma_wait3A_601 : memref<64x128xf32, #tpu.memory_space<hbm>>) dst(%dma_wait3A_598 : memref<64x128xf32, #tpu.memory_space<vmem>>)
      } else {
      }
      %add3A_434 = arith.constant 3 : i32
      %add3A_435 = arith.addi %scan3A_415, %add3A_434 : i32
      %lt3A_436 = arith.cmpi slt, %add3A_435, %scan3A_412 : i32
      %convert_element_type3A_437 = arith.extui %lt3A_436 : i1 to i32
      %cond3A_438 = arith.constant 0 : i32
      %cond3A_439 = arith.cmpi ne, %convert_element_type3A_437, %cond3A_438 : i32
      scf.if %cond3A_439 {
        %dma_wait3A_590 = arith.constant 0 : i32
        %dma_wait3A_591 = arith.constant 0 : i32
        %dma_wait3A_592 = tpu.memref_slice %arg10[%dma_wait3A_590, %dma_wait3A_591] : memref<512x128xf32, #tpu.memory_space<vmem>> -> memref<64x128xf32, #tpu.memory_space<vmem>>
        %dma_wait3A_593 = arith.constant 0 : i32
        %dma_wait3A_594 = arith.constant 0 : i32
        %dma_wait3A_595 = tpu.memref_slice %arg5[%dma_wait3A_593, %dma_wait3A_594] : memref<64x2600000xf32, #tpu.memory_space<hbm>> -> memref<64x128xf32, #tpu.memory_space<hbm>>
        %dma_wait3A_596 = arith.constant 0 : i32
        %dma_wait3A_597 = arith.constant 0 : i32
        %dma_wait3A_598 = tpu.memref_slice %arg10[%dma_wait3A_596, %dma_wait3A_597] : memref<512x128xf32, #tpu.memory_space<vmem>> -> memref<64x128xf32, #tpu.memory_space<vmem>>
        %dma_wait3A_599 = arith.constant 0 : i32
        %dma_wait3A_600 = arith.constant 0 : i32
        %dma_wait3A_601 = tpu.memref_slice %arg5[%dma_wait3A_599, %dma_wait3A_600] : memref<64x2600000xf32, #tpu.memory_space<hbm>> -> memref<64x128xf32, #tpu.memory_space<hbm>>
        tpu.wait_dma2 semaphore(%arg13 : memref<!tpu.dma_semaphore, #tpu.memory_space<semaphore_mem>>) src(%dma_wait3A_601 : memref<64x128xf32, #tpu.memory_space<hbm>>) dst(%dma_wait3A_598 : memref<64x128xf32, #tpu.memory_space<vmem>>)
      } else {
      }
      %add3A_440 = arith.constant 4 : i32
      %add3A_441 = arith.addi %scan3A_415, %add3A_440 : i32
      %lt3A_442 = arith.cmpi slt, %add3A_441, %scan3A_412 : i32
      %convert_element_type3A_443 = arith.extui %lt3A_442 : i1 to i32
      %cond3A_444 = arith.constant 0 : i32
      %cond3A_445 = arith.cmpi ne, %convert_element_type3A_443, %cond3A_444 : i32
      scf.if %cond3A_445 {
        %dma_wait3A_590 = arith.constant 0 : i32
        %dma_wait3A_591 = arith.constant 0 : i32
        %dma_wait3A_592 = tpu.memref_slice %arg10[%dma_wait3A_590, %dma_wait3A_591] : memref<512x128xf32, #tpu.memory_space<vmem>> -> memref<64x128xf32, #tpu.memory_space<vmem>>
        %dma_wait3A_593 = arith.constant 0 : i32
        %dma_wait3A_594 = arith.constant 0 : i32
        %dma_wait3A_595 = tpu.memref_slice %arg5[%dma_wait3A_593, %dma_wait3A_594] : memref<64x2600000xf32, #tpu.memory_space<hbm>> -> memref<64x128xf32, #tpu.memory_space<hbm>>
        %dma_wait3A_596 = arith.constant 0 : i32
        %dma_wait3A_597 = arith.constant 0 : i32
        %dma_wait3A_598 = tpu.memref_slice %arg10[%dma_wait3A_596, %dma_wait3A_597] : memref<512x128xf32, #tpu.memory_space<vmem>> -> memref<64x128xf32, #tpu.memory_space<vmem>>
        %dma_wait3A_599 = arith.constant 0 : i32
        %dma_wait3A_600 = arith.constant 0 : i32
        %dma_wait3A_601 = tpu.memref_slice %arg5[%dma_wait3A_599, %dma_wait3A_600] : memref<64x2600000xf32, #tpu.memory_space<hbm>> -> memref<64x128xf32, #tpu.memory_space<hbm>>
        tpu.wait_dma2 semaphore(%arg13 : memref<!tpu.dma_semaphore, #tpu.memory_space<semaphore_mem>>) src(%dma_wait3A_601 : memref<64x128xf32, #tpu.memory_space<hbm>>) dst(%dma_wait3A_598 : memref<64x128xf32, #tpu.memory_space<vmem>>)
      } else {
      }
      %add3A_446 = arith.constant 5 : i32
      %add3A_447 = arith.addi %scan3A_415, %add3A_446 : i32
      %lt3A_448 = arith.cmpi slt, %add3A_447, %scan3A_412 : i32
      %convert_element_type3A_449 = arith.extui %lt3A_448 : i1 to i32
      %cond3A_450 = arith.constant 0 : i32
      %cond3A_451 = arith.cmpi ne, %convert_element_type3A_449, %cond3A_450 : i32
      scf.if %cond3A_451 {
        %dma_wait3A_590 = arith.constant 0 : i32
        %dma_wait3A_591 = arith.constant 0 : i32
        %dma_wait3A_592 = tpu.memref_slice %arg10[%dma_wait3A_590, %dma_wait3A_591] : memref<512x128xf32, #tpu.memory_space<vmem>> -> memref<64x128xf32, #tpu.memory_space<vmem>>
        %dma_wait3A_593 = arith.constant 0 : i32
        %dma_wait3A_594 = arith.constant 0 : i32
        %dma_wait3A_595 = tpu.memref_slice %arg5[%dma_wait3A_593, %dma_wait3A_594] : memref<64x2600000xf32, #tpu.memory_space<hbm>> -> memref<64x128xf32, #tpu.memory_space<hbm>>
        %dma_wait3A_596 = arith.constant 0 : i32
        %dma_wait3A_597 = arith.constant 0 : i32
        %dma_wait3A_598 = tpu.memref_slice %arg10[%dma_wait3A_596, %dma_wait3A_597] : memref<512x128xf32, #tpu.memory_space<vmem>> -> memref<64x128xf32, #tpu.memory_space<vmem>>
        %dma_wait3A_599 = arith.constant 0 : i32
        %dma_wait3A_600 = arith.constant 0 : i32
        %dma_wait3A_601 = tpu.memref_slice %arg5[%dma_wait3A_599, %dma_wait3A_600] : memref<64x2600000xf32, #tpu.memory_space<hbm>> -> memref<64x128xf32, #tpu.memory_space<hbm>>
        tpu.wait_dma2 semaphore(%arg13 : memref<!tpu.dma_semaphore, #tpu.memory_space<semaphore_mem>>) src(%dma_wait3A_601 : memref<64x128xf32, #tpu.memory_space<hbm>>) dst(%dma_wait3A_598 : memref<64x128xf32, #tpu.memory_space<vmem>>)
      } else {
      }
      %add3A_452 = arith.constant 6 : i32
      %add3A_453 = arith.addi %scan3A_415, %add3A_452 : i32
      %lt3A_454 = arith.cmpi slt, %add3A_453, %scan3A_412 : i32
      %convert_element_type3A_455 = arith.extui %lt3A_454 : i1 to i32
      %cond3A_456 = arith.constant 0 : i32
      %cond3A_457 = arith.cmpi ne, %convert_element_type3A_455, %cond3A_456 : i32
      scf.if %cond3A_457 {
        %dma_wait3A_590 = arith.constant 0 : i32
        %dma_wait3A_591 = arith.constant 0 : i32
        %dma_wait3A_592 = tpu.memref_slice %arg10[%dma_wait3A_590, %dma_wait3A_591] : memref<512x128xf32, #tpu.memory_space<vmem>> -> memref<64x128xf32, #tpu.memory_space<vmem>>
        %dma_wait3A_593 = arith.constant 0 : i32
        %dma_wait3A_594 = arith.constant 0 : i32
        %dma_wait3A_595 = tpu.memref_slice %arg5[%dma_wait3A_593, %dma_wait3A_594] : memref<64x2600000xf32, #tpu.memory_space<hbm>> -> memref<64x128xf32, #tpu.memory_space<hbm>>
        %dma_wait3A_596 = arith.constant 0 : i32
        %dma_wait3A_597 = arith.constant 0 : i32
        %dma_wait3A_598 = tpu.memref_slice %arg10[%dma_wait3A_596, %dma_wait3A_597] : memref<512x128xf32, #tpu.memory_space<vmem>> -> memref<64x128xf32, #tpu.memory_space<vmem>>
        %dma_wait3A_599 = arith.constant 0 : i32
        %dma_wait3A_600 = arith.constant 0 : i32
        %dma_wait3A_601 = tpu.memref_slice %arg5[%dma_wait3A_599, %dma_wait3A_600] : memref<64x2600000xf32, #tpu.memory_space<hbm>> -> memref<64x128xf32, #tpu.memory_space<hbm>>
        tpu.wait_dma2 semaphore(%arg13 : memref<!tpu.dma_semaphore, #tpu.memory_space<semaphore_mem>>) src(%dma_wait3A_601 : memref<64x128xf32, #tpu.memory_space<hbm>>) dst(%dma_wait3A_598 : memref<64x128xf32, #tpu.memory_space<vmem>>)
      } else {
      }
      %add3A_458 = arith.constant 7 : i32
      %add3A_459 = arith.addi %scan3A_415, %add3A_458 : i32
      %lt3A_460 = arith.cmpi slt, %add3A_459, %scan3A_412 : i32
      %convert_element_type3A_461 = arith.extui %lt3A_460 : i1 to i32
      %cond3A_462 = arith.constant 0 : i32
      %cond3A_463 = arith.cmpi ne, %convert_element_type3A_461, %cond3A_462 : i32
      scf.if %cond3A_463 {
        %dma_wait3A_590 = arith.constant 0 : i32
        %dma_wait3A_591 = arith.constant 0 : i32
        %dma_wait3A_592 = tpu.memref_slice %arg10[%dma_wait3A_590, %dma_wait3A_591] : memref<512x128xf32, #tpu.memory_space<vmem>> -> memref<64x128xf32, #tpu.memory_space<vmem>>
        %dma_wait3A_593 = arith.constant 0 : i32
        %dma_wait3A_594 = arith.constant 0 : i32
        %dma_wait3A_595 = tpu.memref_slice %arg5[%dma_wait3A_593, %dma_wait3A_594] : memref<64x2600000xf32, #tpu.memory_space<hbm>> -> memref<64x128xf32, #tpu.memory_space<hbm>>
        %dma_wait3A_596 = arith.constant 0 : i32
        %dma_wait3A_597 = arith.constant 0 : i32
        %dma_wait3A_598 = tpu.memref_slice %arg10[%dma_wait3A_596, %dma_wait3A_597] : memref<512x128xf32, #tpu.memory_space<vmem>> -> memref<64x128xf32, #tpu.memory_space<vmem>>
        %dma_wait3A_599 = arith.constant 0 : i32
        %dma_wait3A_600 = arith.constant 0 : i32
        %dma_wait3A_601 = tpu.memref_slice %arg5[%dma_wait3A_599, %dma_wait3A_600] : memref<64x2600000xf32, #tpu.memory_space<hbm>> -> memref<64x128xf32, #tpu.memory_space<hbm>>
        tpu.wait_dma2 semaphore(%arg13 : memref<!tpu.dma_semaphore, #tpu.memory_space<semaphore_mem>>) src(%dma_wait3A_601 : memref<64x128xf32, #tpu.memory_space<hbm>>) dst(%dma_wait3A_598 : memref<64x128xf32, #tpu.memory_space<vmem>>)
      } else {
      }
      %gt3A_464 = arith.constant 1 : i32
      %gt3A_465 = arith.cmpi sgt, %scan3A_410, %gt3A_464 : i32
      %convert_element_type3A_466 = arith.extui %gt3A_465 : i1 to i32
      %cond3A_467 = arith.constant 0 : i32
      %cond3A_468 = arith.cmpi ne, %convert_element_type3A_466, %cond3A_467 : i32
      scf.if %cond3A_468 {
        %dma_wait3A_590 = arith.constant 0 : i32
        %dma_wait3A_591 = tpu.memref_slice %arg11[%dma_wait3A_590] : memref<512xf32, #tpu.memory_space<vmem>> -> memref<64xf32, #tpu.memory_space<vmem>>
        %dma_wait3A_592 = arith.constant 0 : i32
        %dma_wait3A_593 = tpu.memref_slice %arg11[%dma_wait3A_592] : memref<512xf32, #tpu.memory_space<vmem>> -> memref<64xf32, #tpu.memory_space<vmem>>
        tpu.wait_dma2 semaphore(%arg14 : memref<!tpu.dma_semaphore, #tpu.memory_space<semaphore_mem>>) src(%arg4 : memref<64xf32, #tpu.memory_space<hbm>>) dst(%dma_wait3A_593 : memref<64xf32, #tpu.memory_space<vmem>>)
        %dma_wait3A_594 = arith.constant 64 : i32
        %dma_wait3A_595 = tpu.memref_slice %arg11[%dma_wait3A_594] : memref<512xf32, #tpu.memory_space<vmem>> -> memref<64xf32, #tpu.memory_space<vmem>>
        %dma_wait3A_596 = arith.constant 64 : i32
        %dma_wait3A_597 = tpu.memref_slice %arg11[%dma_wait3A_596] : memref<512xf32, #tpu.memory_space<vmem>> -> memref<64xf32, #tpu.memory_space<vmem>>
        tpu.wait_dma2 semaphore(%arg14 : memref<!tpu.dma_semaphore, #tpu.memory_space<semaphore_mem>>) src(%arg4 : memref<64xf32, #tpu.memory_space<hbm>>) dst(%dma_wait3A_597 : memref<64xf32, #tpu.memory_space<vmem>>)
        %dma_wait3A_598 = arith.constant 128 : i32
        %dma_wait3A_599 = tpu.memref_slice %arg11[%dma_wait3A_598] : memref<512xf32, #tpu.memory_space<vmem>> -> memref<64xf32, #tpu.memory_space<vmem>>
        %dma_wait3A_600 = arith.constant 128 : i32
        %dma_wait3A_601 = tpu.memref_slice %arg11[%dma_wait3A_600] : memref<512xf32, #tpu.memory_space<vmem>> -> memref<64xf32, #tpu.memory_space<vmem>>
        tpu.wait_dma2 semaphore(%arg14 : memref<!tpu.dma_semaphore, #tpu.memory_space<semaphore_mem>>) src(%arg4 : memref<64xf32, #tpu.memory_space<hbm>>) dst(%dma_wait3A_601 : memref<64xf32, #tpu.memory_space<vmem>>)
        %dma_wait3A_602 = arith.constant 192 : i32
        %dma_wait3A_603 = tpu.memref_slice %arg11[%dma_wait3A_602] : memref<512xf32, #tpu.memory_space<vmem>> -> memref<64xf32, #tpu.memory_space<vmem>>
        %dma_wait3A_604 = arith.constant 192 : i32
        %dma_wait3A_605 = tpu.memref_slice %arg11[%dma_wait3A_604] : memref<512xf32, #tpu.memory_space<vmem>> -> memref<64xf32, #tpu.memory_space<vmem>>
        tpu.wait_dma2 semaphore(%arg14 : memref<!tpu.dma_semaphore, #tpu.memory_space<semaphore_mem>>) src(%arg4 : memref<64xf32, #tpu.memory_space<hbm>>) dst(%dma_wait3A_605 : memref<64xf32, #tpu.memory_space<vmem>>)
        %dma_wait3A_606 = arith.constant 256 : i32
        %dma_wait3A_607 = tpu.memref_slice %arg11[%dma_wait3A_606] : memref<512xf32, #tpu.memory_space<vmem>> -> memref<64xf32, #tpu.memory_space<vmem>>
        %dma_wait3A_608 = arith.constant 256 : i32
        %dma_wait3A_609 = tpu.memref_slice %arg11[%dma_wait3A_608] : memref<512xf32, #tpu.memory_space<vmem>> -> memref<64xf32, #tpu.memory_space<vmem>>
        tpu.wait_dma2 semaphore(%arg14 : memref<!tpu.dma_semaphore, #tpu.memory_space<semaphore_mem>>) src(%arg4 : memref<64xf32, #tpu.memory_space<hbm>>) dst(%dma_wait3A_609 : memref<64xf32, #tpu.memory_space<vmem>>)
        %dma_wait3A_610 = arith.constant 320 : i32
        %dma_wait3A_611 = tpu.memref_slice %arg11[%dma_wait3A_610] : memref<512xf32, #tpu.memory_space<vmem>> -> memref<64xf32, #tpu.memory_space<vmem>>
        %dma_wait3A_612 = arith.constant 320 : i32
        %dma_wait3A_613 = tpu.memref_slice %arg11[%dma_wait3A_612] : memref<512xf32, #tpu.memory_space<vmem>> -> memref<64xf32, #tpu.memory_space<vmem>>
        tpu.wait_dma2 semaphore(%arg14 : memref<!tpu.dma_semaphore, #tpu.memory_space<semaphore_mem>>) src(%arg4 : memref<64xf32, #tpu.memory_space<hbm>>) dst(%dma_wait3A_613 : memref<64xf32, #tpu.memory_space<vmem>>)
        %dma_wait3A_614 = arith.constant 384 : i32
        %dma_wait3A_615 = tpu.memref_slice %arg11[%dma_wait3A_614] : memref<512xf32, #tpu.memory_space<vmem>> -> memref<64xf32, #tpu.memory_space<vmem>>
        %dma_wait3A_616 = arith.constant 384 : i32
        %dma_wait3A_617 = tpu.memref_slice %arg11[%dma_wait3A_616] : memref<512xf32, #tpu.memory_space<vmem>> -> memref<64xf32, #tpu.memory_space<vmem>>
        tpu.wait_dma2 semaphore(%arg14 : memref<!tpu.dma_semaphore, #tpu.memory_space<semaphore_mem>>) src(%arg4 : memref<64xf32, #tpu.memory_space<hbm>>) dst(%dma_wait3A_617 : memref<64xf32, #tpu.memory_space<vmem>>)
        %dma_wait3A_618 = arith.constant 448 : i32
        %dma_wait3A_619 = tpu.memref_slice %arg11[%dma_wait3A_618] : memref<512xf32, #tpu.memory_space<vmem>> -> memref<64xf32, #tpu.memory_space<vmem>>
        %dma_wait3A_620 = arith.constant 448 : i32
        %dma_wait3A_621 = tpu.memref_slice %arg11[%dma_wait3A_620] : memref<512xf32, #tpu.memory_space<vmem>> -> memref<64xf32, #tpu.memory_space<vmem>>
        tpu.wait_dma2 semaphore(%arg14 : memref<!tpu.dma_semaphore, #tpu.memory_space<semaphore_mem>>) src(%arg4 : memref<64xf32, #tpu.memory_space<hbm>>) dst(%dma_wait3A_621 : memref<64xf32, #tpu.memory_space<vmem>>)
      } else {
      }
      %gt3A_469 = arith.constant 0 : i32
      %gt3A_470 = arith.cmpi sgt, %scan3A_410, %gt3A_469 : i32
      %convert_element_type3A_471 = arith.extui %gt3A_470 : i1 to i32
      %cond3A_472 = arith.constant 0 : i32
      %cond3A_473 = arith.cmpi ne, %convert_element_type3A_471, %cond3A_472 : i32
      scf.if %cond3A_473 {
        %sub3A_590 = arith.constant 1 : i32
        %sub3A_591 = arith.subi %scan3A_410, %sub3A_590 : i32
        %mul3A_592 = arith.constant 8 : i32
        %mul3A_593 = arith.muli %sub3A_591, %mul3A_592 : i32
        %get3A_594 = arith.index_cast %mul3A_593 : i32 to index
        %get3A_595 = tpu.vector_load %arg8[%get3A_594] {strides = array<i32>} : memref<3344xi32, #tpu.memory_space<vmem>>, vector<16xi32>,
        %get3A_596 = arith.index_cast %mul3A_593 : i32 to index
        %get3A_597 = tpu.vector_load %arg9[%get3A_596] {strides = array<i32>} : memref<3344xi32, #tpu.memory_space<vmem>>, vector<16xi32>,
        %slice3A_598 = vector.extract_strided_slice %get3A_595 {offsets = [0], sizes = [1], strides = [1]} : vector<16xi32> to vector<1xi32>
        %squeeze3A_599 = vector.extract %slice3A_598[0] : i32 from vector<1xi32>
        %slice3A_600 = vector.extract_strided_slice %get3A_597 {offsets = [0], sizes = [1], strides = [1]} : vector<16xi32> to vector<1xi32>
        %squeeze3A_601 = vector.extract %slice3A_600[0] : i32 from vector<1xi32>
        %shift_right_logical3A_602 = arith.constant 7 : i32
        %shift_right_logical3A_603 = arith.shrui %squeeze3A_599, %shift_right_logical3A_602 : i32
        %and3A_604 = arith.constant 127 : i32
        %and3A_605 = arith.andi %squeeze3A_599, %and3A_604 : i32
        %gt3A_606 = arith.cmpi sgt, %shift_right_logical3A_603, %scan3A_413 : i32
        %lt3A_607 = arith.constant 20312 : i32
        %lt3A_608 = arith.cmpi slt, %shift_right_logical3A_603, %lt3A_607 : i32
        %and3A_609 = arith.andi %gt3A_606, %lt3A_608 : i1
        %convert_element_type3A_610 = arith.extui %and3A_609 : i1 to i32
        %add3A_611 = arith.addi %scan3A_414, %convert_element_type3A_610 : i32
        %max3A_612 = arith.maxsi %scan3A_413, %shift_right_logical3A_603 : i32
        %sub3A_613 = arith.constant 1 : i32
        %sub3A_614 = arith.subi %add3A_611, %sub3A_613 : i32
        %and3A_615 = arith.constant 7 : i32
        %and3A_616 = arith.andi %sub3A_614, %and3A_615 : i32
        %ge3A_617 = arith.constant 2599936 : i32
        %ge3A_618 = arith.cmpi sge, %squeeze3A_599, %ge3A_617 : i32
        %not3A_619 = arith.constant true
        %not3A_620 = arith.xori %ge3A_618, %not3A_619 : i1
        %convert_element_type3A_621 = arith.extui %not3A_620 : i1 to i32
        %cond3A_622 = arith.constant 0 : i32
        %cond3A_623 = arith.cmpi ne, %convert_element_type3A_621, %cond3A_622 : i32
        scf.if %cond3A_623 {
          %mul3A_894 = arith.constant 64 : i32
          %mul3A_895 = arith.muli %and3A_616, %mul3A_894 : i32
          %broadcast_in_dim3A = vector.broadcast %mul3A_895 : i32 to vector<16xi32>
          %add3A_896 = arith.addi %broadcast_in_dim3A, %iota3A : vector<16xi32>
          %broadcast_in_dim3A_897 = vector.broadcast %and3A_605 : i32 to vector<16xi32>
          %add3A_898 = arith.constant 0 : i32
          %add3A_899 = vector.broadcast %add3A_898 : i32 to vector<16xi32>
          %add3A_900 = arith.addi %add3A_896, %add3A_899 : vector<16xi32>
          %gather3A = tpu.vector_load_idx %arg10[%add3A_900, %broadcast_in_dim3A_897] : memref<512x128xf32, #tpu.memory_space<vmem>>[vector<16xi32>, vector<16xi32>], vector<16xf32>,
          %swap3A = arith.constant 0 : index
          %swap3A_901 = tpu.vector_load %arg11[%swap3A] {strides = array<i32>} : memref<512xf32, #tpu.memory_space<vmem>>, vector<16xf32>,
          tpu.vector_store %arg11[%swap3A], %gather3A {strides = array<i32>} : memref<512xf32, #tpu.memory_space<vmem>>, vector<16xf32>,
          %add3A_902 = arith.constant 16 : i32
          %add3A_903 = vector.broadcast %add3A_902 : i32 to vector<16xi32>
          %add3A_904 = arith.addi %add3A_896, %add3A_903 : vector<16xi32>
          %gather3A_905 = tpu.vector_load_idx %arg10[%add3A_904, %broadcast_in_dim3A_897] : memref<512x128xf32, #tpu.memory_space<vmem>>[vector<16xi32>, vector<16xi32>], vector<16xf32>,
          %swap3A_906 = arith.constant 16 : index
          %swap3A_907 = tpu.vector_load %arg11[%swap3A_906] {strides = array<i32>} : memref<512xf32, #tpu.memory_space<vmem>>, vector<16xf32>,
          tpu.vector_store %arg11[%swap3A_906], %gather3A_905 {strides = array<i32>} : memref<512xf32, #tpu.memory_space<vmem>>, vector<16xf32>,
          %add3A_908 = arith.constant 32 : i32
          %add3A_909 = vector.broadcast %add3A_908 : i32 to vector<16xi32>
          %add3A_910 = arith.addi %add3A_896, %add3A_909 : vector<16xi32>
          %gather3A_911 = tpu.vector_load_idx %arg10[%add3A_910, %broadcast_in_dim3A_897] : memref<512x128xf32, #tpu.memory_space<vmem>>[vector<16xi32>, vector<16xi32>], vector<16xf32>,
          %swap3A_912 = arith.constant 32 : index
          %swap3A_913 = tpu.vector_load %arg11[%swap3A_912] {strides = array<i32>} : memref<512xf32, #tpu.memory_space<vmem>>, vector<16xf32>,
          tpu.vector_store %arg11[%swap3A_912], %gather3A_911 {strides = array<i32>} : memref<512xf32, #tpu.memory_space<vmem>>, vector<16xf32>,
          %add3A_914 = arith.constant 48 : i32
          %add3A_915 = vector.broadcast %add3A_914 : i32 to vector<16xi32>
          %add3A_916 = arith.addi %add3A_896, %add3A_915 : vector<16xi32>
          %gather3A_917 = tpu.vector_load_idx %arg10[%add3A_916, %broadcast_in_dim3A_897] : memref<512x128xf32, #tpu.memory_space<vmem>>[vector<16xi32>, vector<16xi32>], vector<16xf32>,
          %swap3A_918 = arith.constant 48 : index
          %swap3A_919 = tpu.vector_load %arg11[%swap3A_918] {strides = array<i32>} : memref<512xf32, #tpu.memory_space<vmem>>, vector<16xf32>,
          tpu.vector_store %arg11[%swap3A_918], %gather3A_917 {strides = array<i32>} : memref<512xf32, #tpu.memory_space<vmem>>, vector<16xf32>,
        } else {
        }
        %convert_element_type3A_624 = arith.extui %ge3A_618 : i1 to i32
        %cond3A_625 = arith.constant 0 : i32
        %cond3A_626 = arith.cmpi ne, %convert_element_type3A_624, %cond3A_625 : i32
        scf.if %cond3A_626 {
          %sub3A_894 = arith.constant 2599936 : i32
          %sub3A_895 = arith.subi %squeeze3A_599, %sub3A_894 : i32
          %broadcast_in_dim3A = vector.broadcast %sub3A_895 : i32 to vector<16xi32>
          %add3A_896 = arith.constant 0 : i32
          %add3A_897 = vector.broadcast %add3A_896 : i32 to vector<16xi32>
          %add3A_898 = arith.addi %iota3A, %add3A_897 : vector<16xi32>
          %gather3A = tpu.vector_load_idx %arg12[%add3A_898, %broadcast_in_dim3A] : memref<64x64xf32, #tpu.memory_space<vmem>>[vector<16xi32>, vector<16xi32>], vector<16xf32>,
          %swap3A = arith.constant 0 : index
          %swap3A_899 = tpu.vector_load %arg11[%swap3A] {strides = array<i32>} : memref<512xf32, #tpu.memory_space<vmem>>, vector<16xf32>,
          tpu.vector_store %arg11[%swap3A], %gather3A {strides = array<i32>} : memref<512xf32, #tpu.memory_space<vmem>>, vector<16xf32>,
          %add3A_900 = arith.constant 16 : i32
          %add3A_901 = vector.broadcast %add3A_900 : i32 to vector<16xi32>
          %add3A_902 = arith.addi %iota3A, %add3A_901 : vector<16xi32>
          %gather3A_903 = tpu.vector_load_idx %arg12[%add3A_902, %broadcast_in_dim3A] : memref<64x64xf32, #tpu.memory_space<vmem>>[vector<16xi32>, vector<16xi32>], vector<16xf32>,
          %swap3A_904 = arith.constant 16 : index
          %swap3A_905 = tpu.vector_load %arg11[%swap3A_904] {strides = array<i32>} : memref<512xf32, #tpu.memory_space<vmem>>, vector<16xf32>,
          tpu.vector_store %arg11[%swap3A_904], %gather3A_903 {strides = array<i32>} : memref<512xf32, #tpu.memory_space<vmem>>, vector<16xf32>,
          %add3A_906 = arith.constant 32 : i32
          %add3A_907 = vector.broadcast %add3A_906 : i32 to vector<16xi32>
          %add3A_908 = arith.addi %iota3A, %add3A_907 : vector<16xi32>
          %gather3A_909 = tpu.vector_load_idx %arg12[%add3A_908, %broadcast_in_dim3A] : memref<64x64xf32, #tpu.memory_space<vmem>>[vector<16xi32>, vector<16xi32>], vector<16xf32>,
          %swap3A_910 = arith.constant 32 : index
          %swap3A_911 = tpu.vector_load %arg11[%swap3A_910] {strides = array<i32>} : memref<512xf32, #tpu.memory_space<vmem>>, vector<16xf32>,
          tpu.vector_store %arg11[%swap3A_910], %gather3A_909 {strides = array<i32>} : memref<512xf32, #tpu.memory_space<vmem>>, vector<16xf32>,
          %add3A_912 = arith.constant 48 : i32
          %add3A_913 = vector.broadcast %add3A_912 : i32 to vector<16xi32>
          %add3A_914 = arith.addi %iota3A, %add3A_913 : vector<16xi32>
          %gather3A_915 = tpu.vector_load_idx %arg12[%add3A_914, %broadcast_in_dim3A] : memref<64x64xf32, #tpu.memory_space<vmem>>[vector<16xi32>, vector<16xi32>], vector<16xf32>,
          %swap3A_916 = arith.constant 48 : index
          %swap3A_917 = tpu.vector_load %arg11[%swap3A_916] {strides = array<i32>} : memref<512xf32, #tpu.memory_space<vmem>>, vector<16xf32>,
          tpu.vector_store %arg11[%swap3A_916], %gather3A_915 {strides = array<i32>} : memref<512xf32, #tpu.memory_space<vmem>>, vector<16xf32>,
        } else {
        }
        %mul3A_627 = arith.constant 64 : i32
        %mul3A_628 = arith.muli %squeeze3A_601, %mul3A_627 : i32
        %dma_start3A_629 = arith.constant 0 : i32
        %dma_start3A_630 = tpu.memref_slice %arg11[%dma_start3A_629] : memref<512xf32, #tpu.memory_space<vmem>> -> memref<64xf32, #tpu.memory_space<vmem>>
        %dma_start3A_631 = tpu.memref_slice %arg7[%mul3A_628] : memref<6815744xf32, #tpu.memory_space<hbm>> -> memref<64xf32, #tpu.memory_space<hbm>>
        %dma_start3A_632 = tpu.memref_slice %arg7[%mul3A_628] : memref<6815744xf32, #tpu.memory_space<hbm>> -> memref<64xf32, #tpu.memory_space<hbm>>
        %dma_start3A_633 = arith.constant 0 : i32
        %dma_start3A_634 = tpu.memref_slice %arg11[%dma_start3A_633] : memref<512xf32, #tpu.memory_space<vmem>> -> memref<64xf32, #tpu.memory_space<vmem>>
        tpu.enqueue_dma source(%dma_start3A_634 : memref<64xf32, #tpu.memory_space<vmem>>) target(%dma_start3A_632 : memref<64xf32, #tpu.memory_space<hbm>>) target_semaphore(%arg14 : memref<!tpu.dma_semaphore, #tpu.memory_space<semaphore_mem>>)
        %slice3A_635 = vector.extract_strided_slice %get3A_595 {offsets = [1], sizes = [1], strides = [1]} : vector<16xi32> to vector<1xi32>
        %squeeze3A_636 = vector.extract %slice3A_635[0] : i32 from vector<1xi32>
        %slice3A_637 = vector.extract_strided_slice %get3A_597 {offsets = [1], sizes = [1], strides = [1]} : vector<16xi32> to vector<1xi32>
        %squeeze3A_638 = vector.extract %slice3A_637[0] : i32 from vector<1xi32>
        %shift_right_logical3A_639 = arith.constant 7 : i32
        %shift_right_logical3A_640 = arith.shrui %squeeze3A_636, %shift_right_logical3A_639 : i32
        %and3A_641 = arith.constant 127 : i32
        %and3A_642 = arith.andi %squeeze3A_636, %and3A_641 : i32
        %gt3A_643 = arith.cmpi sgt, %shift_right_logical3A_640, %max3A_612 : i32
        %lt3A_644 = arith.constant 20312 : i32
        %lt3A_645 = arith.cmpi slt, %shift_right_logical3A_640, %lt3A_644 : i32
        %and3A_646 = arith.andi %gt3A_643, %lt3A_645 : i1
        %convert_element_type3A_647 = arith.extui %and3A_646 : i1 to i32
        %add3A_648 = arith.addi %add3A_611, %convert_element_type3A_647 : i32
        %max3A_649 = arith.maxsi %max3A_612, %shift_right_logical3A_640 : i32
        %sub3A_650 = arith.constant 1 : i32
        %sub3A_651 = arith.subi %add3A_648, %sub3A_650 : i32
        %and3A_652 = arith.constant 7 : i32
        %and3A_653 = arith.andi %sub3A_651, %and3A_652 : i32
        %ge3A_654 = arith.constant 2599936 : i32
        %ge3A_655 = arith.cmpi sge, %squeeze3A_636, %ge3A_654 : i32
        %not3A_656 = arith.constant true
        %not3A_657 = arith.xori %ge3A_655, %not3A_656 : i1
        %convert_element_type3A_658 = arith.extui %not3A_657 : i1 to i32
        %cond3A_659 = arith.constant 0 : i32
        %cond3A_660 = arith.cmpi ne, %convert_element_type3A_658, %cond3A_659 : i32
        scf.if %cond3A_660 {
          %mul3A_894 = arith.constant 64 : i32
          %mul3A_895 = arith.muli %and3A_653, %mul3A_894 : i32
          %broadcast_in_dim3A = vector.broadcast %mul3A_895 : i32 to vector<16xi32>
          %add3A_896 = arith.addi %broadcast_in_dim3A, %iota3A : vector<16xi32>
          %broadcast_in_dim3A_897 = vector.broadcast %and3A_642 : i32 to vector<16xi32>
          %add3A_898 = arith.constant 0 : i32
          %add3A_899 = vector.broadcast %add3A_898 : i32 to vector<16xi32>
          %add3A_900 = arith.addi %add3A_896, %add3A_899 : vector<16xi32>
          %gather3A = tpu.vector_load_idx %arg10[%add3A_900, %broadcast_in_dim3A_897] : memref<512x128xf32, #tpu.memory_space<vmem>>[vector<16xi32>, vector<16xi32>], vector<16xf32>,
          %swap3A = arith.constant 64 : index
          %swap3A_901 = tpu.vector_load %arg11[%swap3A] {strides = array<i32>} : memref<512xf32, #tpu.memory_space<vmem>>, vector<16xf32>,
          tpu.vector_store %arg11[%swap3A], %gather3A {strides = array<i32>} : memref<512xf32, #tpu.memory_space<vmem>>, vector<16xf32>,
          %add3A_902 = arith.constant 16 : i32
          %add3A_903 = vector.broadcast %add3A_902 : i32 to vector<16xi32>
          %add3A_904 = arith.addi %add3A_896, %add3A_903 : vector<16xi32>
          %gather3A_905 = tpu.vector_load_idx %arg10[%add3A_904, %broadcast_in_dim3A_897] : memref<512x128xf32, #tpu.memory_space<vmem>>[vector<16xi32>, vector<16xi32>], vector<16xf32>,
          %swap3A_906 = arith.constant 80 : index
          %swap3A_907 = tpu.vector_load %arg11[%swap3A_906] {strides = array<i32>} : memref<512xf32, #tpu.memory_space<vmem>>, vector<16xf32>,
          tpu.vector_store %arg11[%swap3A_906], %gather3A_905 {strides = array<i32>} : memref<512xf32, #tpu.memory_space<vmem>>, vector<16xf32>,
          %add3A_908 = arith.constant 32 : i32
          %add3A_909 = vector.broadcast %add3A_908 : i32 to vector<16xi32>
          %add3A_910 = arith.addi %add3A_896, %add3A_909 : vector<16xi32>
          %gather3A_911 = tpu.vector_load_idx %arg10[%add3A_910, %broadcast_in_dim3A_897] : memref<512x128xf32, #tpu.memory_space<vmem>>[vector<16xi32>, vector<16xi32>], vector<16xf32>,
          %swap3A_912 = arith.constant 96 : index
          %swap3A_913 = tpu.vector_load %arg11[%swap3A_912] {strides = array<i32>} : memref<512xf32, #tpu.memory_space<vmem>>, vector<16xf32>,
          tpu.vector_store %arg11[%swap3A_912], %gather3A_911 {strides = array<i32>} : memref<512xf32, #tpu.memory_space<vmem>>, vector<16xf32>,
          %add3A_914 = arith.constant 48 : i32
          %add3A_915 = vector.broadcast %add3A_914 : i32 to vector<16xi32>
          %add3A_916 = arith.addi %add3A_896, %add3A_915 : vector<16xi32>
          %gather3A_917 = tpu.vector_load_idx %arg10[%add3A_916, %broadcast_in_dim3A_897] : memref<512x128xf32, #tpu.memory_space<vmem>>[vector<16xi32>, vector<16xi32>], vector<16xf32>,
          %swap3A_918 = arith.constant 112 : index
          %swap3A_919 = tpu.vector_load %arg11[%swap3A_918] {strides = array<i32>} : memref<512xf32, #tpu.memory_space<vmem>>, vector<16xf32>,
          tpu.vector_store %arg11[%swap3A_918], %gather3A_917 {strides = array<i32>} : memref<512xf32, #tpu.memory_space<vmem>>, vector<16xf32>,
        } else {
        }
        %convert_element_type3A_661 = arith.extui %ge3A_655 : i1 to i32
        %cond3A_662 = arith.constant 0 : i32
        %cond3A_663 = arith.cmpi ne, %convert_element_type3A_661, %cond3A_662 : i32
        scf.if %cond3A_663 {
          %sub3A_894 = arith.constant 2599936 : i32
          %sub3A_895 = arith.subi %squeeze3A_636, %sub3A_894 : i32
          %broadcast_in_dim3A = vector.broadcast %sub3A_895 : i32 to vector<16xi32>
          %add3A_896 = arith.constant 0 : i32
          %add3A_897 = vector.broadcast %add3A_896 : i32 to vector<16xi32>
          %add3A_898 = arith.addi %iota3A, %add3A_897 : vector<16xi32>
          %gather3A = tpu.vector_load_idx %arg12[%add3A_898, %broadcast_in_dim3A] : memref<64x64xf32, #tpu.memory_space<vmem>>[vector<16xi32>, vector<16xi32>], vector<16xf32>,
          %swap3A = arith.constant 64 : index
          %swap3A_899 = tpu.vector_load %arg11[%swap3A] {strides = array<i32>} : memref<512xf32, #tpu.memory_space<vmem>>, vector<16xf32>,
          tpu.vector_store %arg11[%swap3A], %gather3A {strides = array<i32>} : memref<512xf32, #tpu.memory_space<vmem>>, vector<16xf32>,
          %add3A_900 = arith.constant 16 : i32
          %add3A_901 = vector.broadcast %add3A_900 : i32 to vector<16xi32>
          %add3A_902 = arith.addi %iota3A, %add3A_901 : vector<16xi32>
          %gather3A_903 = tpu.vector_load_idx %arg12[%add3A_902, %broadcast_in_dim3A] : memref<64x64xf32, #tpu.memory_space<vmem>>[vector<16xi32>, vector<16xi32>], vector<16xf32>,
          %swap3A_904 = arith.constant 80 : index
          %swap3A_905 = tpu.vector_load %arg11[%swap3A_904] {strides = array<i32>} : memref<512xf32, #tpu.memory_space<vmem>>, vector<16xf32>,
          tpu.vector_store %arg11[%swap3A_904], %gather3A_903 {strides = array<i32>} : memref<512xf32, #tpu.memory_space<vmem>>, vector<16xf32>,
          %add3A_906 = arith.constant 32 : i32
          %add3A_907 = vector.broadcast %add3A_906 : i32 to vector<16xi32>
          %add3A_908 = arith.addi %iota3A, %add3A_907 : vector<16xi32>
          %gather3A_909 = tpu.vector_load_idx %arg12[%add3A_908, %broadcast_in_dim3A] : memref<64x64xf32, #tpu.memory_space<vmem>>[vector<16xi32>, vector<16xi32>], vector<16xf32>,
          %swap3A_910 = arith.constant 96 : index
          %swap3A_911 = tpu.vector_load %arg11[%swap3A_910] {strides = array<i32>} : memref<512xf32, #tpu.memory_space<vmem>>, vector<16xf32>,
          tpu.vector_store %arg11[%swap3A_910], %gather3A_909 {strides = array<i32>} : memref<512xf32, #tpu.memory_space<vmem>>, vector<16xf32>,
          %add3A_912 = arith.constant 48 : i32
          %add3A_913 = vector.broadcast %add3A_912 : i32 to vector<16xi32>
          %add3A_914 = arith.addi %iota3A, %add3A_913 : vector<16xi32>
          %gather3A_915 = tpu.vector_load_idx %arg12[%add3A_914, %broadcast_in_dim3A] : memref<64x64xf32, #tpu.memory_space<vmem>>[vector<16xi32>, vector<16xi32>], vector<16xf32>,
          %swap3A_916 = arith.constant 112 : index
          %swap3A_917 = tpu.vector_load %arg11[%swap3A_916] {strides = array<i32>} : memref<512xf32, #tpu.memory_space<vmem>>, vector<16xf32>,
          tpu.vector_store %arg11[%swap3A_916], %gather3A_915 {strides = array<i32>} : memref<512xf32, #tpu.memory_space<vmem>>, vector<16xf32>,
        } else {
        }
        %mul3A_664 = arith.constant 64 : i32
        %mul3A_665 = arith.muli %squeeze3A_638, %mul3A_664 : i32
        %dma_start3A_666 = arith.constant 64 : i32
        %dma_start3A_667 = tpu.memref_slice %arg11[%dma_start3A_666] : memref<512xf32, #tpu.memory_space<vmem>> -> memref<64xf32, #tpu.memory_space<vmem>>
        %dma_start3A_668 = tpu.memref_slice %arg7[%mul3A_665] : memref<6815744xf32, #tpu.memory_space<hbm>> -> memref<64xf32, #tpu.memory_space<hbm>>
        %dma_start3A_669 = tpu.memref_slice %arg7[%mul3A_665] : memref<6815744xf32, #tpu.memory_space<hbm>> -> memref<64xf32, #tpu.memory_space<hbm>>
        %dma_start3A_670 = arith.constant 64 : i32
        %dma_start3A_671 = tpu.memref_slice %arg11[%dma_start3A_670] : memref<512xf32, #tpu.memory_space<vmem>> -> memref<64xf32, #tpu.memory_space<vmem>>
        tpu.enqueue_dma source(%dma_start3A_671 : memref<64xf32, #tpu.memory_space<vmem>>) target(%dma_start3A_669 : memref<64xf32, #tpu.memory_space<hbm>>) target_semaphore(%arg14 : memref<!tpu.dma_semaphore, #tpu.memory_space<semaphore_mem>>)
        %slice3A_672 = vector.extract_strided_slice %get3A_595 {offsets = [2], sizes = [1], strides = [1]} : vector<16xi32> to vector<1xi32>
        %squeeze3A_673 = vector.extract %slice3A_672[0] : i32 from vector<1xi32>
        %slice3A_674 = vector.extract_strided_slice %get3A_597 {offsets = [2], sizes = [1], strides = [1]} : vector<16xi32> to vector<1xi32>
        %squeeze3A_675 = vector.extract %slice3A_674[0] : i32 from vector<1xi32>
        %shift_right_logical3A_676 = arith.constant 7 : i32
        %shift_right_logical3A_677 = arith.shrui %squeeze3A_673, %shift_right_logical3A_676 : i32
        %and3A_678 = arith.constant 127 : i32
        %and3A_679 = arith.andi %squeeze3A_673, %and3A_678 : i32
        %gt3A_680 = arith.cmpi sgt, %shift_right_logical3A_677, %max3A_649 : i32
        %lt3A_681 = arith.constant 20312 : i32
        %lt3A_682 = arith.cmpi slt, %shift_right_logical3A_677, %lt3A_681 : i32
        %and3A_683 = arith.andi %gt3A_680, %lt3A_682 : i1
        %convert_element_type3A_684 = arith.extui %and3A_683 : i1 to i32
        %add3A_685 = arith.addi %add3A_648, %convert_element_type3A_684 : i32
        %max3A_686 = arith.maxsi %max3A_649, %shift_right_logical3A_677 : i32
        %sub3A_687 = arith.constant 1 : i32
        %sub3A_688 = arith.subi %add3A_685, %sub3A_687 : i32
        %and3A_689 = arith.constant 7 : i32
        %and3A_690 = arith.andi %sub3A_688, %and3A_689 : i32
        %ge3A_691 = arith.constant 2599936 : i32
        %ge3A_692 = arith.cmpi sge, %squeeze3A_673, %ge3A_691 : i32
        %not3A_693 = arith.constant true
        %not3A_694 = arith.xori %ge3A_692, %not3A_693 : i1
        %convert_element_type3A_695 = arith.extui %not3A_694 : i1 to i32
        %cond3A_696 = arith.constant 0 : i32
        %cond3A_697 = arith.cmpi ne, %convert_element_type3A_695, %cond3A_696 : i32
        scf.if %cond3A_697 {
          %mul3A_894 = arith.constant 64 : i32
          %mul3A_895 = arith.muli %and3A_690, %mul3A_894 : i32
          %broadcast_in_dim3A = vector.broadcast %mul3A_895 : i32 to vector<16xi32>
          %add3A_896 = arith.addi %broadcast_in_dim3A, %iota3A : vector<16xi32>
          %broadcast_in_dim3A_897 = vector.broadcast %and3A_679 : i32 to vector<16xi32>
          %add3A_898 = arith.constant 0 : i32
          %add3A_899 = vector.broadcast %add3A_898 : i32 to vector<16xi32>
          %add3A_900 = arith.addi %add3A_896, %add3A_899 : vector<16xi32>
          %gather3A = tpu.vector_load_idx %arg10[%add3A_900, %broadcast_in_dim3A_897] : memref<512x128xf32, #tpu.memory_space<vmem>>[vector<16xi32>, vector<16xi32>], vector<16xf32>,
          %swap3A = arith.constant 128 : index
          %swap3A_901 = tpu.vector_load %arg11[%swap3A] {strides = array<i32>} : memref<512xf32, #tpu.memory_space<vmem>>, vector<16xf32>,
          tpu.vector_store %arg11[%swap3A], %gather3A {strides = array<i32>} : memref<512xf32, #tpu.memory_space<vmem>>, vector<16xf32>,
          %add3A_902 = arith.constant 16 : i32
          %add3A_903 = vector.broadcast %add3A_902 : i32 to vector<16xi32>
          %add3A_904 = arith.addi %add3A_896, %add3A_903 : vector<16xi32>
          %gather3A_905 = tpu.vector_load_idx %arg10[%add3A_904, %broadcast_in_dim3A_897] : memref<512x128xf32, #tpu.memory_space<vmem>>[vector<16xi32>, vector<16xi32>], vector<16xf32>,
          %swap3A_906 = arith.constant 144 : index
          %swap3A_907 = tpu.vector_load %arg11[%swap3A_906] {strides = array<i32>} : memref<512xf32, #tpu.memory_space<vmem>>, vector<16xf32>,
          tpu.vector_store %arg11[%swap3A_906], %gather3A_905 {strides = array<i32>} : memref<512xf32, #tpu.memory_space<vmem>>, vector<16xf32>,
          %add3A_908 = arith.constant 32 : i32
          %add3A_909 = vector.broadcast %add3A_908 : i32 to vector<16xi32>
          %add3A_910 = arith.addi %add3A_896, %add3A_909 : vector<16xi32>
          %gather3A_911 = tpu.vector_load_idx %arg10[%add3A_910, %broadcast_in_dim3A_897] : memref<512x128xf32, #tpu.memory_space<vmem>>[vector<16xi32>, vector<16xi32>], vector<16xf32>,
          %swap3A_912 = arith.constant 160 : index
          %swap3A_913 = tpu.vector_load %arg11[%swap3A_912] {strides = array<i32>} : memref<512xf32, #tpu.memory_space<vmem>>, vector<16xf32>,
          tpu.vector_store %arg11[%swap3A_912], %gather3A_911 {strides = array<i32>} : memref<512xf32, #tpu.memory_space<vmem>>, vector<16xf32>,
          %add3A_914 = arith.constant 48 : i32
          %add3A_915 = vector.broadcast %add3A_914 : i32 to vector<16xi32>
          %add3A_916 = arith.addi %add3A_896, %add3A_915 : vector<16xi32>
          %gather3A_917 = tpu.vector_load_idx %arg10[%add3A_916, %broadcast_in_dim3A_897] : memref<512x128xf32, #tpu.memory_space<vmem>>[vector<16xi32>, vector<16xi32>], vector<16xf32>,
          %swap3A_918 = arith.constant 176 : index
          %swap3A_919 = tpu.vector_load %arg11[%swap3A_918] {strides = array<i32>} : memref<512xf32, #tpu.memory_space<vmem>>, vector<16xf32>,
          tpu.vector_store %arg11[%swap3A_918], %gather3A_917 {strides = array<i32>} : memref<512xf32, #tpu.memory_space<vmem>>, vector<16xf32>,
        } else {
        }
        %convert_element_type3A_698 = arith.extui %ge3A_692 : i1 to i32
        %cond3A_699 = arith.constant 0 : i32
        %cond3A_700 = arith.cmpi ne, %convert_element_type3A_698, %cond3A_699 : i32
        scf.if %cond3A_700 {
          %sub3A_894 = arith.constant 2599936 : i32
          %sub3A_895 = arith.subi %squeeze3A_673, %sub3A_894 : i32
          %broadcast_in_dim3A = vector.broadcast %sub3A_895 : i32 to vector<16xi32>
          %add3A_896 = arith.constant 0 : i32
          %add3A_897 = vector.broadcast %add3A_896 : i32 to vector<16xi32>
          %add3A_898 = arith.addi %iota3A, %add3A_897 : vector<16xi32>
          %gather3A = tpu.vector_load_idx %arg12[%add3A_898, %broadcast_in_dim3A] : memref<64x64xf32, #tpu.memory_space<vmem>>[vector<16xi32>, vector<16xi32>], vector<16xf32>,
          %swap3A = arith.constant 128 : index
          %swap3A_899 = tpu.vector_load %arg11[%swap3A] {strides = array<i32>} : memref<512xf32, #tpu.memory_space<vmem>>, vector<16xf32>,
          tpu.vector_store %arg11[%swap3A], %gather3A {strides = array<i32>} : memref<512xf32, #tpu.memory_space<vmem>>, vector<16xf32>,
          %add3A_900 = arith.constant 16 : i32
          %add3A_901 = vector.broadcast %add3A_900 : i32 to vector<16xi32>
          %add3A_902 = arith.addi %iota3A, %add3A_901 : vector<16xi32>
          %gather3A_903 = tpu.vector_load_idx %arg12[%add3A_902, %broadcast_in_dim3A] : memref<64x64xf32, #tpu.memory_space<vmem>>[vector<16xi32>, vector<16xi32>], vector<16xf32>,
          %swap3A_904 = arith.constant 144 : index
          %swap3A_905 = tpu.vector_load %arg11[%swap3A_904] {strides = array<i32>} : memref<512xf32, #tpu.memory_space<vmem>>, vector<16xf32>,
          tpu.vector_store %arg11[%swap3A_904], %gather3A_903 {strides = array<i32>} : memref<512xf32, #tpu.memory_space<vmem>>, vector<16xf32>,
          %add3A_906 = arith.constant 32 : i32
          %add3A_907 = vector.broadcast %add3A_906 : i32 to vector<16xi32>
          %add3A_908 = arith.addi %iota3A, %add3A_907 : vector<16xi32>
          %gather3A_909 = tpu.vector_load_idx %arg12[%add3A_908, %broadcast_in_dim3A] : memref<64x64xf32, #tpu.memory_space<vmem>>[vector<16xi32>, vector<16xi32>], vector<16xf32>,
          %swap3A_910 = arith.constant 160 : index
          %swap3A_911 = tpu.vector_load %arg11[%swap3A_910] {strides = array<i32>} : memref<512xf32, #tpu.memory_space<vmem>>, vector<16xf32>,
          tpu.vector_store %arg11[%swap3A_910], %gather3A_909 {strides = array<i32>} : memref<512xf32, #tpu.memory_space<vmem>>, vector<16xf32>,
          %add3A_912 = arith.constant 48 : i32
          %add3A_913 = vector.broadcast %add3A_912 : i32 to vector<16xi32>
          %add3A_914 = arith.addi %iota3A, %add3A_913 : vector<16xi32>
          %gather3A_915 = tpu.vector_load_idx %arg12[%add3A_914, %broadcast_in_dim3A] : memref<64x64xf32, #tpu.memory_space<vmem>>[vector<16xi32>, vector<16xi32>], vector<16xf32>,
          %swap3A_916 = arith.constant 176 : index
          %swap3A_917 = tpu.vector_load %arg11[%swap3A_916] {strides = array<i32>} : memref<512xf32, #tpu.memory_space<vmem>>, vector<16xf32>,
          tpu.vector_store %arg11[%swap3A_916], %gather3A_915 {strides = array<i32>} : memref<512xf32, #tpu.memory_space<vmem>>, vector<16xf32>,
        } else {
        }
        %mul3A_701 = arith.constant 64 : i32
        %mul3A_702 = arith.muli %squeeze3A_675, %mul3A_701 : i32
        %dma_start3A_703 = arith.constant 128 : i32
        %dma_start3A_704 = tpu.memref_slice %arg11[%dma_start3A_703] : memref<512xf32, #tpu.memory_space<vmem>> -> memref<64xf32, #tpu.memory_space<vmem>>
        %dma_start3A_705 = tpu.memref_slice %arg7[%mul3A_702] : memref<6815744xf32, #tpu.memory_space<hbm>> -> memref<64xf32, #tpu.memory_space<hbm>>
        %dma_start3A_706 = tpu.memref_slice %arg7[%mul3A_702] : memref<6815744xf32, #tpu.memory_space<hbm>> -> memref<64xf32, #tpu.memory_space<hbm>>
        %dma_start3A_707 = arith.constant 128 : i32
        %dma_start3A_708 = tpu.memref_slice %arg11[%dma_start3A_707] : memref<512xf32, #tpu.memory_space<vmem>> -> memref<64xf32, #tpu.memory_space<vmem>>
        tpu.enqueue_dma source(%dma_start3A_708 : memref<64xf32, #tpu.memory_space<vmem>>) target(%dma_start3A_706 : memref<64xf32, #tpu.memory_space<hbm>>) target_semaphore(%arg14 : memref<!tpu.dma_semaphore, #tpu.memory_space<semaphore_mem>>)
        %slice3A_709 = vector.extract_strided_slice %get3A_595 {offsets = [3], sizes = [1], strides = [1]} : vector<16xi32> to vector<1xi32>
        %squeeze3A_710 = vector.extract %slice3A_709[0] : i32 from vector<1xi32>
        %slice3A_711 = vector.extract_strided_slice %get3A_597 {offsets = [3], sizes = [1], strides = [1]} : vector<16xi32> to vector<1xi32>
        %squeeze3A_712 = vector.extract %slice3A_711[0] : i32 from vector<1xi32>
        %shift_right_logical3A_713 = arith.constant 7 : i32
        %shift_right_logical3A_714 = arith.shrui %squeeze3A_710, %shift_right_logical3A_713 : i32
        %and3A_715 = arith.constant 127 : i32
        %and3A_716 = arith.andi %squeeze3A_710, %and3A_715 : i32
        %gt3A_717 = arith.cmpi sgt, %shift_right_logical3A_714, %max3A_686 : i32
        %lt3A_718 = arith.constant 20312 : i32
        %lt3A_719 = arith.cmpi slt, %shift_right_logical3A_714, %lt3A_718 : i32
        %and3A_720 = arith.andi %gt3A_717, %lt3A_719 : i1
        %convert_element_type3A_721 = arith.extui %and3A_720 : i1 to i32
        %add3A_722 = arith.addi %add3A_685, %convert_element_type3A_721 : i32
        %max3A_723 = arith.maxsi %max3A_686, %shift_right_logical3A_714 : i32
        %sub3A_724 = arith.constant 1 : i32
        %sub3A_725 = arith.subi %add3A_722, %sub3A_724 : i32
        %and3A_726 = arith.constant 7 : i32
        %and3A_727 = arith.andi %sub3A_725, %and3A_726 : i32
        %ge3A_728 = arith.constant 2599936 : i32
        %ge3A_729 = arith.cmpi sge, %squeeze3A_710, %ge3A_728 : i32
        %not3A_730 = arith.constant true
        %not3A_731 = arith.xori %ge3A_729, %not3A_730 : i1
        %convert_element_type3A_732 = arith.extui %not3A_731 : i1 to i32
        %cond3A_733 = arith.constant 0 : i32
        %cond3A_734 = arith.cmpi ne, %convert_element_type3A_732, %cond3A_733 : i32
        scf.if %cond3A_734 {
          %mul3A_894 = arith.constant 64 : i32
          %mul3A_895 = arith.muli %and3A_727, %mul3A_894 : i32
          %broadcast_in_dim3A = vector.broadcast %mul3A_895 : i32 to vector<16xi32>
          %add3A_896 = arith.addi %broadcast_in_dim3A, %iota3A : vector<16xi32>
          %broadcast_in_dim3A_897 = vector.broadcast %and3A_716 : i32 to vector<16xi32>
          %add3A_898 = arith.constant 0 : i32
          %add3A_899 = vector.broadcast %add3A_898 : i32 to vector<16xi32>
          %add3A_900 = arith.addi %add3A_896, %add3A_899 : vector<16xi32>
          %gather3A = tpu.vector_load_idx %arg10[%add3A_900, %broadcast_in_dim3A_897] : memref<512x128xf32, #tpu.memory_space<vmem>>[vector<16xi32>, vector<16xi32>], vector<16xf32>,
          %swap3A = arith.constant 192 : index
          %swap3A_901 = tpu.vector_load %arg11[%swap3A] {strides = array<i32>} : memref<512xf32, #tpu.memory_space<vmem>>, vector<16xf32>,
          tpu.vector_store %arg11[%swap3A], %gather3A {strides = array<i32>} : memref<512xf32, #tpu.memory_space<vmem>>, vector<16xf32>,
          %add3A_902 = arith.constant 16 : i32
          %add3A_903 = vector.broadcast %add3A_902 : i32 to vector<16xi32>
          %add3A_904 = arith.addi %add3A_896, %add3A_903 : vector<16xi32>
          %gather3A_905 = tpu.vector_load_idx %arg10[%add3A_904, %broadcast_in_dim3A_897] : memref<512x128xf32, #tpu.memory_space<vmem>>[vector<16xi32>, vector<16xi32>], vector<16xf32>,
          %swap3A_906 = arith.constant 208 : index
          %swap3A_907 = tpu.vector_load %arg11[%swap3A_906] {strides = array<i32>} : memref<512xf32, #tpu.memory_space<vmem>>, vector<16xf32>,
          tpu.vector_store %arg11[%swap3A_906], %gather3A_905 {strides = array<i32>} : memref<512xf32, #tpu.memory_space<vmem>>, vector<16xf32>,
          %add3A_908 = arith.constant 32 : i32
          %add3A_909 = vector.broadcast %add3A_908 : i32 to vector<16xi32>
          %add3A_910 = arith.addi %add3A_896, %add3A_909 : vector<16xi32>
          %gather3A_911 = tpu.vector_load_idx %arg10[%add3A_910, %broadcast_in_dim3A_897] : memref<512x128xf32, #tpu.memory_space<vmem>>[vector<16xi32>, vector<16xi32>], vector<16xf32>,
          %swap3A_912 = arith.constant 224 : index
          %swap3A_913 = tpu.vector_load %arg11[%swap3A_912] {strides = array<i32>} : memref<512xf32, #tpu.memory_space<vmem>>, vector<16xf32>,
          tpu.vector_store %arg11[%swap3A_912], %gather3A_911 {strides = array<i32>} : memref<512xf32, #tpu.memory_space<vmem>>, vector<16xf32>,
          %add3A_914 = arith.constant 48 : i32
          %add3A_915 = vector.broadcast %add3A_914 : i32 to vector<16xi32>
          %add3A_916 = arith.addi %add3A_896, %add3A_915 : vector<16xi32>
          %gather3A_917 = tpu.vector_load_idx %arg10[%add3A_916, %broadcast_in_dim3A_897] : memref<512x128xf32, #tpu.memory_space<vmem>>[vector<16xi32>, vector<16xi32>], vector<16xf32>,
          %swap3A_918 = arith.constant 240 : index
          %swap3A_919 = tpu.vector_load %arg11[%swap3A_918] {strides = array<i32>} : memref<512xf32, #tpu.memory_space<vmem>>, vector<16xf32>,
          tpu.vector_store %arg11[%swap3A_918], %gather3A_917 {strides = array<i32>} : memref<512xf32, #tpu.memory_space<vmem>>, vector<16xf32>,
        } else {
        }
        %convert_element_type3A_735 = arith.extui %ge3A_729 : i1 to i32
        %cond3A_736 = arith.constant 0 : i32
        %cond3A_737 = arith.cmpi ne, %convert_element_type3A_735, %cond3A_736 : i32
        scf.if %cond3A_737 {
          %sub3A_894 = arith.constant 2599936 : i32
          %sub3A_895 = arith.subi %squeeze3A_710, %sub3A_894 : i32
          %broadcast_in_dim3A = vector.broadcast %sub3A_895 : i32 to vector<16xi32>
          %add3A_896 = arith.constant 0 : i32
          %add3A_897 = vector.broadcast %add3A_896 : i32 to vector<16xi32>
          %add3A_898 = arith.addi %iota3A, %add3A_897 : vector<16xi32>
          %gather3A = tpu.vector_load_idx %arg12[%add3A_898, %broadcast_in_dim3A] : memref<64x64xf32, #tpu.memory_space<vmem>>[vector<16xi32>, vector<16xi32>], vector<16xf32>,
          %swap3A = arith.constant 192 : index
          %swap3A_899 = tpu.vector_load %arg11[%swap3A] {strides = array<i32>} : memref<512xf32, #tpu.memory_space<vmem>>, vector<16xf32>,
          tpu.vector_store %arg11[%swap3A], %gather3A {strides = array<i32>} : memref<512xf32, #tpu.memory_space<vmem>>, vector<16xf32>,
          %add3A_900 = arith.constant 16 : i32
          %add3A_901 = vector.broadcast %add3A_900 : i32 to vector<16xi32>
          %add3A_902 = arith.addi %iota3A, %add3A_901 : vector<16xi32>
          %gather3A_903 = tpu.vector_load_idx %arg12[%add3A_902, %broadcast_in_dim3A] : memref<64x64xf32, #tpu.memory_space<vmem>>[vector<16xi32>, vector<16xi32>], vector<16xf32>,
          %swap3A_904 = arith.constant 208 : index
          %swap3A_905 = tpu.vector_load %arg11[%swap3A_904] {strides = array<i32>} : memref<512xf32, #tpu.memory_space<vmem>>, vector<16xf32>,
          tpu.vector_store %arg11[%swap3A_904], %gather3A_903 {strides = array<i32>} : memref<512xf32, #tpu.memory_space<vmem>>, vector<16xf32>,
          %add3A_906 = arith.constant 32 : i32
          %add3A_907 = vector.broadcast %add3A_906 : i32 to vector<16xi32>
          %add3A_908 = arith.addi %iota3A, %add3A_907 : vector<16xi32>
          %gather3A_909 = tpu.vector_load_idx %arg12[%add3A_908, %broadcast_in_dim3A] : memref<64x64xf32, #tpu.memory_space<vmem>>[vector<16xi32>, vector<16xi32>], vector<16xf32>,
          %swap3A_910 = arith.constant 224 : index
          %swap3A_911 = tpu.vector_load %arg11[%swap3A_910] {strides = array<i32>} : memref<512xf32, #tpu.memory_space<vmem>>, vector<16xf32>,
          tpu.vector_store %arg11[%swap3A_910], %gather3A_909 {strides = array<i32>} : memref<512xf32, #tpu.memory_space<vmem>>, vector<16xf32>,
          %add3A_912 = arith.constant 48 : i32
          %add3A_913 = vector.broadcast %add3A_912 : i32 to vector<16xi32>
          %add3A_914 = arith.addi %iota3A, %add3A_913 : vector<16xi32>
          %gather3A_915 = tpu.vector_load_idx %arg12[%add3A_914, %broadcast_in_dim3A] : memref<64x64xf32, #tpu.memory_space<vmem>>[vector<16xi32>, vector<16xi32>], vector<16xf32>,
          %swap3A_916 = arith.constant 240 : index
          %swap3A_917 = tpu.vector_load %arg11[%swap3A_916] {strides = array<i32>} : memref<512xf32, #tpu.memory_space<vmem>>, vector<16xf32>,
          tpu.vector_store %arg11[%swap3A_916], %gather3A_915 {strides = array<i32>} : memref<512xf32, #tpu.memory_space<vmem>>, vector<16xf32>,
        } else {
        }
        %mul3A_738 = arith.constant 64 : i32
        %mul3A_739 = arith.muli %squeeze3A_712, %mul3A_738 : i32
        %dma_start3A_740 = arith.constant 192 : i32
        %dma_start3A_741 = tpu.memref_slice %arg11[%dma_start3A_740] : memref<512xf32, #tpu.memory_space<vmem>> -> memref<64xf32, #tpu.memory_space<vmem>>
        %dma_start3A_742 = tpu.memref_slice %arg7[%mul3A_739] : memref<6815744xf32, #tpu.memory_space<hbm>> -> memref<64xf32, #tpu.memory_space<hbm>>
        %dma_start3A_743 = tpu.memref_slice %arg7[%mul3A_739] : memref<6815744xf32, #tpu.memory_space<hbm>> -> memref<64xf32, #tpu.memory_space<hbm>>
        %dma_start3A_744 = arith.constant 192 : i32
        %dma_start3A_745 = tpu.memref_slice %arg11[%dma_start3A_744] : memref<512xf32, #tpu.memory_space<vmem>> -> memref<64xf32, #tpu.memory_space<vmem>>
        tpu.enqueue_dma source(%dma_start3A_745 : memref<64xf32, #tpu.memory_space<vmem>>) target(%dma_start3A_743 : memref<64xf32, #tpu.memory_space<hbm>>) target_semaphore(%arg14 : memref<!tpu.dma_semaphore, #tpu.memory_space<semaphore_mem>>)
        %slice3A_746 = vector.extract_strided_slice %get3A_595 {offsets = [4], sizes = [1], strides = [1]} : vector<16xi32> to vector<1xi32>
        %squeeze3A_747 = vector.extract %slice3A_746[0] : i32 from vector<1xi32>
        %slice3A_748 = vector.extract_strided_slice %get3A_597 {offsets = [4], sizes = [1], strides = [1]} : vector<16xi32> to vector<1xi32>
        %squeeze3A_749 = vector.extract %slice3A_748[0] : i32 from vector<1xi32>
        %shift_right_logical3A_750 = arith.constant 7 : i32
        %shift_right_logical3A_751 = arith.shrui %squeeze3A_747, %shift_right_logical3A_750 : i32
        %and3A_752 = arith.constant 127 : i32
        %and3A_753 = arith.andi %squeeze3A_747, %and3A_752 : i32
        %gt3A_754 = arith.cmpi sgt, %shift_right_logical3A_751, %max3A_723 : i32
        %lt3A_755 = arith.constant 20312 : i32
        %lt3A_756 = arith.cmpi slt, %shift_right_logical3A_751, %lt3A_755 : i32
        %and3A_757 = arith.andi %gt3A_754, %lt3A_756 : i1
        %convert_element_type3A_758 = arith.extui %and3A_757 : i1 to i32
        %add3A_759 = arith.addi %add3A_722, %convert_element_type3A_758 : i32
        %max3A_760 = arith.maxsi %max3A_723, %shift_right_logical3A_751 : i32
        %sub3A_761 = arith.constant 1 : i32
        %sub3A_762 = arith.subi %add3A_759, %sub3A_761 : i32
        %and3A_763 = arith.constant 7 : i32
        %and3A_764 = arith.andi %sub3A_762, %and3A_763 : i32
        %ge3A_765 = arith.constant 2599936 : i32
        %ge3A_766 = arith.cmpi sge, %squeeze3A_747, %ge3A_765 : i32
        %not3A_767 = arith.constant true
        %not3A_768 = arith.xori %ge3A_766, %not3A_767 : i1
        %convert_element_type3A_769 = arith.extui %not3A_768 : i1 to i32
        %cond3A_770 = arith.constant 0 : i32
        %cond3A_771 = arith.cmpi ne, %convert_element_type3A_769, %cond3A_770 : i32
        scf.if %cond3A_771 {
          %mul3A_894 = arith.constant 64 : i32
          %mul3A_895 = arith.muli %and3A_764, %mul3A_894 : i32
          %broadcast_in_dim3A = vector.broadcast %mul3A_895 : i32 to vector<16xi32>
          %add3A_896 = arith.addi %broadcast_in_dim3A, %iota3A : vector<16xi32>
          %broadcast_in_dim3A_897 = vector.broadcast %and3A_753 : i32 to vector<16xi32>
          %add3A_898 = arith.constant 0 : i32
          %add3A_899 = vector.broadcast %add3A_898 : i32 to vector<16xi32>
          %add3A_900 = arith.addi %add3A_896, %add3A_899 : vector<16xi32>
          %gather3A = tpu.vector_load_idx %arg10[%add3A_900, %broadcast_in_dim3A_897] : memref<512x128xf32, #tpu.memory_space<vmem>>[vector<16xi32>, vector<16xi32>], vector<16xf32>,
          %swap3A = arith.constant 256 : index
          %swap3A_901 = tpu.vector_load %arg11[%swap3A] {strides = array<i32>} : memref<512xf32, #tpu.memory_space<vmem>>, vector<16xf32>,
          tpu.vector_store %arg11[%swap3A], %gather3A {strides = array<i32>} : memref<512xf32, #tpu.memory_space<vmem>>, vector<16xf32>,
          %add3A_902 = arith.constant 16 : i32
          %add3A_903 = vector.broadcast %add3A_902 : i32 to vector<16xi32>
          %add3A_904 = arith.addi %add3A_896, %add3A_903 : vector<16xi32>
          %gather3A_905 = tpu.vector_load_idx %arg10[%add3A_904, %broadcast_in_dim3A_897] : memref<512x128xf32, #tpu.memory_space<vmem>>[vector<16xi32>, vector<16xi32>], vector<16xf32>,
          %swap3A_906 = arith.constant 272 : index
          %swap3A_907 = tpu.vector_load %arg11[%swap3A_906] {strides = array<i32>} : memref<512xf32, #tpu.memory_space<vmem>>, vector<16xf32>,
          tpu.vector_store %arg11[%swap3A_906], %gather3A_905 {strides = array<i32>} : memref<512xf32, #tpu.memory_space<vmem>>, vector<16xf32>,
          %add3A_908 = arith.constant 32 : i32
          %add3A_909 = vector.broadcast %add3A_908 : i32 to vector<16xi32>
          %add3A_910 = arith.addi %add3A_896, %add3A_909 : vector<16xi32>
          %gather3A_911 = tpu.vector_load_idx %arg10[%add3A_910, %broadcast_in_dim3A_897] : memref<512x128xf32, #tpu.memory_space<vmem>>[vector<16xi32>, vector<16xi32>], vector<16xf32>,
          %swap3A_912 = arith.constant 288 : index
          %swap3A_913 = tpu.vector_load %arg11[%swap3A_912] {strides = array<i32>} : memref<512xf32, #tpu.memory_space<vmem>>, vector<16xf32>,
          tpu.vector_store %arg11[%swap3A_912], %gather3A_911 {strides = array<i32>} : memref<512xf32, #tpu.memory_space<vmem>>, vector<16xf32>,
          %add3A_914 = arith.constant 48 : i32
          %add3A_915 = vector.broadcast %add3A_914 : i32 to vector<16xi32>
          %add3A_916 = arith.addi %add3A_896, %add3A_915 : vector<16xi32>
          %gather3A_917 = tpu.vector_load_idx %arg10[%add3A_916, %broadcast_in_dim3A_897] : memref<512x128xf32, #tpu.memory_space<vmem>>[vector<16xi32>, vector<16xi32>], vector<16xf32>,
          %swap3A_918 = arith.constant 304 : index
          %swap3A_919 = tpu.vector_load %arg11[%swap3A_918] {strides = array<i32>} : memref<512xf32, #tpu.memory_space<vmem>>, vector<16xf32>,
          tpu.vector_store %arg11[%swap3A_918], %gather3A_917 {strides = array<i32>} : memref<512xf32, #tpu.memory_space<vmem>>, vector<16xf32>,
        } else {
        }
        %convert_element_type3A_772 = arith.extui %ge3A_766 : i1 to i32
        %cond3A_773 = arith.constant 0 : i32
        %cond3A_774 = arith.cmpi ne, %convert_element_type3A_772, %cond3A_773 : i32
        scf.if %cond3A_774 {
          %sub3A_894 = arith.constant 2599936 : i32
          %sub3A_895 = arith.subi %squeeze3A_747, %sub3A_894 : i32
          %broadcast_in_dim3A = vector.broadcast %sub3A_895 : i32 to vector<16xi32>
          %add3A_896 = arith.constant 0 : i32
          %add3A_897 = vector.broadcast %add3A_896 : i32 to vector<16xi32>
          %add3A_898 = arith.addi %iota3A, %add3A_897 : vector<16xi32>
          %gather3A = tpu.vector_load_idx %arg12[%add3A_898, %broadcast_in_dim3A] : memref<64x64xf32, #tpu.memory_space<vmem>>[vector<16xi32>, vector<16xi32>], vector<16xf32>,
          %swap3A = arith.constant 256 : index
          %swap3A_899 = tpu.vector_load %arg11[%swap3A] {strides = array<i32>} : memref<512xf32, #tpu.memory_space<vmem>>, vector<16xf32>,
          tpu.vector_store %arg11[%swap3A], %gather3A {strides = array<i32>} : memref<512xf32, #tpu.memory_space<vmem>>, vector<16xf32>,
          %add3A_900 = arith.constant 16 : i32
          %add3A_901 = vector.broadcast %add3A_900 : i32 to vector<16xi32>
          %add3A_902 = arith.addi %iota3A, %add3A_901 : vector<16xi32>
          %gather3A_903 = tpu.vector_load_idx %arg12[%add3A_902, %broadcast_in_dim3A] : memref<64x64xf32, #tpu.memory_space<vmem>>[vector<16xi32>, vector<16xi32>], vector<16xf32>,
          %swap3A_904 = arith.constant 272 : index
          %swap3A_905 = tpu.vector_load %arg11[%swap3A_904] {strides = array<i32>} : memref<512xf32, #tpu.memory_space<vmem>>, vector<16xf32>,
          tpu.vector_store %arg11[%swap3A_904], %gather3A_903 {strides = array<i32>} : memref<512xf32, #tpu.memory_space<vmem>>, vector<16xf32>,
          %add3A_906 = arith.constant 32 : i32
          %add3A_907 = vector.broadcast %add3A_906 : i32 to vector<16xi32>
          %add3A_908 = arith.addi %iota3A, %add3A_907 : vector<16xi32>
          %gather3A_909 = tpu.vector_load_idx %arg12[%add3A_908, %broadcast_in_dim3A] : memref<64x64xf32, #tpu.memory_space<vmem>>[vector<16xi32>, vector<16xi32>], vector<16xf32>,
          %swap3A_910 = arith.constant 288 : index
          %swap3A_911 = tpu.vector_load %arg11[%swap3A_910] {strides = array<i32>} : memref<512xf32, #tpu.memory_space<vmem>>, vector<16xf32>,
          tpu.vector_store %arg11[%swap3A_910], %gather3A_909 {strides = array<i32>} : memref<512xf32, #tpu.memory_space<vmem>>, vector<16xf32>,
          %add3A_912 = arith.constant 48 : i32
          %add3A_913 = vector.broadcast %add3A_912 : i32 to vector<16xi32>
          %add3A_914 = arith.addi %iota3A, %add3A_913 : vector<16xi32>
          %gather3A_915 = tpu.vector_load_idx %arg12[%add3A_914, %broadcast_in_dim3A] : memref<64x64xf32, #tpu.memory_space<vmem>>[vector<16xi32>, vector<16xi32>], vector<16xf32>,
          %swap3A_916 = arith.constant 304 : index
          %swap3A_917 = tpu.vector_load %arg11[%swap3A_916] {strides = array<i32>} : memref<512xf32, #tpu.memory_space<vmem>>, vector<16xf32>,
          tpu.vector_store %arg11[%swap3A_916], %gather3A_915 {strides = array<i32>} : memref<512xf32, #tpu.memory_space<vmem>>, vector<16xf32>,
        } else {
        }
        %mul3A_775 = arith.constant 64 : i32
        %mul3A_776 = arith.muli %squeeze3A_749, %mul3A_775 : i32
        %dma_start3A_777 = arith.constant 256 : i32
        %dma_start3A_778 = tpu.memref_slice %arg11[%dma_start3A_777] : memref<512xf32, #tpu.memory_space<vmem>> -> memref<64xf32, #tpu.memory_space<vmem>>
        %dma_start3A_779 = tpu.memref_slice %arg7[%mul3A_776] : memref<6815744xf32, #tpu.memory_space<hbm>> -> memref<64xf32, #tpu.memory_space<hbm>>
        %dma_start3A_780 = tpu.memref_slice %arg7[%mul3A_776] : memref<6815744xf32, #tpu.memory_space<hbm>> -> memref<64xf32, #tpu.memory_space<hbm>>
        %dma_start3A_781 = arith.constant 256 : i32
        %dma_start3A_782 = tpu.memref_slice %arg11[%dma_start3A_781] : memref<512xf32, #tpu.memory_space<vmem>> -> memref<64xf32, #tpu.memory_space<vmem>>
        tpu.enqueue_dma source(%dma_start3A_782 : memref<64xf32, #tpu.memory_space<vmem>>) target(%dma_start3A_780 : memref<64xf32, #tpu.memory_space<hbm>>) target_semaphore(%arg14 : memref<!tpu.dma_semaphore, #tpu.memory_space<semaphore_mem>>)
        %slice3A_783 = vector.extract_strided_slice %get3A_595 {offsets = [5], sizes = [1], strides = [1]} : vector<16xi32> to vector<1xi32>
        %squeeze3A_784 = vector.extract %slice3A_783[0] : i32 from vector<1xi32>
        %slice3A_785 = vector.extract_strided_slice %get3A_597 {offsets = [5], sizes = [1], strides = [1]} : vector<16xi32> to vector<1xi32>
        %squeeze3A_786 = vector.extract %slice3A_785[0] : i32 from vector<1xi32>
        %shift_right_logical3A_787 = arith.constant 7 : i32
        %shift_right_logical3A_788 = arith.shrui %squeeze3A_784, %shift_right_logical3A_787 : i32
        %and3A_789 = arith.constant 127 : i32
        %and3A_790 = arith.andi %squeeze3A_784, %and3A_789 : i32
        %gt3A_791 = arith.cmpi sgt, %shift_right_logical3A_788, %max3A_760 : i32
        %lt3A_792 = arith.constant 20312 : i32
        %lt3A_793 = arith.cmpi slt, %shift_right_logical3A_788, %lt3A_792 : i32
        %and3A_794 = arith.andi %gt3A_791, %lt3A_793 : i1
        %convert_element_type3A_795 = arith.extui %and3A_794 : i1 to i32
        %add3A_796 = arith.addi %add3A_759, %convert_element_type3A_795 : i32
        %max3A_797 = arith.maxsi %max3A_760, %shift_right_logical3A_788 : i32
        %sub3A_798 = arith.constant 1 : i32
        %sub3A_799 = arith.subi %add3A_796, %sub3A_798 : i32
        %and3A_800 = arith.constant 7 : i32
        %and3A_801 = arith.andi %sub3A_799, %and3A_800 : i32
        %ge3A_802 = arith.constant 2599936 : i32
        %ge3A_803 = arith.cmpi sge, %squeeze3A_784, %ge3A_802 : i32
        %not3A_804 = arith.constant true
        %not3A_805 = arith.xori %ge3A_803, %not3A_804 : i1
        %convert_element_type3A_806 = arith.extui %not3A_805 : i1 to i32
        %cond3A_807 = arith.constant 0 : i32
        %cond3A_808 = arith.cmpi ne, %convert_element_type3A_806, %cond3A_807 : i32
        scf.if %cond3A_808 {
          %mul3A_894 = arith.constant 64 : i32
          %mul3A_895 = arith.muli %and3A_801, %mul3A_894 : i32
          %broadcast_in_dim3A = vector.broadcast %mul3A_895 : i32 to vector<16xi32>
          %add3A_896 = arith.addi %broadcast_in_dim3A, %iota3A : vector<16xi32>
          %broadcast_in_dim3A_897 = vector.broadcast %and3A_790 : i32 to vector<16xi32>
          %add3A_898 = arith.constant 0 : i32
          %add3A_899 = vector.broadcast %add3A_898 : i32 to vector<16xi32>
          %add3A_900 = arith.addi %add3A_896, %add3A_899 : vector<16xi32>
          %gather3A = tpu.vector_load_idx %arg10[%add3A_900, %broadcast_in_dim3A_897] : memref<512x128xf32, #tpu.memory_space<vmem>>[vector<16xi32>, vector<16xi32>], vector<16xf32>,
          %swap3A = arith.constant 320 : index
          %swap3A_901 = tpu.vector_load %arg11[%swap3A] {strides = array<i32>} : memref<512xf32, #tpu.memory_space<vmem>>, vector<16xf32>,
          tpu.vector_store %arg11[%swap3A], %gather3A {strides = array<i32>} : memref<512xf32, #tpu.memory_space<vmem>>, vector<16xf32>,
          %add3A_902 = arith.constant 16 : i32
          %add3A_903 = vector.broadcast %add3A_902 : i32 to vector<16xi32>
          %add3A_904 = arith.addi %add3A_896, %add3A_903 : vector<16xi32>
          %gather3A_905 = tpu.vector_load_idx %arg10[%add3A_904, %broadcast_in_dim3A_897] : memref<512x128xf32, #tpu.memory_space<vmem>>[vector<16xi32>, vector<16xi32>], vector<16xf32>,
          %swap3A_906 = arith.constant 336 : index
          %swap3A_907 = tpu.vector_load %arg11[%swap3A_906] {strides = array<i32>} : memref<512xf32, #tpu.memory_space<vmem>>, vector<16xf32>,
          tpu.vector_store %arg11[%swap3A_906], %gather3A_905 {strides = array<i32>} : memref<512xf32, #tpu.memory_space<vmem>>, vector<16xf32>,
          %add3A_908 = arith.constant 32 : i32
          %add3A_909 = vector.broadcast %add3A_908 : i32 to vector<16xi32>
          %add3A_910 = arith.addi %add3A_896, %add3A_909 : vector<16xi32>
          %gather3A_911 = tpu.vector_load_idx %arg10[%add3A_910, %broadcast_in_dim3A_897] : memref<512x128xf32, #tpu.memory_space<vmem>>[vector<16xi32>, vector<16xi32>], vector<16xf32>,
          %swap3A_912 = arith.constant 352 : index
          %swap3A_913 = tpu.vector_load %arg11[%swap3A_912] {strides = array<i32>} : memref<512xf32, #tpu.memory_space<vmem>>, vector<16xf32>,
          tpu.vector_store %arg11[%swap3A_912], %gather3A_911 {strides = array<i32>} : memref<512xf32, #tpu.memory_space<vmem>>, vector<16xf32>,
          %add3A_914 = arith.constant 48 : i32
          %add3A_915 = vector.broadcast %add3A_914 : i32 to vector<16xi32>
          %add3A_916 = arith.addi %add3A_896, %add3A_915 : vector<16xi32>
          %gather3A_917 = tpu.vector_load_idx %arg10[%add3A_916, %broadcast_in_dim3A_897] : memref<512x128xf32, #tpu.memory_space<vmem>>[vector<16xi32>, vector<16xi32>], vector<16xf32>,
          %swap3A_918 = arith.constant 368 : index
          %swap3A_919 = tpu.vector_load %arg11[%swap3A_918] {strides = array<i32>} : memref<512xf32, #tpu.memory_space<vmem>>, vector<16xf32>,
          tpu.vector_store %arg11[%swap3A_918], %gather3A_917 {strides = array<i32>} : memref<512xf32, #tpu.memory_space<vmem>>, vector<16xf32>,
        } else {
        }
        %convert_element_type3A_809 = arith.extui %ge3A_803 : i1 to i32
        %cond3A_810 = arith.constant 0 : i32
        %cond3A_811 = arith.cmpi ne, %convert_element_type3A_809, %cond3A_810 : i32
        scf.if %cond3A_811 {
          %sub3A_894 = arith.constant 2599936 : i32
          %sub3A_895 = arith.subi %squeeze3A_784, %sub3A_894 : i32
          %broadcast_in_dim3A = vector.broadcast %sub3A_895 : i32 to vector<16xi32>
          %add3A_896 = arith.constant 0 : i32
          %add3A_897 = vector.broadcast %add3A_896 : i32 to vector<16xi32>
          %add3A_898 = arith.addi %iota3A, %add3A_897 : vector<16xi32>
          %gather3A = tpu.vector_load_idx %arg12[%add3A_898, %broadcast_in_dim3A] : memref<64x64xf32, #tpu.memory_space<vmem>>[vector<16xi32>, vector<16xi32>], vector<16xf32>,
          %swap3A = arith.constant 320 : index
          %swap3A_899 = tpu.vector_load %arg11[%swap3A] {strides = array<i32>} : memref<512xf32, #tpu.memory_space<vmem>>, vector<16xf32>,
          tpu.vector_store %arg11[%swap3A], %gather3A {strides = array<i32>} : memref<512xf32, #tpu.memory_space<vmem>>, vector<16xf32>,
          %add3A_900 = arith.constant 16 : i32
          %add3A_901 = vector.broadcast %add3A_900 : i32 to vector<16xi32>
          %add3A_902 = arith.addi %iota3A, %add3A_901 : vector<16xi32>
          %gather3A_903 = tpu.vector_load_idx %arg12[%add3A_902, %broadcast_in_dim3A] : memref<64x64xf32, #tpu.memory_space<vmem>>[vector<16xi32>, vector<16xi32>], vector<16xf32>,
          %swap3A_904 = arith.constant 336 : index
          %swap3A_905 = tpu.vector_load %arg11[%swap3A_904] {strides = array<i32>} : memref<512xf32, #tpu.memory_space<vmem>>, vector<16xf32>,
          tpu.vector_store %arg11[%swap3A_904], %gather3A_903 {strides = array<i32>} : memref<512xf32, #tpu.memory_space<vmem>>, vector<16xf32>,
          %add3A_906 = arith.constant 32 : i32
          %add3A_907 = vector.broadcast %add3A_906 : i32 to vector<16xi32>
          %add3A_908 = arith.addi %iota3A, %add3A_907 : vector<16xi32>
          %gather3A_909 = tpu.vector_load_idx %arg12[%add3A_908, %broadcast_in_dim3A] : memref<64x64xf32, #tpu.memory_space<vmem>>[vector<16xi32>, vector<16xi32>], vector<16xf32>,
          %swap3A_910 = arith.constant 352 : index
          %swap3A_911 = tpu.vector_load %arg11[%swap3A_910] {strides = array<i32>} : memref<512xf32, #tpu.memory_space<vmem>>, vector<16xf32>,
          tpu.vector_store %arg11[%swap3A_910], %gather3A_909 {strides = array<i32>} : memref<512xf32, #tpu.memory_space<vmem>>, vector<16xf32>,
          %add3A_912 = arith.constant 48 : i32
          %add3A_913 = vector.broadcast %add3A_912 : i32 to vector<16xi32>
          %add3A_914 = arith.addi %iota3A, %add3A_913 : vector<16xi32>
          %gather3A_915 = tpu.vector_load_idx %arg12[%add3A_914, %broadcast_in_dim3A] : memref<64x64xf32, #tpu.memory_space<vmem>>[vector<16xi32>, vector<16xi32>], vector<16xf32>,
          %swap3A_916 = arith.constant 368 : index
          %swap3A_917 = tpu.vector_load %arg11[%swap3A_916] {strides = array<i32>} : memref<512xf32, #tpu.memory_space<vmem>>, vector<16xf32>,
          tpu.vector_store %arg11[%swap3A_916], %gather3A_915 {strides = array<i32>} : memref<512xf32, #tpu.memory_space<vmem>>, vector<16xf32>,
        } else {
        }
        %mul3A_812 = arith.constant 64 : i32
        %mul3A_813 = arith.muli %squeeze3A_786, %mul3A_812 : i32
        %dma_start3A_814 = arith.constant 320 : i32
        %dma_start3A_815 = tpu.memref_slice %arg11[%dma_start3A_814] : memref<512xf32, #tpu.memory_space<vmem>> -> memref<64xf32, #tpu.memory_space<vmem>>
        %dma_start3A_816 = tpu.memref_slice %arg7[%mul3A_813] : memref<6815744xf32, #tpu.memory_space<hbm>> -> memref<64xf32, #tpu.memory_space<hbm>>
        %dma_start3A_817 = tpu.memref_slice %arg7[%mul3A_813] : memref<6815744xf32, #tpu.memory_space<hbm>> -> memref<64xf32, #tpu.memory_space<hbm>>
        %dma_start3A_818 = arith.constant 320 : i32
        %dma_start3A_819 = tpu.memref_slice %arg11[%dma_start3A_818] : memref<512xf32, #tpu.memory_space<vmem>> -> memref<64xf32, #tpu.memory_space<vmem>>
        tpu.enqueue_dma source(%dma_start3A_819 : memref<64xf32, #tpu.memory_space<vmem>>) target(%dma_start3A_817 : memref<64xf32, #tpu.memory_space<hbm>>) target_semaphore(%arg14 : memref<!tpu.dma_semaphore, #tpu.memory_space<semaphore_mem>>)
        %slice3A_820 = vector.extract_strided_slice %get3A_595 {offsets = [6], sizes = [1], strides = [1]} : vector<16xi32> to vector<1xi32>
        %squeeze3A_821 = vector.extract %slice3A_820[0] : i32 from vector<1xi32>
        %slice3A_822 = vector.extract_strided_slice %get3A_597 {offsets = [6], sizes = [1], strides = [1]} : vector<16xi32> to vector<1xi32>
        %squeeze3A_823 = vector.extract %slice3A_822[0] : i32 from vector<1xi32>
        %shift_right_logical3A_824 = arith.constant 7 : i32
        %shift_right_logical3A_825 = arith.shrui %squeeze3A_821, %shift_right_logical3A_824 : i32
        %and3A_826 = arith.constant 127 : i32
        %and3A_827 = arith.andi %squeeze3A_821, %and3A_826 : i32
        %gt3A_828 = arith.cmpi sgt, %shift_right_logical3A_825, %max3A_797 : i32
        %lt3A_829 = arith.constant 20312 : i32
        %lt3A_830 = arith.cmpi slt, %shift_right_logical3A_825, %lt3A_829 : i32
        %and3A_831 = arith.andi %gt3A_828, %lt3A_830 : i1
        %convert_element_type3A_832 = arith.extui %and3A_831 : i1 to i32
        %add3A_833 = arith.addi %add3A_796, %convert_element_type3A_832 : i32
        %max3A_834 = arith.maxsi %max3A_797, %shift_right_logical3A_825 : i32
        %sub3A_835 = arith.constant 1 : i32
        %sub3A_836 = arith.subi %add3A_833, %sub3A_835 : i32
        %and3A_837 = arith.constant 7 : i32
        %and3A_838 = arith.andi %sub3A_836, %and3A_837 : i32
        %ge3A_839 = arith.constant 2599936 : i32
        %ge3A_840 = arith.cmpi sge, %squeeze3A_821, %ge3A_839 : i32
        %not3A_841 = arith.constant true
        %not3A_842 = arith.xori %ge3A_840, %not3A_841 : i1
        %convert_element_type3A_843 = arith.extui %not3A_842 : i1 to i32
        %cond3A_844 = arith.constant 0 : i32
        %cond3A_845 = arith.cmpi ne, %convert_element_type3A_843, %cond3A_844 : i32
        scf.if %cond3A_845 {
          %mul3A_894 = arith.constant 64 : i32
          %mul3A_895 = arith.muli %and3A_838, %mul3A_894 : i32
          %broadcast_in_dim3A = vector.broadcast %mul3A_895 : i32 to vector<16xi32>
          %add3A_896 = arith.addi %broadcast_in_dim3A, %iota3A : vector<16xi32>
          %broadcast_in_dim3A_897 = vector.broadcast %and3A_827 : i32 to vector<16xi32>
          %add3A_898 = arith.constant 0 : i32
          %add3A_899 = vector.broadcast %add3A_898 : i32 to vector<16xi32>
          %add3A_900 = arith.addi %add3A_896, %add3A_899 : vector<16xi32>
          %gather3A = tpu.vector_load_idx %arg10[%add3A_900, %broadcast_in_dim3A_897] : memref<512x128xf32, #tpu.memory_space<vmem>>[vector<16xi32>, vector<16xi32>], vector<16xf32>,
          %swap3A = arith.constant 384 : index
          %swap3A_901 = tpu.vector_load %arg11[%swap3A] {strides = array<i32>} : memref<512xf32, #tpu.memory_space<vmem>>, vector<16xf32>,
          tpu.vector_store %arg11[%swap3A], %gather3A {strides = array<i32>} : memref<512xf32, #tpu.memory_space<vmem>>, vector<16xf32>,
          %add3A_902 = arith.constant 16 : i32
          %add3A_903 = vector.broadcast %add3A_902 : i32 to vector<16xi32>
          %add3A_904 = arith.addi %add3A_896, %add3A_903 : vector<16xi32>
          %gather3A_905 = tpu.vector_load_idx %arg10[%add3A_904, %broadcast_in_dim3A_897] : memref<512x128xf32, #tpu.memory_space<vmem>>[vector<16xi32>, vector<16xi32>], vector<16xf32>,
          %swap3A_906 = arith.constant 400 : index
          %swap3A_907 = tpu.vector_load %arg11[%swap3A_906] {strides = array<i32>} : memref<512xf32, #tpu.memory_space<vmem>>, vector<16xf32>,
          tpu.vector_store %arg11[%swap3A_906], %gather3A_905 {strides = array<i32>} : memref<512xf32, #tpu.memory_space<vmem>>, vector<16xf32>,
          %add3A_908 = arith.constant 32 : i32
          %add3A_909 = vector.broadcast %add3A_908 : i32 to vector<16xi32>
          %add3A_910 = arith.addi %add3A_896, %add3A_909 : vector<16xi32>
          %gather3A_911 = tpu.vector_load_idx %arg10[%add3A_910, %broadcast_in_dim3A_897] : memref<512x128xf32, #tpu.memory_space<vmem>>[vector<16xi32>, vector<16xi32>], vector<16xf32>,
          %swap3A_912 = arith.constant 416 : index
          %swap3A_913 = tpu.vector_load %arg11[%swap3A_912] {strides = array<i32>} : memref<512xf32, #tpu.memory_space<vmem>>, vector<16xf32>,
          tpu.vector_store %arg11[%swap3A_912], %gather3A_911 {strides = array<i32>} : memref<512xf32, #tpu.memory_space<vmem>>, vector<16xf32>,
          %add3A_914 = arith.constant 48 : i32
          %add3A_915 = vector.broadcast %add3A_914 : i32 to vector<16xi32>
          %add3A_916 = arith.addi %add3A_896, %add3A_915 : vector<16xi32>
          %gather3A_917 = tpu.vector_load_idx %arg10[%add3A_916, %broadcast_in_dim3A_897] : memref<512x128xf32, #tpu.memory_space<vmem>>[vector<16xi32>, vector<16xi32>], vector<16xf32>,
          %swap3A_918 = arith.constant 432 : index
          %swap3A_919 = tpu.vector_load %arg11[%swap3A_918] {strides = array<i32>} : memref<512xf32, #tpu.memory_space<vmem>>, vector<16xf32>,
          tpu.vector_store %arg11[%swap3A_918], %gather3A_917 {strides = array<i32>} : memref<512xf32, #tpu.memory_space<vmem>>, vector<16xf32>,
        } else {
        }
        %convert_element_type3A_846 = arith.extui %ge3A_840 : i1 to i32
        %cond3A_847 = arith.constant 0 : i32
        %cond3A_848 = arith.cmpi ne, %convert_element_type3A_846, %cond3A_847 : i32
        scf.if %cond3A_848 {
          %sub3A_894 = arith.constant 2599936 : i32
          %sub3A_895 = arith.subi %squeeze3A_821, %sub3A_894 : i32
          %broadcast_in_dim3A = vector.broadcast %sub3A_895 : i32 to vector<16xi32>
          %add3A_896 = arith.constant 0 : i32
          %add3A_897 = vector.broadcast %add3A_896 : i32 to vector<16xi32>
          %add3A_898 = arith.addi %iota3A, %add3A_897 : vector<16xi32>
          %gather3A = tpu.vector_load_idx %arg12[%add3A_898, %broadcast_in_dim3A] : memref<64x64xf32, #tpu.memory_space<vmem>>[vector<16xi32>, vector<16xi32>], vector<16xf32>,
          %swap3A = arith.constant 384 : index
          %swap3A_899 = tpu.vector_load %arg11[%swap3A] {strides = array<i32>} : memref<512xf32, #tpu.memory_space<vmem>>, vector<16xf32>,
          tpu.vector_store %arg11[%swap3A], %gather3A {strides = array<i32>} : memref<512xf32, #tpu.memory_space<vmem>>, vector<16xf32>,
          %add3A_900 = arith.constant 16 : i32
          %add3A_901 = vector.broadcast %add3A_900 : i32 to vector<16xi32>
          %add3A_902 = arith.addi %iota3A, %add3A_901 : vector<16xi32>
          %gather3A_903 = tpu.vector_load_idx %arg12[%add3A_902, %broadcast_in_dim3A] : memref<64x64xf32, #tpu.memory_space<vmem>>[vector<16xi32>, vector<16xi32>], vector<16xf32>,
          %swap3A_904 = arith.constant 400 : index
          %swap3A_905 = tpu.vector_load %arg11[%swap3A_904] {strides = array<i32>} : memref<512xf32, #tpu.memory_space<vmem>>, vector<16xf32>,
          tpu.vector_store %arg11[%swap3A_904], %gather3A_903 {strides = array<i32>} : memref<512xf32, #tpu.memory_space<vmem>>, vector<16xf32>,
          %add3A_906 = arith.constant 32 : i32
          %add3A_907 = vector.broadcast %add3A_906 : i32 to vector<16xi32>
          %add3A_908 = arith.addi %iota3A, %add3A_907 : vector<16xi32>
          %gather3A_909 = tpu.vector_load_idx %arg12[%add3A_908, %broadcast_in_dim3A] : memref<64x64xf32, #tpu.memory_space<vmem>>[vector<16xi32>, vector<16xi32>], vector<16xf32>,
          %swap3A_910 = arith.constant 416 : index
          %swap3A_911 = tpu.vector_load %arg11[%swap3A_910] {strides = array<i32>} : memref<512xf32, #tpu.memory_space<vmem>>, vector<16xf32>,
          tpu.vector_store %arg11[%swap3A_910], %gather3A_909 {strides = array<i32>} : memref<512xf32, #tpu.memory_space<vmem>>, vector<16xf32>,
          %add3A_912 = arith.constant 48 : i32
          %add3A_913 = vector.broadcast %add3A_912 : i32 to vector<16xi32>
          %add3A_914 = arith.addi %iota3A, %add3A_913 : vector<16xi32>
          %gather3A_915 = tpu.vector_load_idx %arg12[%add3A_914, %broadcast_in_dim3A] : memref<64x64xf32, #tpu.memory_space<vmem>>[vector<16xi32>, vector<16xi32>], vector<16xf32>,
          %swap3A_916 = arith.constant 432 : index
          %swap3A_917 = tpu.vector_load %arg11[%swap3A_916] {strides = array<i32>} : memref<512xf32, #tpu.memory_space<vmem>>, vector<16xf32>,
          tpu.vector_store %arg11[%swap3A_916], %gather3A_915 {strides = array<i32>} : memref<512xf32, #tpu.memory_space<vmem>>, vector<16xf32>,
        } else {
        }
        %mul3A_849 = arith.constant 64 : i32
        %mul3A_850 = arith.muli %squeeze3A_823, %mul3A_849 : i32
        %dma_start3A_851 = arith.constant 384 : i32
        %dma_start3A_852 = tpu.memref_slice %arg11[%dma_start3A_851] : memref<512xf32, #tpu.memory_space<vmem>> -> memref<64xf32, #tpu.memory_space<vmem>>
        %dma_start3A_853 = tpu.memref_slice %arg7[%mul3A_850] : memref<6815744xf32, #tpu.memory_space<hbm>> -> memref<64xf32, #tpu.memory_space<hbm>>
        %dma_start3A_854 = tpu.memref_slice %arg7[%mul3A_850] : memref<6815744xf32, #tpu.memory_space<hbm>> -> memref<64xf32, #tpu.memory_space<hbm>>
        %dma_start3A_855 = arith.constant 384 : i32
        %dma_start3A_856 = tpu.memref_slice %arg11[%dma_start3A_855] : memref<512xf32, #tpu.memory_space<vmem>> -> memref<64xf32, #tpu.memory_space<vmem>>
        tpu.enqueue_dma source(%dma_start3A_856 : memref<64xf32, #tpu.memory_space<vmem>>) target(%dma_start3A_854 : memref<64xf32, #tpu.memory_space<hbm>>) target_semaphore(%arg14 : memref<!tpu.dma_semaphore, #tpu.memory_space<semaphore_mem>>)
        %slice3A_857 = vector.extract_strided_slice %get3A_595 {offsets = [7], sizes = [1], strides = [1]} : vector<16xi32> to vector<1xi32>
        %squeeze3A_858 = vector.extract %slice3A_857[0] : i32 from vector<1xi32>
        %slice3A_859 = vector.extract_strided_slice %get3A_597 {offsets = [7], sizes = [1], strides = [1]} : vector<16xi32> to vector<1xi32>
        %squeeze3A_860 = vector.extract %slice3A_859[0] : i32 from vector<1xi32>
        %shift_right_logical3A_861 = arith.constant 7 : i32
        %shift_right_logical3A_862 = arith.shrui %squeeze3A_858, %shift_right_logical3A_861 : i32
        %and3A_863 = arith.constant 127 : i32
        %and3A_864 = arith.andi %squeeze3A_858, %and3A_863 : i32
        %gt3A_865 = arith.cmpi sgt, %shift_right_logical3A_862, %max3A_834 : i32
        %lt3A_866 = arith.constant 20312 : i32
        %lt3A_867 = arith.cmpi slt, %shift_right_logical3A_862, %lt3A_866 : i32
        %and3A_868 = arith.andi %gt3A_865, %lt3A_867 : i1
        %convert_element_type3A_869 = arith.extui %and3A_868 : i1 to i32
        %add3A_870 = arith.addi %add3A_833, %convert_element_type3A_869 : i32
        %max3A_871 = arith.maxsi %max3A_834, %shift_right_logical3A_862 : i32
        %sub3A_872 = arith.constant 1 : i32
        %sub3A_873 = arith.subi %add3A_870, %sub3A_872 : i32
        %and3A_874 = arith.constant 7 : i32
        %and3A_875 = arith.andi %sub3A_873, %and3A_874 : i32
        %ge3A_876 = arith.constant 2599936 : i32
        %ge3A_877 = arith.cmpi sge, %squeeze3A_858, %ge3A_876 : i32
        %not3A_878 = arith.constant true
        %not3A_879 = arith.xori %ge3A_877, %not3A_878 : i1
        %convert_element_type3A_880 = arith.extui %not3A_879 : i1 to i32
        %cond3A_881 = arith.constant 0 : i32
        %cond3A_882 = arith.cmpi ne, %convert_element_type3A_880, %cond3A_881 : i32
        scf.if %cond3A_882 {
          %mul3A_894 = arith.constant 64 : i32
          %mul3A_895 = arith.muli %and3A_875, %mul3A_894 : i32
          %broadcast_in_dim3A = vector.broadcast %mul3A_895 : i32 to vector<16xi32>
          %add3A_896 = arith.addi %broadcast_in_dim3A, %iota3A : vector<16xi32>
          %broadcast_in_dim3A_897 = vector.broadcast %and3A_864 : i32 to vector<16xi32>
          %add3A_898 = arith.constant 0 : i32
          %add3A_899 = vector.broadcast %add3A_898 : i32 to vector<16xi32>
          %add3A_900 = arith.addi %add3A_896, %add3A_899 : vector<16xi32>
          %gather3A = tpu.vector_load_idx %arg10[%add3A_900, %broadcast_in_dim3A_897] : memref<512x128xf32, #tpu.memory_space<vmem>>[vector<16xi32>, vector<16xi32>], vector<16xf32>,
          %swap3A = arith.constant 448 : index
          %swap3A_901 = tpu.vector_load %arg11[%swap3A] {strides = array<i32>} : memref<512xf32, #tpu.memory_space<vmem>>, vector<16xf32>,
          tpu.vector_store %arg11[%swap3A], %gather3A {strides = array<i32>} : memref<512xf32, #tpu.memory_space<vmem>>, vector<16xf32>,
          %add3A_902 = arith.constant 16 : i32
          %add3A_903 = vector.broadcast %add3A_902 : i32 to vector<16xi32>
          %add3A_904 = arith.addi %add3A_896, %add3A_903 : vector<16xi32>
          %gather3A_905 = tpu.vector_load_idx %arg10[%add3A_904, %broadcast_in_dim3A_897] : memref<512x128xf32, #tpu.memory_space<vmem>>[vector<16xi32>, vector<16xi32>], vector<16xf32>,
          %swap3A_906 = arith.constant 464 : index
          %swap3A_907 = tpu.vector_load %arg11[%swap3A_906] {strides = array<i32>} : memref<512xf32, #tpu.memory_space<vmem>>, vector<16xf32>,
          tpu.vector_store %arg11[%swap3A_906], %gather3A_905 {strides = array<i32>} : memref<512xf32, #tpu.memory_space<vmem>>, vector<16xf32>,
          %add3A_908 = arith.constant 32 : i32
          %add3A_909 = vector.broadcast %add3A_908 : i32 to vector<16xi32>
          %add3A_910 = arith.addi %add3A_896, %add3A_909 : vector<16xi32>
          %gather3A_911 = tpu.vector_load_idx %arg10[%add3A_910, %broadcast_in_dim3A_897] : memref<512x128xf32, #tpu.memory_space<vmem>>[vector<16xi32>, vector<16xi32>], vector<16xf32>,
          %swap3A_912 = arith.constant 480 : index
          %swap3A_913 = tpu.vector_load %arg11[%swap3A_912] {strides = array<i32>} : memref<512xf32, #tpu.memory_space<vmem>>, vector<16xf32>,
          tpu.vector_store %arg11[%swap3A_912], %gather3A_911 {strides = array<i32>} : memref<512xf32, #tpu.memory_space<vmem>>, vector<16xf32>,
          %add3A_914 = arith.constant 48 : i32
          %add3A_915 = vector.broadcast %add3A_914 : i32 to vector<16xi32>
          %add3A_916 = arith.addi %add3A_896, %add3A_915 : vector<16xi32>
          %gather3A_917 = tpu.vector_load_idx %arg10[%add3A_916, %broadcast_in_dim3A_897] : memref<512x128xf32, #tpu.memory_space<vmem>>[vector<16xi32>, vector<16xi32>], vector<16xf32>,
          %swap3A_918 = arith.constant 496 : index
          %swap3A_919 = tpu.vector_load %arg11[%swap3A_918] {strides = array<i32>} : memref<512xf32, #tpu.memory_space<vmem>>, vector<16xf32>,
          tpu.vector_store %arg11[%swap3A_918], %gather3A_917 {strides = array<i32>} : memref<512xf32, #tpu.memory_space<vmem>>, vector<16xf32>,
        } else {
        }
        %convert_element_type3A_883 = arith.extui %ge3A_877 : i1 to i32
        %cond3A_884 = arith.constant 0 : i32
        %cond3A_885 = arith.cmpi ne, %convert_element_type3A_883, %cond3A_884 : i32
        scf.if %cond3A_885 {
          %sub3A_894 = arith.constant 2599936 : i32
          %sub3A_895 = arith.subi %squeeze3A_858, %sub3A_894 : i32
          %broadcast_in_dim3A = vector.broadcast %sub3A_895 : i32 to vector<16xi32>
          %add3A_896 = arith.constant 0 : i32
          %add3A_897 = vector.broadcast %add3A_896 : i32 to vector<16xi32>
          %add3A_898 = arith.addi %iota3A, %add3A_897 : vector<16xi32>
          %gather3A = tpu.vector_load_idx %arg12[%add3A_898, %broadcast_in_dim3A] : memref<64x64xf32, #tpu.memory_space<vmem>>[vector<16xi32>, vector<16xi32>], vector<16xf32>,
          %swap3A = arith.constant 448 : index
          %swap3A_899 = tpu.vector_load %arg11[%swap3A] {strides = array<i32>} : memref<512xf32, #tpu.memory_space<vmem>>, vector<16xf32>,
          tpu.vector_store %arg11[%swap3A], %gather3A {strides = array<i32>} : memref<512xf32, #tpu.memory_space<vmem>>, vector<16xf32>,
          %add3A_900 = arith.constant 16 : i32
          %add3A_901 = vector.broadcast %add3A_900 : i32 to vector<16xi32>
          %add3A_902 = arith.addi %iota3A, %add3A_901 : vector<16xi32>
          %gather3A_903 = tpu.vector_load_idx %arg12[%add3A_902, %broadcast_in_dim3A] : memref<64x64xf32, #tpu.memory_space<vmem>>[vector<16xi32>, vector<16xi32>], vector<16xf32>,
          %swap3A_904 = arith.constant 464 : index
          %swap3A_905 = tpu.vector_load %arg11[%swap3A_904] {strides = array<i32>} : memref<512xf32, #tpu.memory_space<vmem>>, vector<16xf32>,
          tpu.vector_store %arg11[%swap3A_904], %gather3A_903 {strides = array<i32>} : memref<512xf32, #tpu.memory_space<vmem>>, vector<16xf32>,
          %add3A_906 = arith.constant 32 : i32
          %add3A_907 = vector.broadcast %add3A_906 : i32 to vector<16xi32>
          %add3A_908 = arith.addi %iota3A, %add3A_907 : vector<16xi32>
          %gather3A_909 = tpu.vector_load_idx %arg12[%add3A_908, %broadcast_in_dim3A] : memref<64x64xf32, #tpu.memory_space<vmem>>[vector<16xi32>, vector<16xi32>], vector<16xf32>,
          %swap3A_910 = arith.constant 480 : index
          %swap3A_911 = tpu.vector_load %arg11[%swap3A_910] {strides = array<i32>} : memref<512xf32, #tpu.memory_space<vmem>>, vector<16xf32>,
          tpu.vector_store %arg11[%swap3A_910], %gather3A_909 {strides = array<i32>} : memref<512xf32, #tpu.memory_space<vmem>>, vector<16xf32>,
          %add3A_912 = arith.constant 48 : i32
          %add3A_913 = vector.broadcast %add3A_912 : i32 to vector<16xi32>
          %add3A_914 = arith.addi %iota3A, %add3A_913 : vector<16xi32>
          %gather3A_915 = tpu.vector_load_idx %arg12[%add3A_914, %broadcast_in_dim3A] : memref<64x64xf32, #tpu.memory_space<vmem>>[vector<16xi32>, vector<16xi32>], vector<16xf32>,
          %swap3A_916 = arith.constant 496 : index
          %swap3A_917 = tpu.vector_load %arg11[%swap3A_916] {strides = array<i32>} : memref<512xf32, #tpu.memory_space<vmem>>, vector<16xf32>,
          tpu.vector_store %arg11[%swap3A_916], %gather3A_915 {strides = array<i32>} : memref<512xf32, #tpu.memory_space<vmem>>, vector<16xf32>,
        } else {
        }
        %mul3A_886 = arith.constant 64 : i32
        %mul3A_887 = arith.muli %squeeze3A_860, %mul3A_886 : i32
        %dma_start3A_888 = arith.constant 448 : i32
        %dma_start3A_889 = tpu.memref_slice %arg11[%dma_start3A_888] : memref<512xf32, #tpu.memory_space<vmem>> -> memref<64xf32, #tpu.memory_space<vmem>>
        %dma_start3A_890 = tpu.memref_slice %arg7[%mul3A_887] : memref<6815744xf32, #tpu.memory_space<hbm>> -> memref<64xf32, #tpu.memory_space<hbm>>
        %dma_start3A_891 = tpu.memref_slice %arg7[%mul3A_887] : memref<6815744xf32, #tpu.memory_space<hbm>> -> memref<64xf32, #tpu.memory_space<hbm>>
        %dma_start3A_892 = arith.constant 448 : i32
        %dma_start3A_893 = tpu.memref_slice %arg11[%dma_start3A_892] : memref<512xf32, #tpu.memory_space<vmem>> -> memref<64xf32, #tpu.memory_space<vmem>>
        tpu.enqueue_dma source(%dma_start3A_893 : memref<64xf32, #tpu.memory_space<vmem>>) target(%dma_start3A_891 : memref<64xf32, #tpu.memory_space<hbm>>) target_semaphore(%arg14 : memref<!tpu.dma_semaphore, #tpu.memory_space<semaphore_mem>>)
      } else {
      }
      %mul3A_474 = arith.constant 8 : i32
      %mul3A_475 = arith.muli %scan3A_410, %mul3A_474 : i32
      %get3A_476 = arith.index_cast %mul3A_475 : i32 to index
      %get3A_477 = tpu.vector_load %arg8[%get3A_476] {strides = array<i32>} : memref<3344xi32, #tpu.memory_space<vmem>>, vector<16xi32>,
      %slice3A_478 = vector.extract_strided_slice %get3A_477 {offsets = [0], sizes = [1], strides = [1]} : vector<16xi32> to vector<1xi32>
      %squeeze3A_479 = vector.extract %slice3A_478[0] : i32 from vector<1xi32>
      %shift_right_logical3A_480 = arith.constant 7 : i32
      %shift_right_logical3A_481 = arith.shrui %squeeze3A_479, %shift_right_logical3A_480 : i32
      %gt3A_482 = arith.cmpi sgt, %shift_right_logical3A_481, %scan3A_411 : i32
      %lt3A_483 = arith.constant 20312 : i32
      %lt3A_484 = arith.cmpi slt, %shift_right_logical3A_481, %lt3A_483 : i32
      %and3A_485 = arith.andi %gt3A_482, %lt3A_484 : i1
      %convert_element_type3A_486 = arith.extui %and3A_485 : i1 to i32
      %cond3A_487 = arith.constant 0 : i32
      %cond3A_488 = arith.cmpi ne, %convert_element_type3A_486, %cond3A_487 : i32
      scf.if %cond3A_488 {
        %mul3A_590 = arith.constant 128 : i32
        %mul3A_591 = arith.muli %shift_right_logical3A_481, %mul3A_590 : i32
        %multiple_of3A = tpu.assume_multiple %mul3A_591, 128 : i32
        %and3A_592 = arith.constant 7 : i32
        %and3A_593 = arith.andi %scan3A_412, %and3A_592 : i32
        %mul3A_594 = arith.constant 64 : i32
        %mul3A_595 = arith.muli %and3A_593, %mul3A_594 : i32
        %dma_start3A_596 = arith.constant 0 : i32
        %dma_start3A_597 = tpu.memref_slice %arg10[%mul3A_595, %dma_start3A_596] : memref<512x128xf32, #tpu.memory_space<vmem>> -> memref<64x128xf32, #tpu.memory_space<vmem>>
        %dma_start3A_598 = arith.constant 0 : i32
        %dma_start3A_599 = tpu.memref_slice %arg5[%dma_start3A_598, %multiple_of3A] : memref<64x2600000xf32, #tpu.memory_space<hbm>> -> memref<64x128xf32, #tpu.memory_space<hbm>>
        %dma_start3A_600 = arith.constant 0 : i32
        %dma_start3A_601 = tpu.memref_slice %arg10[%mul3A_595, %dma_start3A_600] : memref<512x128xf32, #tpu.memory_space<vmem>> -> memref<64x128xf32, #tpu.memory_space<vmem>>
        %dma_start3A_602 = arith.constant 0 : i32
        %dma_start3A_603 = tpu.memref_slice %arg5[%dma_start3A_602, %multiple_of3A] : memref<64x2600000xf32, #tpu.memory_space<hbm>> -> memref<64x128xf32, #tpu.memory_space<hbm>>
        tpu.enqueue_dma source(%dma_start3A_603 : memref<64x128xf32, #tpu.memory_space<hbm>>) target(%dma_start3A_601 : memref<64x128xf32, #tpu.memory_space<vmem>>) target_semaphore(%arg13 : memref<!tpu.dma_semaphore, #tpu.memory_space<semaphore_mem>>)
      } else {
      }
      %convert_element_type3A_489 = arith.extui %and3A_485 : i1 to i32
      %add3A_490 = arith.addi %scan3A_412, %convert_element_type3A_489 : i32
      %max3A_491 = arith.maxsi %scan3A_411, %shift_right_logical3A_481 : i32
      %slice3A_492 = vector.extract_strided_slice %get3A_477 {offsets = [1], sizes = [1], strides = [1]} : vector<16xi32> to vector<1xi32>
      %squeeze3A_493 = vector.extract %slice3A_492[0] : i32 from vector<1xi32>
      %shift_right_logical3A_494 = arith.constant 7 : i32
      %shift_right_logical3A_495 = arith.shrui %squeeze3A_493, %shift_right_logical3A_494 : i32
      %gt3A_496 = arith.cmpi sgt, %shift_right_logical3A_495, %max3A_491 : i32
      %lt3A_497 = arith.constant 20312 : i32
      %lt3A_498 = arith.cmpi slt, %shift_right_logical3A_495, %lt3A_497 : i32
      %and3A_499 = arith.andi %gt3A_496, %lt3A_498 : i1
      %convert_element_type3A_500 = arith.extui %and3A_499 : i1 to i32
      %cond3A_501 = arith.constant 0 : i32
      %cond3A_502 = arith.cmpi ne, %convert_element_type3A_500, %cond3A_501 : i32
      scf.if %cond3A_502 {
        %mul3A_590 = arith.constant 128 : i32
        %mul3A_591 = arith.muli %shift_right_logical3A_495, %mul3A_590 : i32
        %multiple_of3A = tpu.assume_multiple %mul3A_591, 128 : i32
        %and3A_592 = arith.constant 7 : i32
        %and3A_593 = arith.andi %add3A_490, %and3A_592 : i32
        %mul3A_594 = arith.constant 64 : i32
        %mul3A_595 = arith.muli %and3A_593, %mul3A_594 : i32
        %dma_start3A_596 = arith.constant 0 : i32
        %dma_start3A_597 = tpu.memref_slice %arg10[%mul3A_595, %dma_start3A_596] : memref<512x128xf32, #tpu.memory_space<vmem>> -> memref<64x128xf32, #tpu.memory_space<vmem>>
        %dma_start3A_598 = arith.constant 0 : i32
        %dma_start3A_599 = tpu.memref_slice %arg5[%dma_start3A_598, %multiple_of3A] : memref<64x2600000xf32, #tpu.memory_space<hbm>> -> memref<64x128xf32, #tpu.memory_space<hbm>>
        %dma_start3A_600 = arith.constant 0 : i32
        %dma_start3A_601 = tpu.memref_slice %arg10[%mul3A_595, %dma_start3A_600] : memref<512x128xf32, #tpu.memory_space<vmem>> -> memref<64x128xf32, #tpu.memory_space<vmem>>
        %dma_start3A_602 = arith.constant 0 : i32
        %dma_start3A_603 = tpu.memref_slice %arg5[%dma_start3A_602, %multiple_of3A] : memref<64x2600000xf32, #tpu.memory_space<hbm>> -> memref<64x128xf32, #tpu.memory_space<hbm>>
        tpu.enqueue_dma source(%dma_start3A_603 : memref<64x128xf32, #tpu.memory_space<hbm>>) target(%dma_start3A_601 : memref<64x128xf32, #tpu.memory_space<vmem>>) target_semaphore(%arg13 : memref<!tpu.dma_semaphore, #tpu.memory_space<semaphore_mem>>)
      } else {
      }
      %convert_element_type3A_503 = arith.extui %and3A_499 : i1 to i32
      %add3A_504 = arith.addi %add3A_490, %convert_element_type3A_503 : i32
      %max3A_505 = arith.maxsi %max3A_491, %shift_right_logical3A_495 : i32
      %slice3A_506 = vector.extract_strided_slice %get3A_477 {offsets = [2], sizes = [1], strides = [1]} : vector<16xi32> to vector<1xi32>
      %squeeze3A_507 = vector.extract %slice3A_506[0] : i32 from vector<1xi32>
      %shift_right_logical3A_508 = arith.constant 7 : i32
      %shift_right_logical3A_509 = arith.shrui %squeeze3A_507, %shift_right_logical3A_508 : i32
      %gt3A_510 = arith.cmpi sgt, %shift_right_logical3A_509, %max3A_505 : i32
      %lt3A_511 = arith.constant 20312 : i32
      %lt3A_512 = arith.cmpi slt, %shift_right_logical3A_509, %lt3A_511 : i32
      %and3A_513 = arith.andi %gt3A_510, %lt3A_512 : i1
      %convert_element_type3A_514 = arith.extui %and3A_513 : i1 to i32
      %cond3A_515 = arith.constant 0 : i32
      %cond3A_516 = arith.cmpi ne, %convert_element_type3A_514, %cond3A_515 : i32
      scf.if %cond3A_516 {
        %mul3A_590 = arith.constant 128 : i32
        %mul3A_591 = arith.muli %shift_right_logical3A_509, %mul3A_590 : i32
        %multiple_of3A = tpu.assume_multiple %mul3A_591, 128 : i32
        %and3A_592 = arith.constant 7 : i32
        %and3A_593 = arith.andi %add3A_504, %and3A_592 : i32
        %mul3A_594 = arith.constant 64 : i32
        %mul3A_595 = arith.muli %and3A_593, %mul3A_594 : i32
        %dma_start3A_596 = arith.constant 0 : i32
        %dma_start3A_597 = tpu.memref_slice %arg10[%mul3A_595, %dma_start3A_596] : memref<512x128xf32, #tpu.memory_space<vmem>> -> memref<64x128xf32, #tpu.memory_space<vmem>>
        %dma_start3A_598 = arith.constant 0 : i32
        %dma_start3A_599 = tpu.memref_slice %arg5[%dma_start3A_598, %multiple_of3A] : memref<64x2600000xf32, #tpu.memory_space<hbm>> -> memref<64x128xf32, #tpu.memory_space<hbm>>
        %dma_start3A_600 = arith.constant 0 : i32
        %dma_start3A_601 = tpu.memref_slice %arg10[%mul3A_595, %dma_start3A_600] : memref<512x128xf32, #tpu.memory_space<vmem>> -> memref<64x128xf32, #tpu.memory_space<vmem>>
        %dma_start3A_602 = arith.constant 0 : i32
        %dma_start3A_603 = tpu.memref_slice %arg5[%dma_start3A_602, %multiple_of3A] : memref<64x2600000xf32, #tpu.memory_space<hbm>> -> memref<64x128xf32, #tpu.memory_space<hbm>>
        tpu.enqueue_dma source(%dma_start3A_603 : memref<64x128xf32, #tpu.memory_space<hbm>>) target(%dma_start3A_601 : memref<64x128xf32, #tpu.memory_space<vmem>>) target_semaphore(%arg13 : memref<!tpu.dma_semaphore, #tpu.memory_space<semaphore_mem>>)
      } else {
      }
      %convert_element_type3A_517 = arith.extui %and3A_513 : i1 to i32
      %add3A_518 = arith.addi %add3A_504, %convert_element_type3A_517 : i32
      %max3A_519 = arith.maxsi %max3A_505, %shift_right_logical3A_509 : i32
      %slice3A_520 = vector.extract_strided_slice %get3A_477 {offsets = [3], sizes = [1], strides = [1]} : vector<16xi32> to vector<1xi32>
      %squeeze3A_521 = vector.extract %slice3A_520[0] : i32 from vector<1xi32>
      %shift_right_logical3A_522 = arith.constant 7 : i32
      %shift_right_logical3A_523 = arith.shrui %squeeze3A_521, %shift_right_logical3A_522 : i32
      %gt3A_524 = arith.cmpi sgt, %shift_right_logical3A_523, %max3A_519 : i32
      %lt3A_525 = arith.constant 20312 : i32
      %lt3A_526 = arith.cmpi slt, %shift_right_logical3A_523, %lt3A_525 : i32
      %and3A_527 = arith.andi %gt3A_524, %lt3A_526 : i1
      %convert_element_type3A_528 = arith.extui %and3A_527 : i1 to i32
      %cond3A_529 = arith.constant 0 : i32
      %cond3A_530 = arith.cmpi ne, %convert_element_type3A_528, %cond3A_529 : i32
      scf.if %cond3A_530 {
        %mul3A_590 = arith.constant 128 : i32
        %mul3A_591 = arith.muli %shift_right_logical3A_523, %mul3A_590 : i32
        %multiple_of3A = tpu.assume_multiple %mul3A_591, 128 : i32
        %and3A_592 = arith.constant 7 : i32
        %and3A_593 = arith.andi %add3A_518, %and3A_592 : i32
        %mul3A_594 = arith.constant 64 : i32
        %mul3A_595 = arith.muli %and3A_593, %mul3A_594 : i32
        %dma_start3A_596 = arith.constant 0 : i32
        %dma_start3A_597 = tpu.memref_slice %arg10[%mul3A_595, %dma_start3A_596] : memref<512x128xf32, #tpu.memory_space<vmem>> -> memref<64x128xf32, #tpu.memory_space<vmem>>
        %dma_start3A_598 = arith.constant 0 : i32
        %dma_start3A_599 = tpu.memref_slice %arg5[%dma_start3A_598, %multiple_of3A] : memref<64x2600000xf32, #tpu.memory_space<hbm>> -> memref<64x128xf32, #tpu.memory_space<hbm>>
        %dma_start3A_600 = arith.constant 0 : i32
        %dma_start3A_601 = tpu.memref_slice %arg10[%mul3A_595, %dma_start3A_600] : memref<512x128xf32, #tpu.memory_space<vmem>> -> memref<64x128xf32, #tpu.memory_space<vmem>>
        %dma_start3A_602 = arith.constant 0 : i32
        %dma_start3A_603 = tpu.memref_slice %arg5[%dma_start3A_602, %multiple_of3A] : memref<64x2600000xf32, #tpu.memory_space<hbm>> -> memref<64x128xf32, #tpu.memory_space<hbm>>
        tpu.enqueue_dma source(%dma_start3A_603 : memref<64x128xf32, #tpu.memory_space<hbm>>) target(%dma_start3A_601 : memref<64x128xf32, #tpu.memory_space<vmem>>) target_semaphore(%arg13 : memref<!tpu.dma_semaphore, #tpu.memory_space<semaphore_mem>>)
      } else {
      }
      %convert_element_type3A_531 = arith.extui %and3A_527 : i1 to i32
      %add3A_532 = arith.addi %add3A_518, %convert_element_type3A_531 : i32
      %max3A_533 = arith.maxsi %max3A_519, %shift_right_logical3A_523 : i32
      %slice3A_534 = vector.extract_strided_slice %get3A_477 {offsets = [4], sizes = [1], strides = [1]} : vector<16xi32> to vector<1xi32>
      %squeeze3A_535 = vector.extract %slice3A_534[0] : i32 from vector<1xi32>
      %shift_right_logical3A_536 = arith.constant 7 : i32
      %shift_right_logical3A_537 = arith.shrui %squeeze3A_535, %shift_right_logical3A_536 : i32
      %gt3A_538 = arith.cmpi sgt, %shift_right_logical3A_537, %max3A_533 : i32
      %lt3A_539 = arith.constant 20312 : i32
      %lt3A_540 = arith.cmpi slt, %shift_right_logical3A_537, %lt3A_539 : i32
      %and3A_541 = arith.andi %gt3A_538, %lt3A_540 : i1
      %convert_element_type3A_542 = arith.extui %and3A_541 : i1 to i32
      %cond3A_543 = arith.constant 0 : i32
      %cond3A_544 = arith.cmpi ne, %convert_element_type3A_542, %cond3A_543 : i32
      scf.if %cond3A_544 {
        %mul3A_590 = arith.constant 128 : i32
        %mul3A_591 = arith.muli %shift_right_logical3A_537, %mul3A_590 : i32
        %multiple_of3A = tpu.assume_multiple %mul3A_591, 128 : i32
        %and3A_592 = arith.constant 7 : i32
        %and3A_593 = arith.andi %add3A_532, %and3A_592 : i32
        %mul3A_594 = arith.constant 64 : i32
        %mul3A_595 = arith.muli %and3A_593, %mul3A_594 : i32
        %dma_start3A_596 = arith.constant 0 : i32
        %dma_start3A_597 = tpu.memref_slice %arg10[%mul3A_595, %dma_start3A_596] : memref<512x128xf32, #tpu.memory_space<vmem>> -> memref<64x128xf32, #tpu.memory_space<vmem>>
        %dma_start3A_598 = arith.constant 0 : i32
        %dma_start3A_599 = tpu.memref_slice %arg5[%dma_start3A_598, %multiple_of3A] : memref<64x2600000xf32, #tpu.memory_space<hbm>> -> memref<64x128xf32, #tpu.memory_space<hbm>>
        %dma_start3A_600 = arith.constant 0 : i32
        %dma_start3A_601 = tpu.memref_slice %arg10[%mul3A_595, %dma_start3A_600] : memref<512x128xf32, #tpu.memory_space<vmem>> -> memref<64x128xf32, #tpu.memory_space<vmem>>
        %dma_start3A_602 = arith.constant 0 : i32
        %dma_start3A_603 = tpu.memref_slice %arg5[%dma_start3A_602, %multiple_of3A] : memref<64x2600000xf32, #tpu.memory_space<hbm>> -> memref<64x128xf32, #tpu.memory_space<hbm>>
        tpu.enqueue_dma source(%dma_start3A_603 : memref<64x128xf32, #tpu.memory_space<hbm>>) target(%dma_start3A_601 : memref<64x128xf32, #tpu.memory_space<vmem>>) target_semaphore(%arg13 : memref<!tpu.dma_semaphore, #tpu.memory_space<semaphore_mem>>)
      } else {
      }
      %convert_element_type3A_545 = arith.extui %and3A_541 : i1 to i32
      %add3A_546 = arith.addi %add3A_532, %convert_element_type3A_545 : i32
      %max3A_547 = arith.maxsi %max3A_533, %shift_right_logical3A_537 : i32
      %slice3A_548 = vector.extract_strided_slice %get3A_477 {offsets = [5], sizes = [1], strides = [1]} : vector<16xi32> to vector<1xi32>
      %squeeze3A_549 = vector.extract %slice3A_548[0] : i32 from vector<1xi32>
      %shift_right_logical3A_550 = arith.constant 7 : i32
      %shift_right_logical3A_551 = arith.shrui %squeeze3A_549, %shift_right_logical3A_550 : i32
      %gt3A_552 = arith.cmpi sgt, %shift_right_logical3A_551, %max3A_547 : i32
      %lt3A_553 = arith.constant 20312 : i32
      %lt3A_554 = arith.cmpi slt, %shift_right_logical3A_551, %lt3A_553 : i32
      %and3A_555 = arith.andi %gt3A_552, %lt3A_554 : i1
      %convert_element_type3A_556 = arith.extui %and3A_555 : i1 to i32
      %cond3A_557 = arith.constant 0 : i32
      %cond3A_558 = arith.cmpi ne, %convert_element_type3A_556, %cond3A_557 : i32
      scf.if %cond3A_558 {
        %mul3A_590 = arith.constant 128 : i32
        %mul3A_591 = arith.muli %shift_right_logical3A_551, %mul3A_590 : i32
        %multiple_of3A = tpu.assume_multiple %mul3A_591, 128 : i32
        %and3A_592 = arith.constant 7 : i32
        %and3A_593 = arith.andi %add3A_546, %and3A_592 : i32
        %mul3A_594 = arith.constant 64 : i32
        %mul3A_595 = arith.muli %and3A_593, %mul3A_594 : i32
        %dma_start3A_596 = arith.constant 0 : i32
        %dma_start3A_597 = tpu.memref_slice %arg10[%mul3A_595, %dma_start3A_596] : memref<512x128xf32, #tpu.memory_space<vmem>> -> memref<64x128xf32, #tpu.memory_space<vmem>>
        %dma_start3A_598 = arith.constant 0 : i32
        %dma_start3A_599 = tpu.memref_slice %arg5[%dma_start3A_598, %multiple_of3A] : memref<64x2600000xf32, #tpu.memory_space<hbm>> -> memref<64x128xf32, #tpu.memory_space<hbm>>
        %dma_start3A_600 = arith.constant 0 : i32
        %dma_start3A_601 = tpu.memref_slice %arg10[%mul3A_595, %dma_start3A_600] : memref<512x128xf32, #tpu.memory_space<vmem>> -> memref<64x128xf32, #tpu.memory_space<vmem>>
        %dma_start3A_602 = arith.constant 0 : i32
        %dma_start3A_603 = tpu.memref_slice %arg5[%dma_start3A_602, %multiple_of3A] : memref<64x2600000xf32, #tpu.memory_space<hbm>> -> memref<64x128xf32, #tpu.memory_space<hbm>>
        tpu.enqueue_dma source(%dma_start3A_603 : memref<64x128xf32, #tpu.memory_space<hbm>>) target(%dma_start3A_601 : memref<64x128xf32, #tpu.memory_space<vmem>>) target_semaphore(%arg13 : memref<!tpu.dma_semaphore, #tpu.memory_space<semaphore_mem>>)
      } else {
      }
      %convert_element_type3A_559 = arith.extui %and3A_555 : i1 to i32
      %add3A_560 = arith.addi %add3A_546, %convert_element_type3A_559 : i32
      %max3A_561 = arith.maxsi %max3A_547, %shift_right_logical3A_551 : i32
      %slice3A_562 = vector.extract_strided_slice %get3A_477 {offsets = [6], sizes = [1], strides = [1]} : vector<16xi32> to vector<1xi32>
      %squeeze3A_563 = vector.extract %slice3A_562[0] : i32 from vector<1xi32>
      %shift_right_logical3A_564 = arith.constant 7 : i32
      %shift_right_logical3A_565 = arith.shrui %squeeze3A_563, %shift_right_logical3A_564 : i32
      %gt3A_566 = arith.cmpi sgt, %shift_right_logical3A_565, %max3A_561 : i32
      %lt3A_567 = arith.constant 20312 : i32
      %lt3A_568 = arith.cmpi slt, %shift_right_logical3A_565, %lt3A_567 : i32
      %and3A_569 = arith.andi %gt3A_566, %lt3A_568 : i1
      %convert_element_type3A_570 = arith.extui %and3A_569 : i1 to i32
      %cond3A_571 = arith.constant 0 : i32
      %cond3A_572 = arith.cmpi ne, %convert_element_type3A_570, %cond3A_571 : i32
      scf.if %cond3A_572 {
        %mul3A_590 = arith.constant 128 : i32
        %mul3A_591 = arith.muli %shift_right_logical3A_565, %mul3A_590 : i32
        %multiple_of3A = tpu.assume_multiple %mul3A_591, 128 : i32
        %and3A_592 = arith.constant 7 : i32
        %and3A_593 = arith.andi %add3A_560, %and3A_592 : i32
        %mul3A_594 = arith.constant 64 : i32
        %mul3A_595 = arith.muli %and3A_593, %mul3A_594 : i32
        %dma_start3A_596 = arith.constant 0 : i32
        %dma_start3A_597 = tpu.memref_slice %arg10[%mul3A_595, %dma_start3A_596] : memref<512x128xf32, #tpu.memory_space<vmem>> -> memref<64x128xf32, #tpu.memory_space<vmem>>
        %dma_start3A_598 = arith.constant 0 : i32
        %dma_start3A_599 = tpu.memref_slice %arg5[%dma_start3A_598, %multiple_of3A] : memref<64x2600000xf32, #tpu.memory_space<hbm>> -> memref<64x128xf32, #tpu.memory_space<hbm>>
        %dma_start3A_600 = arith.constant 0 : i32
        %dma_start3A_601 = tpu.memref_slice %arg10[%mul3A_595, %dma_start3A_600] : memref<512x128xf32, #tpu.memory_space<vmem>> -> memref<64x128xf32, #tpu.memory_space<vmem>>
        %dma_start3A_602 = arith.constant 0 : i32
        %dma_start3A_603 = tpu.memref_slice %arg5[%dma_start3A_602, %multiple_of3A] : memref<64x2600000xf32, #tpu.memory_space<hbm>> -> memref<64x128xf32, #tpu.memory_space<hbm>>
        tpu.enqueue_dma source(%dma_start3A_603 : memref<64x128xf32, #tpu.memory_space<hbm>>) target(%dma_start3A_601 : memref<64x128xf32, #tpu.memory_space<vmem>>) target_semaphore(%arg13 : memref<!tpu.dma_semaphore, #tpu.memory_space<semaphore_mem>>)
      } else {
      }
      %convert_element_type3A_573 = arith.extui %and3A_569 : i1 to i32
      %add3A_574 = arith.addi %add3A_560, %convert_element_type3A_573 : i32
      %max3A_575 = arith.maxsi %max3A_561, %shift_right_logical3A_565 : i32
      %slice3A_576 = vector.extract_strided_slice %get3A_477 {offsets = [7], sizes = [1], strides = [1]} : vector<16xi32> to vector<1xi32>
      %squeeze3A_577 = vector.extract %slice3A_576[0] : i32 from vector<1xi32>
      %shift_right_logical3A_578 = arith.constant 7 : i32
      %shift_right_logical3A_579 = arith.shrui %squeeze3A_577, %shift_right_logical3A_578 : i32
      %gt3A_580 = arith.cmpi sgt, %shift_right_logical3A_579, %max3A_575 : i32
      %lt3A_581 = arith.constant 20312 : i32
      %lt3A_582 = arith.cmpi slt, %shift_right_logical3A_579, %lt3A_581 : i32
      %and3A_583 = arith.andi %gt3A_580, %lt3A_582 : i1
      %convert_element_type3A_584 = arith.extui %and3A_583 : i1 to i32
      %cond3A_585 = arith.constant 0 : i32
      %cond3A_586 = arith.cmpi ne, %convert_element_type3A_584, %cond3A_585 : i32
      scf.if %cond3A_586 {
        %mul3A_590 = arith.constant 128 : i32
        %mul3A_591 = arith.muli %shift_right_logical3A_579, %mul3A_590 : i32
        %multiple_of3A = tpu.assume_multiple %mul3A_591, 128 : i32
        %and3A_592 = arith.constant 7 : i32
        %and3A_593 = arith.andi %add3A_574, %and3A_592 : i32
        %mul3A_594 = arith.constant 64 : i32
        %mul3A_595 = arith.muli %and3A_593, %mul3A_594 : i32
        %dma_start3A_596 = arith.constant 0 : i32
        %dma_start3A_597 = tpu.memref_slice %arg10[%mul3A_595, %dma_start3A_596] : memref<512x128xf32, #tpu.memory_space<vmem>> -> memref<64x128xf32, #tpu.memory_space<vmem>>
        %dma_start3A_598 = arith.constant 0 : i32
        %dma_start3A_599 = tpu.memref_slice %arg5[%dma_start3A_598, %multiple_of3A] : memref<64x2600000xf32, #tpu.memory_space<hbm>> -> memref<64x128xf32, #tpu.memory_space<hbm>>
        %dma_start3A_600 = arith.constant 0 : i32
        %dma_start3A_601 = tpu.memref_slice %arg10[%mul3A_595, %dma_start3A_600] : memref<512x128xf32, #tpu.memory_space<vmem>> -> memref<64x128xf32, #tpu.memory_space<vmem>>
        %dma_start3A_602 = arith.constant 0 : i32
        %dma_start3A_603 = tpu.memref_slice %arg5[%dma_start3A_602, %multiple_of3A] : memref<64x2600000xf32, #tpu.memory_space<hbm>> -> memref<64x128xf32, #tpu.memory_space<hbm>>
        tpu.enqueue_dma source(%dma_start3A_603 : memref<64x128xf32, #tpu.memory_space<hbm>>) target(%dma_start3A_601 : memref<64x128xf32, #tpu.memory_space<vmem>>) target_semaphore(%arg13 : memref<!tpu.dma_semaphore, #tpu.memory_space<semaphore_mem>>)
      } else {
      }
      %convert_element_type3A_587 = arith.extui %and3A_583 : i1 to i32
      %add3A_588 = arith.addi %add3A_574, %convert_element_type3A_587 : i32
      %max3A_589 = arith.maxsi %max3A_575, %shift_right_logical3A_579 : i32
      scf.yield %max3A_589, %add3A_588, %scan3A_411, %scan3A_412, %scan3A_412 : i32, i32, i32, i32, i32
    }
    %scan3A_12 = arith.constant 416 : i32
    %add3A_13 = arith.constant 0 : i32
    %add3A_14 = arith.addi %scan3A_11#4, %add3A_13 : i32
    %lt3A = arith.cmpi slt, %add3A_14, %scan3A_11#1 : i32
    %convert_element_type3A = arith.extui %lt3A : i1 to i32
    %cond3A = arith.constant 0 : i32
    %cond3A_15 = arith.cmpi ne, %convert_element_type3A, %cond3A : i32
    scf.if %cond3A_15 {
      %dma_wait3A_410 = arith.constant 0 : i32
      %dma_wait3A_411 = arith.constant 0 : i32
      %dma_wait3A_412 = tpu.memref_slice %arg10[%dma_wait3A_410, %dma_wait3A_411] : memref<512x128xf32, #tpu.memory_space<vmem>> -> memref<64x128xf32, #tpu.memory_space<vmem>>
      %dma_wait3A_413 = arith.constant 0 : i32
      %dma_wait3A_414 = arith.constant 0 : i32
      %dma_wait3A_415 = tpu.memref_slice %arg5[%dma_wait3A_413, %dma_wait3A_414] : memref<64x2600000xf32, #tpu.memory_space<hbm>> -> memref<64x128xf32, #tpu.memory_space<hbm>>
      %dma_wait3A_416 = arith.constant 0 : i32
      %dma_wait3A_417 = arith.constant 0 : i32
      %dma_wait3A_418 = tpu.memref_slice %arg10[%dma_wait3A_416, %dma_wait3A_417] : memref<512x128xf32, #tpu.memory_space<vmem>> -> memref<64x128xf32, #tpu.memory_space<vmem>>
      %dma_wait3A_419 = arith.constant 0 : i32
      %dma_wait3A_420 = arith.constant 0 : i32
      %dma_wait3A_421 = tpu.memref_slice %arg5[%dma_wait3A_419, %dma_wait3A_420] : memref<64x2600000xf32, #tpu.memory_space<hbm>> -> memref<64x128xf32, #tpu.memory_space<hbm>>
      tpu.wait_dma2 semaphore(%arg13 : memref<!tpu.dma_semaphore, #tpu.memory_space<semaphore_mem>>) src(%dma_wait3A_421 : memref<64x128xf32, #tpu.memory_space<hbm>>) dst(%dma_wait3A_418 : memref<64x128xf32, #tpu.memory_space<vmem>>)
    } else {
    }
    %add3A_16 = arith.constant 1 : i32
    %add3A_17 = arith.addi %scan3A_11#4, %add3A_16 : i32
    %lt3A_18 = arith.cmpi slt, %add3A_17, %scan3A_11#1 : i32
    %convert_element_type3A_19 = arith.extui %lt3A_18 : i1 to i32
    %cond3A_20 = arith.constant 0 : i32
    %cond3A_21 = arith.cmpi ne, %convert_element_type3A_19, %cond3A_20 : i32
    scf.if %cond3A_21 {
      %dma_wait3A_410 = arith.constant 0 : i32
      %dma_wait3A_411 = arith.constant 0 : i32
      %dma_wait3A_412 = tpu.memref_slice %arg10[%dma_wait3A_410, %dma_wait3A_411] : memref<512x128xf32, #tpu.memory_space<vmem>> -> memref<64x128xf32, #tpu.memory_space<vmem>>
      %dma_wait3A_413 = arith.constant 0 : i32
      %dma_wait3A_414 = arith.constant 0 : i32
      %dma_wait3A_415 = tpu.memref_slice %arg5[%dma_wait3A_413, %dma_wait3A_414] : memref<64x2600000xf32, #tpu.memory_space<hbm>> -> memref<64x128xf32, #tpu.memory_space<hbm>>
      %dma_wait3A_416 = arith.constant 0 : i32
      %dma_wait3A_417 = arith.constant 0 : i32
      %dma_wait3A_418 = tpu.memref_slice %arg10[%dma_wait3A_416, %dma_wait3A_417] : memref<512x128xf32, #tpu.memory_space<vmem>> -> memref<64x128xf32, #tpu.memory_space<vmem>>
      %dma_wait3A_419 = arith.constant 0 : i32
      %dma_wait3A_420 = arith.constant 0 : i32
      %dma_wait3A_421 = tpu.memref_slice %arg5[%dma_wait3A_419, %dma_wait3A_420] : memref<64x2600000xf32, #tpu.memory_space<hbm>> -> memref<64x128xf32, #tpu.memory_space<hbm>>
      tpu.wait_dma2 semaphore(%arg13 : memref<!tpu.dma_semaphore, #tpu.memory_space<semaphore_mem>>) src(%dma_wait3A_421 : memref<64x128xf32, #tpu.memory_space<hbm>>) dst(%dma_wait3A_418 : memref<64x128xf32, #tpu.memory_space<vmem>>)
    } else {
    }
    %add3A_22 = arith.constant 2 : i32
    %add3A_23 = arith.addi %scan3A_11#4, %add3A_22 : i32
    %lt3A_24 = arith.cmpi slt, %add3A_23, %scan3A_11#1 : i32
    %convert_element_type3A_25 = arith.extui %lt3A_24 : i1 to i32
    %cond3A_26 = arith.constant 0 : i32
    %cond3A_27 = arith.cmpi ne, %convert_element_type3A_25, %cond3A_26 : i32
    scf.if %cond3A_27 {
      %dma_wait3A_410 = arith.constant 0 : i32
      %dma_wait3A_411 = arith.constant 0 : i32
      %dma_wait3A_412 = tpu.memref_slice %arg10[%dma_wait3A_410, %dma_wait3A_411] : memref<512x128xf32, #tpu.memory_space<vmem>> -> memref<64x128xf32, #tpu.memory_space<vmem>>
      %dma_wait3A_413 = arith.constant 0 : i32
      %dma_wait3A_414 = arith.constant 0 : i32
      %dma_wait3A_415 = tpu.memref_slice %arg5[%dma_wait3A_413, %dma_wait3A_414] : memref<64x2600000xf32, #tpu.memory_space<hbm>> -> memref<64x128xf32, #tpu.memory_space<hbm>>
      %dma_wait3A_416 = arith.constant 0 : i32
      %dma_wait3A_417 = arith.constant 0 : i32
      %dma_wait3A_418 = tpu.memref_slice %arg10[%dma_wait3A_416, %dma_wait3A_417] : memref<512x128xf32, #tpu.memory_space<vmem>> -> memref<64x128xf32, #tpu.memory_space<vmem>>
      %dma_wait3A_419 = arith.constant 0 : i32
      %dma_wait3A_420 = arith.constant 0 : i32
      %dma_wait3A_421 = tpu.memref_slice %arg5[%dma_wait3A_419, %dma_wait3A_420] : memref<64x2600000xf32, #tpu.memory_space<hbm>> -> memref<64x128xf32, #tpu.memory_space<hbm>>
      tpu.wait_dma2 semaphore(%arg13 : memref<!tpu.dma_semaphore, #tpu.memory_space<semaphore_mem>>) src(%dma_wait3A_421 : memref<64x128xf32, #tpu.memory_space<hbm>>) dst(%dma_wait3A_418 : memref<64x128xf32, #tpu.memory_space<vmem>>)
    } else {
    }
    %add3A_28 = arith.constant 3 : i32
    %add3A_29 = arith.addi %scan3A_11#4, %add3A_28 : i32
    %lt3A_30 = arith.cmpi slt, %add3A_29, %scan3A_11#1 : i32
    %convert_element_type3A_31 = arith.extui %lt3A_30 : i1 to i32
    %cond3A_32 = arith.constant 0 : i32
    %cond3A_33 = arith.cmpi ne, %convert_element_type3A_31, %cond3A_32 : i32
    scf.if %cond3A_33 {
      %dma_wait3A_410 = arith.constant 0 : i32
      %dma_wait3A_411 = arith.constant 0 : i32
      %dma_wait3A_412 = tpu.memref_slice %arg10[%dma_wait3A_410, %dma_wait3A_411] : memref<512x128xf32, #tpu.memory_space<vmem>> -> memref<64x128xf32, #tpu.memory_space<vmem>>
      %dma_wait3A_413 = arith.constant 0 : i32
      %dma_wait3A_414 = arith.constant 0 : i32
      %dma_wait3A_415 = tpu.memref_slice %arg5[%dma_wait3A_413, %dma_wait3A_414] : memref<64x2600000xf32, #tpu.memory_space<hbm>> -> memref<64x128xf32, #tpu.memory_space<hbm>>
      %dma_wait3A_416 = arith.constant 0 : i32
      %dma_wait3A_417 = arith.constant 0 : i32
      %dma_wait3A_418 = tpu.memref_slice %arg10[%dma_wait3A_416, %dma_wait3A_417] : memref<512x128xf32, #tpu.memory_space<vmem>> -> memref<64x128xf32, #tpu.memory_space<vmem>>
      %dma_wait3A_419 = arith.constant 0 : i32
      %dma_wait3A_420 = arith.constant 0 : i32
      %dma_wait3A_421 = tpu.memref_slice %arg5[%dma_wait3A_419, %dma_wait3A_420] : memref<64x2600000xf32, #tpu.memory_space<hbm>> -> memref<64x128xf32, #tpu.memory_space<hbm>>
      tpu.wait_dma2 semaphore(%arg13 : memref<!tpu.dma_semaphore, #tpu.memory_space<semaphore_mem>>) src(%dma_wait3A_421 : memref<64x128xf32, #tpu.memory_space<hbm>>) dst(%dma_wait3A_418 : memref<64x128xf32, #tpu.memory_space<vmem>>)
    } else {
    }
    %add3A_34 = arith.constant 4 : i32
    %add3A_35 = arith.addi %scan3A_11#4, %add3A_34 : i32
    %lt3A_36 = arith.cmpi slt, %add3A_35, %scan3A_11#1 : i32
    %convert_element_type3A_37 = arith.extui %lt3A_36 : i1 to i32
    %cond3A_38 = arith.constant 0 : i32
    %cond3A_39 = arith.cmpi ne, %convert_element_type3A_37, %cond3A_38 : i32
    scf.if %cond3A_39 {
      %dma_wait3A_410 = arith.constant 0 : i32
      %dma_wait3A_411 = arith.constant 0 : i32
      %dma_wait3A_412 = tpu.memref_slice %arg10[%dma_wait3A_410, %dma_wait3A_411] : memref<512x128xf32, #tpu.memory_space<vmem>> -> memref<64x128xf32, #tpu.memory_space<vmem>>
      %dma_wait3A_413 = arith.constant 0 : i32
      %dma_wait3A_414 = arith.constant 0 : i32
      %dma_wait3A_415 = tpu.memref_slice %arg5[%dma_wait3A_413, %dma_wait3A_414] : memref<64x2600000xf32, #tpu.memory_space<hbm>> -> memref<64x128xf32, #tpu.memory_space<hbm>>
      %dma_wait3A_416 = arith.constant 0 : i32
      %dma_wait3A_417 = arith.constant 0 : i32
      %dma_wait3A_418 = tpu.memref_slice %arg10[%dma_wait3A_416, %dma_wait3A_417] : memref<512x128xf32, #tpu.memory_space<vmem>> -> memref<64x128xf32, #tpu.memory_space<vmem>>
      %dma_wait3A_419 = arith.constant 0 : i32
      %dma_wait3A_420 = arith.constant 0 : i32
      %dma_wait3A_421 = tpu.memref_slice %arg5[%dma_wait3A_419, %dma_wait3A_420] : memref<64x2600000xf32, #tpu.memory_space<hbm>> -> memref<64x128xf32, #tpu.memory_space<hbm>>
      tpu.wait_dma2 semaphore(%arg13 : memref<!tpu.dma_semaphore, #tpu.memory_space<semaphore_mem>>) src(%dma_wait3A_421 : memref<64x128xf32, #tpu.memory_space<hbm>>) dst(%dma_wait3A_418 : memref<64x128xf32, #tpu.memory_space<vmem>>)
    } else {
    }
    %add3A_40 = arith.constant 5 : i32
    %add3A_41 = arith.addi %scan3A_11#4, %add3A_40 : i32
    %lt3A_42 = arith.cmpi slt, %add3A_41, %scan3A_11#1 : i32
    %convert_element_type3A_43 = arith.extui %lt3A_42 : i1 to i32
    %cond3A_44 = arith.constant 0 : i32
    %cond3A_45 = arith.cmpi ne, %convert_element_type3A_43, %cond3A_44 : i32
    scf.if %cond3A_45 {
      %dma_wait3A_410 = arith.constant 0 : i32
      %dma_wait3A_411 = arith.constant 0 : i32
      %dma_wait3A_412 = tpu.memref_slice %arg10[%dma_wait3A_410, %dma_wait3A_411] : memref<512x128xf32, #tpu.memory_space<vmem>> -> memref<64x128xf32, #tpu.memory_space<vmem>>
      %dma_wait3A_413 = arith.constant 0 : i32
      %dma_wait3A_414 = arith.constant 0 : i32
      %dma_wait3A_415 = tpu.memref_slice %arg5[%dma_wait3A_413, %dma_wait3A_414] : memref<64x2600000xf32, #tpu.memory_space<hbm>> -> memref<64x128xf32, #tpu.memory_space<hbm>>
      %dma_wait3A_416 = arith.constant 0 : i32
      %dma_wait3A_417 = arith.constant 0 : i32
      %dma_wait3A_418 = tpu.memref_slice %arg10[%dma_wait3A_416, %dma_wait3A_417] : memref<512x128xf32, #tpu.memory_space<vmem>> -> memref<64x128xf32, #tpu.memory_space<vmem>>
      %dma_wait3A_419 = arith.constant 0 : i32
      %dma_wait3A_420 = arith.constant 0 : i32
      %dma_wait3A_421 = tpu.memref_slice %arg5[%dma_wait3A_419, %dma_wait3A_420] : memref<64x2600000xf32, #tpu.memory_space<hbm>> -> memref<64x128xf32, #tpu.memory_space<hbm>>
      tpu.wait_dma2 semaphore(%arg13 : memref<!tpu.dma_semaphore, #tpu.memory_space<semaphore_mem>>) src(%dma_wait3A_421 : memref<64x128xf32, #tpu.memory_space<hbm>>) dst(%dma_wait3A_418 : memref<64x128xf32, #tpu.memory_space<vmem>>)
    } else {
    }
    %add3A_46 = arith.constant 6 : i32
    %add3A_47 = arith.addi %scan3A_11#4, %add3A_46 : i32
    %lt3A_48 = arith.cmpi slt, %add3A_47, %scan3A_11#1 : i32
    %convert_element_type3A_49 = arith.extui %lt3A_48 : i1 to i32
    %cond3A_50 = arith.constant 0 : i32
    %cond3A_51 = arith.cmpi ne, %convert_element_type3A_49, %cond3A_50 : i32
    scf.if %cond3A_51 {
      %dma_wait3A_410 = arith.constant 0 : i32
      %dma_wait3A_411 = arith.constant 0 : i32
      %dma_wait3A_412 = tpu.memref_slice %arg10[%dma_wait3A_410, %dma_wait3A_411] : memref<512x128xf32, #tpu.memory_space<vmem>> -> memref<64x128xf32, #tpu.memory_space<vmem>>
      %dma_wait3A_413 = arith.constant 0 : i32
      %dma_wait3A_414 = arith.constant 0 : i32
      %dma_wait3A_415 = tpu.memref_slice %arg5[%dma_wait3A_413, %dma_wait3A_414] : memref<64x2600000xf32, #tpu.memory_space<hbm>> -> memref<64x128xf32, #tpu.memory_space<hbm>>
      %dma_wait3A_416 = arith.constant 0 : i32
      %dma_wait3A_417 = arith.constant 0 : i32
      %dma_wait3A_418 = tpu.memref_slice %arg10[%dma_wait3A_416, %dma_wait3A_417] : memref<512x128xf32, #tpu.memory_space<vmem>> -> memref<64x128xf32, #tpu.memory_space<vmem>>
      %dma_wait3A_419 = arith.constant 0 : i32
      %dma_wait3A_420 = arith.constant 0 : i32
      %dma_wait3A_421 = tpu.memref_slice %arg5[%dma_wait3A_419, %dma_wait3A_420] : memref<64x2600000xf32, #tpu.memory_space<hbm>> -> memref<64x128xf32, #tpu.memory_space<hbm>>
      tpu.wait_dma2 semaphore(%arg13 : memref<!tpu.dma_semaphore, #tpu.memory_space<semaphore_mem>>) src(%dma_wait3A_421 : memref<64x128xf32, #tpu.memory_space<hbm>>) dst(%dma_wait3A_418 : memref<64x128xf32, #tpu.memory_space<vmem>>)
    } else {
    }
    %add3A_52 = arith.constant 7 : i32
    %add3A_53 = arith.addi %scan3A_11#4, %add3A_52 : i32
    %lt3A_54 = arith.cmpi slt, %add3A_53, %scan3A_11#1 : i32
    %convert_element_type3A_55 = arith.extui %lt3A_54 : i1 to i32
    %cond3A_56 = arith.constant 0 : i32
    %cond3A_57 = arith.cmpi ne, %convert_element_type3A_55, %cond3A_56 : i32
    scf.if %cond3A_57 {
      %dma_wait3A_410 = arith.constant 0 : i32
      %dma_wait3A_411 = arith.constant 0 : i32
      %dma_wait3A_412 = tpu.memref_slice %arg10[%dma_wait3A_410, %dma_wait3A_411] : memref<512x128xf32, #tpu.memory_space<vmem>> -> memref<64x128xf32, #tpu.memory_space<vmem>>
      %dma_wait3A_413 = arith.constant 0 : i32
      %dma_wait3A_414 = arith.constant 0 : i32
      %dma_wait3A_415 = tpu.memref_slice %arg5[%dma_wait3A_413, %dma_wait3A_414] : memref<64x2600000xf32, #tpu.memory_space<hbm>> -> memref<64x128xf32, #tpu.memory_space<hbm>>
      %dma_wait3A_416 = arith.constant 0 : i32
      %dma_wait3A_417 = arith.constant 0 : i32
      %dma_wait3A_418 = tpu.memref_slice %arg10[%dma_wait3A_416, %dma_wait3A_417] : memref<512x128xf32, #tpu.memory_space<vmem>> -> memref<64x128xf32, #tpu.memory_space<vmem>>
      %dma_wait3A_419 = arith.constant 0 : i32
      %dma_wait3A_420 = arith.constant 0 : i32
      %dma_wait3A_421 = tpu.memref_slice %arg5[%dma_wait3A_419, %dma_wait3A_420] : memref<64x2600000xf32, #tpu.memory_space<hbm>> -> memref<64x128xf32, #tpu.memory_space<hbm>>
      tpu.wait_dma2 semaphore(%arg13 : memref<!tpu.dma_semaphore, #tpu.memory_space<semaphore_mem>>) src(%dma_wait3A_421 : memref<64x128xf32, #tpu.memory_space<hbm>>) dst(%dma_wait3A_418 : memref<64x128xf32, #tpu.memory_space<vmem>>)
    } else {
    }
    %dma_wait3A = arith.constant 0 : i32
    %dma_wait3A_58 = tpu.memref_slice %arg11[%dma_wait3A] : memref<512xf32, #tpu.memory_space<vmem>> -> memref<64xf32, #tpu.memory_space<vmem>>
    %dma_wait3A_59 = arith.constant 0 : i32
    %dma_wait3A_60 = tpu.memref_slice %arg11[%dma_wait3A_59] : memref<512xf32, #tpu.memory_space<vmem>> -> memref<64xf32, #tpu.memory_space<vmem>>
    tpu.wait_dma2 semaphore(%arg14 : memref<!tpu.dma_semaphore, #tpu.memory_space<semaphore_mem>>) src(%arg4 : memref<64xf32, #tpu.memory_space<hbm>>) dst(%dma_wait3A_60 : memref<64xf32, #tpu.memory_space<vmem>>)
    %dma_wait3A_61 = arith.constant 64 : i32
    %dma_wait3A_62 = tpu.memref_slice %arg11[%dma_wait3A_61] : memref<512xf32, #tpu.memory_space<vmem>> -> memref<64xf32, #tpu.memory_space<vmem>>
    %dma_wait3A_63 = arith.constant 64 : i32
    %dma_wait3A_64 = tpu.memref_slice %arg11[%dma_wait3A_63] : memref<512xf32, #tpu.memory_space<vmem>> -> memref<64xf32, #tpu.memory_space<vmem>>
    tpu.wait_dma2 semaphore(%arg14 : memref<!tpu.dma_semaphore, #tpu.memory_space<semaphore_mem>>) src(%arg4 : memref<64xf32, #tpu.memory_space<hbm>>) dst(%dma_wait3A_64 : memref<64xf32, #tpu.memory_space<vmem>>)
    %dma_wait3A_65 = arith.constant 128 : i32
    %dma_wait3A_66 = tpu.memref_slice %arg11[%dma_wait3A_65] : memref<512xf32, #tpu.memory_space<vmem>> -> memref<64xf32, #tpu.memory_space<vmem>>
    %dma_wait3A_67 = arith.constant 128 : i32
    %dma_wait3A_68 = tpu.memref_slice %arg11[%dma_wait3A_67] : memref<512xf32, #tpu.memory_space<vmem>> -> memref<64xf32, #tpu.memory_space<vmem>>
    tpu.wait_dma2 semaphore(%arg14 : memref<!tpu.dma_semaphore, #tpu.memory_space<semaphore_mem>>) src(%arg4 : memref<64xf32, #tpu.memory_space<hbm>>) dst(%dma_wait3A_68 : memref<64xf32, #tpu.memory_space<vmem>>)
    %dma_wait3A_69 = arith.constant 192 : i32
    %dma_wait3A_70 = tpu.memref_slice %arg11[%dma_wait3A_69] : memref<512xf32, #tpu.memory_space<vmem>> -> memref<64xf32, #tpu.memory_space<vmem>>
    %dma_wait3A_71 = arith.constant 192 : i32
    %dma_wait3A_72 = tpu.memref_slice %arg11[%dma_wait3A_71] : memref<512xf32, #tpu.memory_space<vmem>> -> memref<64xf32, #tpu.memory_space<vmem>>
    tpu.wait_dma2 semaphore(%arg14 : memref<!tpu.dma_semaphore, #tpu.memory_space<semaphore_mem>>) src(%arg4 : memref<64xf32, #tpu.memory_space<hbm>>) dst(%dma_wait3A_72 : memref<64xf32, #tpu.memory_space<vmem>>)
    %dma_wait3A_73 = arith.constant 256 : i32
    %dma_wait3A_74 = tpu.memref_slice %arg11[%dma_wait3A_73] : memref<512xf32, #tpu.memory_space<vmem>> -> memref<64xf32, #tpu.memory_space<vmem>>
    %dma_wait3A_75 = arith.constant 256 : i32
    %dma_wait3A_76 = tpu.memref_slice %arg11[%dma_wait3A_75] : memref<512xf32, #tpu.memory_space<vmem>> -> memref<64xf32, #tpu.memory_space<vmem>>
    tpu.wait_dma2 semaphore(%arg14 : memref<!tpu.dma_semaphore, #tpu.memory_space<semaphore_mem>>) src(%arg4 : memref<64xf32, #tpu.memory_space<hbm>>) dst(%dma_wait3A_76 : memref<64xf32, #tpu.memory_space<vmem>>)
    %dma_wait3A_77 = arith.constant 320 : i32
    %dma_wait3A_78 = tpu.memref_slice %arg11[%dma_wait3A_77] : memref<512xf32, #tpu.memory_space<vmem>> -> memref<64xf32, #tpu.memory_space<vmem>>
    %dma_wait3A_79 = arith.constant 320 : i32
    %dma_wait3A_80 = tpu.memref_slice %arg11[%dma_wait3A_79] : memref<512xf32, #tpu.memory_space<vmem>> -> memref<64xf32, #tpu.memory_space<vmem>>
    tpu.wait_dma2 semaphore(%arg14 : memref<!tpu.dma_semaphore, #tpu.memory_space<semaphore_mem>>) src(%arg4 : memref<64xf32, #tpu.memory_space<hbm>>) dst(%dma_wait3A_80 : memref<64xf32, #tpu.memory_space<vmem>>)
    %dma_wait3A_81 = arith.constant 384 : i32
    %dma_wait3A_82 = tpu.memref_slice %arg11[%dma_wait3A_81] : memref<512xf32, #tpu.memory_space<vmem>> -> memref<64xf32, #tpu.memory_space<vmem>>
    %dma_wait3A_83 = arith.constant 384 : i32
    %dma_wait3A_84 = tpu.memref_slice %arg11[%dma_wait3A_83] : memref<512xf32, #tpu.memory_space<vmem>> -> memref<64xf32, #tpu.memory_space<vmem>>
    tpu.wait_dma2 semaphore(%arg14 : memref<!tpu.dma_semaphore, #tpu.memory_space<semaphore_mem>>) src(%arg4 : memref<64xf32, #tpu.memory_space<hbm>>) dst(%dma_wait3A_84 : memref<64xf32, #tpu.memory_space<vmem>>)
    %dma_wait3A_85 = arith.constant 448 : i32
    %dma_wait3A_86 = tpu.memref_slice %arg11[%dma_wait3A_85] : memref<512xf32, #tpu.memory_space<vmem>> -> memref<64xf32, #tpu.memory_space<vmem>>
    %dma_wait3A_87 = arith.constant 448 : i32
    %dma_wait3A_88 = tpu.memref_slice %arg11[%dma_wait3A_87] : memref<512xf32, #tpu.memory_space<vmem>> -> memref<64xf32, #tpu.memory_space<vmem>>
    tpu.wait_dma2 semaphore(%arg14 : memref<!tpu.dma_semaphore, #tpu.memory_space<semaphore_mem>>) src(%arg4 : memref<64xf32, #tpu.memory_space<hbm>>) dst(%dma_wait3A_88 : memref<64xf32, #tpu.memory_space<vmem>>)
    %get3A = arith.constant 3320 : index
    %get3A_89 = tpu.vector_load %arg8[%get3A] {strides = array<i32>} : memref<3344xi32, #tpu.memory_space<vmem>>, vector<16xi32>,
    %get3A_90 = arith.constant 3320 : index
    %get3A_91 = tpu.vector_load %arg9[%get3A_90] {strides = array<i32>} : memref<3344xi32, #tpu.memory_space<vmem>>, vector<16xi32>,
    %slice3A = vector.extract_strided_slice %get3A_89 {offsets = [0], sizes = [1], strides = [1]} : vector<16xi32> to vector<1xi32>
    %squeeze3A = vector.extract %slice3A[0] : i32 from vector<1xi32>
    %slice3A_92 = vector.extract_strided_slice %get3A_91 {offsets = [0], sizes = [1], strides = [1]} : vector<16xi32> to vector<1xi32>
    %squeeze3A_93 = vector.extract %slice3A_92[0] : i32 from vector<1xi32>
    %shift_right_logical3A = arith.constant 7 : i32
    %shift_right_logical3A_94 = arith.shrui %squeeze3A, %shift_right_logical3A : i32
    %and3A = arith.constant 127 : i32
    %and3A_95 = arith.andi %squeeze3A, %and3A : i32
    %gt3A = arith.cmpi sgt, %shift_right_logical3A_94, %scan3A_11#2 : i32
    %lt3A_96 = arith.constant 20312 : i32
    %lt3A_97 = arith.cmpi slt, %shift_right_logical3A_94, %lt3A_96 : i32
    %and3A_98 = arith.andi %gt3A, %lt3A_97 : i1
    %convert_element_type3A_99 = arith.extui %and3A_98 : i1 to i32
    %add3A_100 = arith.addi %scan3A_11#3, %convert_element_type3A_99 : i32
    %max3A = arith.maxsi %scan3A_11#2, %shift_right_logical3A_94 : i32
    %sub3A = arith.constant 1 : i32
    %sub3A_101 = arith.subi %add3A_100, %sub3A : i32
    %and3A_102 = arith.constant 7 : i32
    %and3A_103 = arith.andi %sub3A_101, %and3A_102 : i32
    %ge3A = arith.constant 2599936 : i32
    %ge3A_104 = arith.cmpi sge, %squeeze3A, %ge3A : i32
    %not3A = arith.constant true
    %not3A_105 = arith.xori %ge3A_104, %not3A : i1
    %convert_element_type3A_106 = arith.extui %not3A_105 : i1 to i32
    %cond3A_107 = arith.constant 0 : i32
    %cond3A_108 = arith.cmpi ne, %convert_element_type3A_106, %cond3A_107 : i32
    scf.if %cond3A_108 {
      %mul3A_410 = arith.constant 64 : i32
      %mul3A_411 = arith.muli %and3A_103, %mul3A_410 : i32
      %broadcast_in_dim3A = vector.broadcast %mul3A_411 : i32 to vector<16xi32>
      %add3A_412 = arith.addi %broadcast_in_dim3A, %iota3A : vector<16xi32>
      %broadcast_in_dim3A_413 = vector.broadcast %and3A_95 : i32 to vector<16xi32>
      %add3A_414 = arith.constant 0 : i32
      %add3A_415 = vector.broadcast %add3A_414 : i32 to vector<16xi32>
      %add3A_416 = arith.addi %add3A_412, %add3A_415 : vector<16xi32>
      %gather3A = tpu.vector_load_idx %arg10[%add3A_416, %broadcast_in_dim3A_413] : memref<512x128xf32, #tpu.memory_space<vmem>>[vector<16xi32>, vector<16xi32>], vector<16xf32>,
      %swap3A = arith.constant 0 : index
      %swap3A_417 = tpu.vector_load %arg11[%swap3A] {strides = array<i32>} : memref<512xf32, #tpu.memory_space<vmem>>, vector<16xf32>,
      tpu.vector_store %arg11[%swap3A], %gather3A {strides = array<i32>} : memref<512xf32, #tpu.memory_space<vmem>>, vector<16xf32>,
      %add3A_418 = arith.constant 16 : i32
      %add3A_419 = vector.broadcast %add3A_418 : i32 to vector<16xi32>
      %add3A_420 = arith.addi %add3A_412, %add3A_419 : vector<16xi32>
      %gather3A_421 = tpu.vector_load_idx %arg10[%add3A_420, %broadcast_in_dim3A_413] : memref<512x128xf32, #tpu.memory_space<vmem>>[vector<16xi32>, vector<16xi32>], vector<16xf32>,
      %swap3A_422 = arith.constant 16 : index
      %swap3A_423 = tpu.vector_load %arg11[%swap3A_422] {strides = array<i32>} : memref<512xf32, #tpu.memory_space<vmem>>, vector<16xf32>,
      tpu.vector_store %arg11[%swap3A_422], %gather3A_421 {strides = array<i32>} : memref<512xf32, #tpu.memory_space<vmem>>, vector<16xf32>,
      %add3A_424 = arith.constant 32 : i32
      %add3A_425 = vector.broadcast %add3A_424 : i32 to vector<16xi32>
      %add3A_426 = arith.addi %add3A_412, %add3A_425 : vector<16xi32>
      %gather3A_427 = tpu.vector_load_idx %arg10[%add3A_426, %broadcast_in_dim3A_413] : memref<512x128xf32, #tpu.memory_space<vmem>>[vector<16xi32>, vector<16xi32>], vector<16xf32>,
      %swap3A_428 = arith.constant 32 : index
      %swap3A_429 = tpu.vector_load %arg11[%swap3A_428] {strides = array<i32>} : memref<512xf32, #tpu.memory_space<vmem>>, vector<16xf32>,
      tpu.vector_store %arg11[%swap3A_428], %gather3A_427 {strides = array<i32>} : memref<512xf32, #tpu.memory_space<vmem>>, vector<16xf32>,
      %add3A_430 = arith.constant 48 : i32
      %add3A_431 = vector.broadcast %add3A_430 : i32 to vector<16xi32>
      %add3A_432 = arith.addi %add3A_412, %add3A_431 : vector<16xi32>
      %gather3A_433 = tpu.vector_load_idx %arg10[%add3A_432, %broadcast_in_dim3A_413] : memref<512x128xf32, #tpu.memory_space<vmem>>[vector<16xi32>, vector<16xi32>], vector<16xf32>,
      %swap3A_434 = arith.constant 48 : index
      %swap3A_435 = tpu.vector_load %arg11[%swap3A_434] {strides = array<i32>} : memref<512xf32, #tpu.memory_space<vmem>>, vector<16xf32>,
      tpu.vector_store %arg11[%swap3A_434], %gather3A_433 {strides = array<i32>} : memref<512xf32, #tpu.memory_space<vmem>>, vector<16xf32>,
    } else {
    }
    %convert_element_type3A_109 = arith.extui %ge3A_104 : i1 to i32
    %cond3A_110 = arith.constant 0 : i32
    %cond3A_111 = arith.cmpi ne, %convert_element_type3A_109, %cond3A_110 : i32
    scf.if %cond3A_111 {
      %sub3A_410 = arith.constant 2599936 : i32
      %sub3A_411 = arith.subi %squeeze3A, %sub3A_410 : i32
      %broadcast_in_dim3A = vector.broadcast %sub3A_411 : i32 to vector<16xi32>
      %add3A_412 = arith.constant 0 : i32
      %add3A_413 = vector.broadcast %add3A_412 : i32 to vector<16xi32>
      %add3A_414 = arith.addi %iota3A, %add3A_413 : vector<16xi32>
      %gather3A = tpu.vector_load_idx %arg12[%add3A_414, %broadcast_in_dim3A] : memref<64x64xf32, #tpu.memory_space<vmem>>[vector<16xi32>, vector<16xi32>], vector<16xf32>,
      %swap3A = arith.constant 0 : index
      %swap3A_415 = tpu.vector_load %arg11[%swap3A] {strides = array<i32>} : memref<512xf32, #tpu.memory_space<vmem>>, vector<16xf32>,
      tpu.vector_store %arg11[%swap3A], %gather3A {strides = array<i32>} : memref<512xf32, #tpu.memory_space<vmem>>, vector<16xf32>,
      %add3A_416 = arith.constant 16 : i32
      %add3A_417 = vector.broadcast %add3A_416 : i32 to vector<16xi32>
      %add3A_418 = arith.addi %iota3A, %add3A_417 : vector<16xi32>
      %gather3A_419 = tpu.vector_load_idx %arg12[%add3A_418, %broadcast_in_dim3A] : memref<64x64xf32, #tpu.memory_space<vmem>>[vector<16xi32>, vector<16xi32>], vector<16xf32>,
      %swap3A_420 = arith.constant 16 : index
      %swap3A_421 = tpu.vector_load %arg11[%swap3A_420] {strides = array<i32>} : memref<512xf32, #tpu.memory_space<vmem>>, vector<16xf32>,
      tpu.vector_store %arg11[%swap3A_420], %gather3A_419 {strides = array<i32>} : memref<512xf32, #tpu.memory_space<vmem>>, vector<16xf32>,
      %add3A_422 = arith.constant 32 : i32
      %add3A_423 = vector.broadcast %add3A_422 : i32 to vector<16xi32>
      %add3A_424 = arith.addi %iota3A, %add3A_423 : vector<16xi32>
      %gather3A_425 = tpu.vector_load_idx %arg12[%add3A_424, %broadcast_in_dim3A] : memref<64x64xf32, #tpu.memory_space<vmem>>[vector<16xi32>, vector<16xi32>], vector<16xf32>,
      %swap3A_426 = arith.constant 32 : index
      %swap3A_427 = tpu.vector_load %arg11[%swap3A_426] {strides = array<i32>} : memref<512xf32, #tpu.memory_space<vmem>>, vector<16xf32>,
      tpu.vector_store %arg11[%swap3A_426], %gather3A_425 {strides = array<i32>} : memref<512xf32, #tpu.memory_space<vmem>>, vector<16xf32>,
      %add3A_428 = arith.constant 48 : i32
      %add3A_429 = vector.broadcast %add3A_428 : i32 to vector<16xi32>
      %add3A_430 = arith.addi %iota3A, %add3A_429 : vector<16xi32>
      %gather3A_431 = tpu.vector_load_idx %arg12[%add3A_430, %broadcast_in_dim3A] : memref<64x64xf32, #tpu.memory_space<vmem>>[vector<16xi32>, vector<16xi32>], vector<16xf32>,
      %swap3A_432 = arith.constant 48 : index
      %swap3A_433 = tpu.vector_load %arg11[%swap3A_432] {strides = array<i32>} : memref<512xf32, #tpu.memory_space<vmem>>, vector<16xf32>,
      tpu.vector_store %arg11[%swap3A_432], %gather3A_431 {strides = array<i32>} : memref<512xf32, #tpu.memory_space<vmem>>, vector<16xf32>,
    } else {
    }
    %mul3A_112 = arith.constant 64 : i32
    %mul3A_113 = arith.muli %squeeze3A_93, %mul3A_112 : i32
    %dma_start3A = arith.constant 0 : i32
    %dma_start3A_114 = tpu.memref_slice %arg11[%dma_start3A] : memref<512xf32, #tpu.memory_space<vmem>> -> memref<64xf32, #tpu.memory_space<vmem>>
    %dma_start3A_115 = tpu.memref_slice %arg7[%mul3A_113] : memref<6815744xf32, #tpu.memory_space<hbm>> -> memref<64xf32, #tpu.memory_space<hbm>>
    %dma_start3A_116 = tpu.memref_slice %arg7[%mul3A_113] : memref<6815744xf32, #tpu.memory_space<hbm>> -> memref<64xf32, #tpu.memory_space<hbm>>
    %dma_start3A_117 = arith.constant 0 : i32
    %dma_start3A_118 = tpu.memref_slice %arg11[%dma_start3A_117] : memref<512xf32, #tpu.memory_space<vmem>> -> memref<64xf32, #tpu.memory_space<vmem>>
    tpu.enqueue_dma source(%dma_start3A_118 : memref<64xf32, #tpu.memory_space<vmem>>) target(%dma_start3A_116 : memref<64xf32, #tpu.memory_space<hbm>>) target_semaphore(%arg14 : memref<!tpu.dma_semaphore, #tpu.memory_space<semaphore_mem>>)
    %slice3A_119 = vector.extract_strided_slice %get3A_89 {offsets = [1], sizes = [1], strides = [1]} : vector<16xi32> to vector<1xi32>
    %squeeze3A_120 = vector.extract %slice3A_119[0] : i32 from vector<1xi32>
    %slice3A_121 = vector.extract_strided_slice %get3A_91 {offsets = [1], sizes = [1], strides = [1]} : vector<16xi32> to vector<1xi32>
    %squeeze3A_122 = vector.extract %slice3A_121[0] : i32 from vector<1xi32>
    %shift_right_logical3A_123 = arith.constant 7 : i32
    %shift_right_logical3A_124 = arith.shrui %squeeze3A_120, %shift_right_logical3A_123 : i32
    %and3A_125 = arith.constant 127 : i32
    %and3A_126 = arith.andi %squeeze3A_120, %and3A_125 : i32
    %gt3A_127 = arith.cmpi sgt, %shift_right_logical3A_124, %max3A : i32
    %lt3A_128 = arith.constant 20312 : i32
    %lt3A_129 = arith.cmpi slt, %shift_right_logical3A_124, %lt3A_128 : i32
    %and3A_130 = arith.andi %gt3A_127, %lt3A_129 : i1
    %convert_element_type3A_131 = arith.extui %and3A_130 : i1 to i32
    %add3A_132 = arith.addi %add3A_100, %convert_element_type3A_131 : i32
    %max3A_133 = arith.maxsi %max3A, %shift_right_logical3A_124 : i32
    %sub3A_134 = arith.constant 1 : i32
    %sub3A_135 = arith.subi %add3A_132, %sub3A_134 : i32
    %and3A_136 = arith.constant 7 : i32
    %and3A_137 = arith.andi %sub3A_135, %and3A_136 : i32
    %ge3A_138 = arith.constant 2599936 : i32
    %ge3A_139 = arith.cmpi sge, %squeeze3A_120, %ge3A_138 : i32
    %not3A_140 = arith.constant true
    %not3A_141 = arith.xori %ge3A_139, %not3A_140 : i1
    %convert_element_type3A_142 = arith.extui %not3A_141 : i1 to i32
    %cond3A_143 = arith.constant 0 : i32
    %cond3A_144 = arith.cmpi ne, %convert_element_type3A_142, %cond3A_143 : i32
    scf.if %cond3A_144 {
      %mul3A_410 = arith.constant 64 : i32
      %mul3A_411 = arith.muli %and3A_137, %mul3A_410 : i32
      %broadcast_in_dim3A = vector.broadcast %mul3A_411 : i32 to vector<16xi32>
      %add3A_412 = arith.addi %broadcast_in_dim3A, %iota3A : vector<16xi32>
      %broadcast_in_dim3A_413 = vector.broadcast %and3A_126 : i32 to vector<16xi32>
      %add3A_414 = arith.constant 0 : i32
      %add3A_415 = vector.broadcast %add3A_414 : i32 to vector<16xi32>
      %add3A_416 = arith.addi %add3A_412, %add3A_415 : vector<16xi32>
      %gather3A = tpu.vector_load_idx %arg10[%add3A_416, %broadcast_in_dim3A_413] : memref<512x128xf32, #tpu.memory_space<vmem>>[vector<16xi32>, vector<16xi32>], vector<16xf32>,
      %swap3A = arith.constant 64 : index
      %swap3A_417 = tpu.vector_load %arg11[%swap3A] {strides = array<i32>} : memref<512xf32, #tpu.memory_space<vmem>>, vector<16xf32>,
      tpu.vector_store %arg11[%swap3A], %gather3A {strides = array<i32>} : memref<512xf32, #tpu.memory_space<vmem>>, vector<16xf32>,
      %add3A_418 = arith.constant 16 : i32
      %add3A_419 = vector.broadcast %add3A_418 : i32 to vector<16xi32>
      %add3A_420 = arith.addi %add3A_412, %add3A_419 : vector<16xi32>
      %gather3A_421 = tpu.vector_load_idx %arg10[%add3A_420, %broadcast_in_dim3A_413] : memref<512x128xf32, #tpu.memory_space<vmem>>[vector<16xi32>, vector<16xi32>], vector<16xf32>,
      %swap3A_422 = arith.constant 80 : index
      %swap3A_423 = tpu.vector_load %arg11[%swap3A_422] {strides = array<i32>} : memref<512xf32, #tpu.memory_space<vmem>>, vector<16xf32>,
      tpu.vector_store %arg11[%swap3A_422], %gather3A_421 {strides = array<i32>} : memref<512xf32, #tpu.memory_space<vmem>>, vector<16xf32>,
      %add3A_424 = arith.constant 32 : i32
      %add3A_425 = vector.broadcast %add3A_424 : i32 to vector<16xi32>
      %add3A_426 = arith.addi %add3A_412, %add3A_425 : vector<16xi32>
      %gather3A_427 = tpu.vector_load_idx %arg10[%add3A_426, %broadcast_in_dim3A_413] : memref<512x128xf32, #tpu.memory_space<vmem>>[vector<16xi32>, vector<16xi32>], vector<16xf32>,
      %swap3A_428 = arith.constant 96 : index
      %swap3A_429 = tpu.vector_load %arg11[%swap3A_428] {strides = array<i32>} : memref<512xf32, #tpu.memory_space<vmem>>, vector<16xf32>,
      tpu.vector_store %arg11[%swap3A_428], %gather3A_427 {strides = array<i32>} : memref<512xf32, #tpu.memory_space<vmem>>, vector<16xf32>,
      %add3A_430 = arith.constant 48 : i32
      %add3A_431 = vector.broadcast %add3A_430 : i32 to vector<16xi32>
      %add3A_432 = arith.addi %add3A_412, %add3A_431 : vector<16xi32>
      %gather3A_433 = tpu.vector_load_idx %arg10[%add3A_432, %broadcast_in_dim3A_413] : memref<512x128xf32, #tpu.memory_space<vmem>>[vector<16xi32>, vector<16xi32>], vector<16xf32>,
      %swap3A_434 = arith.constant 112 : index
      %swap3A_435 = tpu.vector_load %arg11[%swap3A_434] {strides = array<i32>} : memref<512xf32, #tpu.memory_space<vmem>>, vector<16xf32>,
      tpu.vector_store %arg11[%swap3A_434], %gather3A_433 {strides = array<i32>} : memref<512xf32, #tpu.memory_space<vmem>>, vector<16xf32>,
    } else {
    }
    %convert_element_type3A_145 = arith.extui %ge3A_139 : i1 to i32
    %cond3A_146 = arith.constant 0 : i32
    %cond3A_147 = arith.cmpi ne, %convert_element_type3A_145, %cond3A_146 : i32
    scf.if %cond3A_147 {
      %sub3A_410 = arith.constant 2599936 : i32
      %sub3A_411 = arith.subi %squeeze3A_120, %sub3A_410 : i32
      %broadcast_in_dim3A = vector.broadcast %sub3A_411 : i32 to vector<16xi32>
      %add3A_412 = arith.constant 0 : i32
      %add3A_413 = vector.broadcast %add3A_412 : i32 to vector<16xi32>
      %add3A_414 = arith.addi %iota3A, %add3A_413 : vector<16xi32>
      %gather3A = tpu.vector_load_idx %arg12[%add3A_414, %broadcast_in_dim3A] : memref<64x64xf32, #tpu.memory_space<vmem>>[vector<16xi32>, vector<16xi32>], vector<16xf32>,
      %swap3A = arith.constant 64 : index
      %swap3A_415 = tpu.vector_load %arg11[%swap3A] {strides = array<i32>} : memref<512xf32, #tpu.memory_space<vmem>>, vector<16xf32>,
      tpu.vector_store %arg11[%swap3A], %gather3A {strides = array<i32>} : memref<512xf32, #tpu.memory_space<vmem>>, vector<16xf32>,
      %add3A_416 = arith.constant 16 : i32
      %add3A_417 = vector.broadcast %add3A_416 : i32 to vector<16xi32>
      %add3A_418 = arith.addi %iota3A, %add3A_417 : vector<16xi32>
      %gather3A_419 = tpu.vector_load_idx %arg12[%add3A_418, %broadcast_in_dim3A] : memref<64x64xf32, #tpu.memory_space<vmem>>[vector<16xi32>, vector<16xi32>], vector<16xf32>,
      %swap3A_420 = arith.constant 80 : index
      %swap3A_421 = tpu.vector_load %arg11[%swap3A_420] {strides = array<i32>} : memref<512xf32, #tpu.memory_space<vmem>>, vector<16xf32>,
      tpu.vector_store %arg11[%swap3A_420], %gather3A_419 {strides = array<i32>} : memref<512xf32, #tpu.memory_space<vmem>>, vector<16xf32>,
      %add3A_422 = arith.constant 32 : i32
      %add3A_423 = vector.broadcast %add3A_422 : i32 to vector<16xi32>
      %add3A_424 = arith.addi %iota3A, %add3A_423 : vector<16xi32>
      %gather3A_425 = tpu.vector_load_idx %arg12[%add3A_424, %broadcast_in_dim3A] : memref<64x64xf32, #tpu.memory_space<vmem>>[vector<16xi32>, vector<16xi32>], vector<16xf32>,
      %swap3A_426 = arith.constant 96 : index
      %swap3A_427 = tpu.vector_load %arg11[%swap3A_426] {strides = array<i32>} : memref<512xf32, #tpu.memory_space<vmem>>, vector<16xf32>,
      tpu.vector_store %arg11[%swap3A_426], %gather3A_425 {strides = array<i32>} : memref<512xf32, #tpu.memory_space<vmem>>, vector<16xf32>,
      %add3A_428 = arith.constant 48 : i32
      %add3A_429 = vector.broadcast %add3A_428 : i32 to vector<16xi32>
      %add3A_430 = arith.addi %iota3A, %add3A_429 : vector<16xi32>
      %gather3A_431 = tpu.vector_load_idx %arg12[%add3A_430, %broadcast_in_dim3A] : memref<64x64xf32, #tpu.memory_space<vmem>>[vector<16xi32>, vector<16xi32>], vector<16xf32>,
      %swap3A_432 = arith.constant 112 : index
      %swap3A_433 = tpu.vector_load %arg11[%swap3A_432] {strides = array<i32>} : memref<512xf32, #tpu.memory_space<vmem>>, vector<16xf32>,
      tpu.vector_store %arg11[%swap3A_432], %gather3A_431 {strides = array<i32>} : memref<512xf32, #tpu.memory_space<vmem>>, vector<16xf32>,
    } else {
    }
    %mul3A_148 = arith.constant 64 : i32
    %mul3A_149 = arith.muli %squeeze3A_122, %mul3A_148 : i32
    %dma_start3A_150 = arith.constant 64 : i32
    %dma_start3A_151 = tpu.memref_slice %arg11[%dma_start3A_150] : memref<512xf32, #tpu.memory_space<vmem>> -> memref<64xf32, #tpu.memory_space<vmem>>
    %dma_start3A_152 = tpu.memref_slice %arg7[%mul3A_149] : memref<6815744xf32, #tpu.memory_space<hbm>> -> memref<64xf32, #tpu.memory_space<hbm>>
    %dma_start3A_153 = tpu.memref_slice %arg7[%mul3A_149] : memref<6815744xf32, #tpu.memory_space<hbm>> -> memref<64xf32, #tpu.memory_space<hbm>>
    %dma_start3A_154 = arith.constant 64 : i32
    %dma_start3A_155 = tpu.memref_slice %arg11[%dma_start3A_154] : memref<512xf32, #tpu.memory_space<vmem>> -> memref<64xf32, #tpu.memory_space<vmem>>
    tpu.enqueue_dma source(%dma_start3A_155 : memref<64xf32, #tpu.memory_space<vmem>>) target(%dma_start3A_153 : memref<64xf32, #tpu.memory_space<hbm>>) target_semaphore(%arg14 : memref<!tpu.dma_semaphore, #tpu.memory_space<semaphore_mem>>)
    %slice3A_156 = vector.extract_strided_slice %get3A_89 {offsets = [2], sizes = [1], strides = [1]} : vector<16xi32> to vector<1xi32>
    %squeeze3A_157 = vector.extract %slice3A_156[0] : i32 from vector<1xi32>
    %slice3A_158 = vector.extract_strided_slice %get3A_91 {offsets = [2], sizes = [1], strides = [1]} : vector<16xi32> to vector<1xi32>
    %squeeze3A_159 = vector.extract %slice3A_158[0] : i32 from vector<1xi32>
    %shift_right_logical3A_160 = arith.constant 7 : i32
    %shift_right_logical3A_161 = arith.shrui %squeeze3A_157, %shift_right_logical3A_160 : i32
    %and3A_162 = arith.constant 127 : i32
    %and3A_163 = arith.andi %squeeze3A_157, %and3A_162 : i32
    %gt3A_164 = arith.cmpi sgt, %shift_right_logical3A_161, %max3A_133 : i32
    %lt3A_165 = arith.constant 20312 : i32
    %lt3A_166 = arith.cmpi slt, %shift_right_logical3A_161, %lt3A_165 : i32
    %and3A_167 = arith.andi %gt3A_164, %lt3A_166 : i1
    %convert_element_type3A_168 = arith.extui %and3A_167 : i1 to i32
    %add3A_169 = arith.addi %add3A_132, %convert_element_type3A_168 : i32
    %max3A_170 = arith.maxsi %max3A_133, %shift_right_logical3A_161 : i32
    %sub3A_171 = arith.constant 1 : i32
    %sub3A_172 = arith.subi %add3A_169, %sub3A_171 : i32
    %and3A_173 = arith.constant 7 : i32
    %and3A_174 = arith.andi %sub3A_172, %and3A_173 : i32
    %ge3A_175 = arith.constant 2599936 : i32
    %ge3A_176 = arith.cmpi sge, %squeeze3A_157, %ge3A_175 : i32
    %not3A_177 = arith.constant true
    %not3A_178 = arith.xori %ge3A_176, %not3A_177 : i1
    %convert_element_type3A_179 = arith.extui %not3A_178 : i1 to i32
    %cond3A_180 = arith.constant 0 : i32
    %cond3A_181 = arith.cmpi ne, %convert_element_type3A_179, %cond3A_180 : i32
    scf.if %cond3A_181 {
      %mul3A_410 = arith.constant 64 : i32
      %mul3A_411 = arith.muli %and3A_174, %mul3A_410 : i32
      %broadcast_in_dim3A = vector.broadcast %mul3A_411 : i32 to vector<16xi32>
      %add3A_412 = arith.addi %broadcast_in_dim3A, %iota3A : vector<16xi32>
      %broadcast_in_dim3A_413 = vector.broadcast %and3A_163 : i32 to vector<16xi32>
      %add3A_414 = arith.constant 0 : i32
      %add3A_415 = vector.broadcast %add3A_414 : i32 to vector<16xi32>
      %add3A_416 = arith.addi %add3A_412, %add3A_415 : vector<16xi32>
      %gather3A = tpu.vector_load_idx %arg10[%add3A_416, %broadcast_in_dim3A_413] : memref<512x128xf32, #tpu.memory_space<vmem>>[vector<16xi32>, vector<16xi32>], vector<16xf32>,
      %swap3A = arith.constant 128 : index
      %swap3A_417 = tpu.vector_load %arg11[%swap3A] {strides = array<i32>} : memref<512xf32, #tpu.memory_space<vmem>>, vector<16xf32>,
      tpu.vector_store %arg11[%swap3A], %gather3A {strides = array<i32>} : memref<512xf32, #tpu.memory_space<vmem>>, vector<16xf32>,
      %add3A_418 = arith.constant 16 : i32
      %add3A_419 = vector.broadcast %add3A_418 : i32 to vector<16xi32>
      %add3A_420 = arith.addi %add3A_412, %add3A_419 : vector<16xi32>
      %gather3A_421 = tpu.vector_load_idx %arg10[%add3A_420, %broadcast_in_dim3A_413] : memref<512x128xf32, #tpu.memory_space<vmem>>[vector<16xi32>, vector<16xi32>], vector<16xf32>,
      %swap3A_422 = arith.constant 144 : index
      %swap3A_423 = tpu.vector_load %arg11[%swap3A_422] {strides = array<i32>} : memref<512xf32, #tpu.memory_space<vmem>>, vector<16xf32>,
      tpu.vector_store %arg11[%swap3A_422], %gather3A_421 {strides = array<i32>} : memref<512xf32, #tpu.memory_space<vmem>>, vector<16xf32>,
      %add3A_424 = arith.constant 32 : i32
      %add3A_425 = vector.broadcast %add3A_424 : i32 to vector<16xi32>
      %add3A_426 = arith.addi %add3A_412, %add3A_425 : vector<16xi32>
      %gather3A_427 = tpu.vector_load_idx %arg10[%add3A_426, %broadcast_in_dim3A_413] : memref<512x128xf32, #tpu.memory_space<vmem>>[vector<16xi32>, vector<16xi32>], vector<16xf32>,
      %swap3A_428 = arith.constant 160 : index
      %swap3A_429 = tpu.vector_load %arg11[%swap3A_428] {strides = array<i32>} : memref<512xf32, #tpu.memory_space<vmem>>, vector<16xf32>,
      tpu.vector_store %arg11[%swap3A_428], %gather3A_427 {strides = array<i32>} : memref<512xf32, #tpu.memory_space<vmem>>, vector<16xf32>,
      %add3A_430 = arith.constant 48 : i32
      %add3A_431 = vector.broadcast %add3A_430 : i32 to vector<16xi32>
      %add3A_432 = arith.addi %add3A_412, %add3A_431 : vector<16xi32>
      %gather3A_433 = tpu.vector_load_idx %arg10[%add3A_432, %broadcast_in_dim3A_413] : memref<512x128xf32, #tpu.memory_space<vmem>>[vector<16xi32>, vector<16xi32>], vector<16xf32>,
      %swap3A_434 = arith.constant 176 : index
      %swap3A_435 = tpu.vector_load %arg11[%swap3A_434] {strides = array<i32>} : memref<512xf32, #tpu.memory_space<vmem>>, vector<16xf32>,
      tpu.vector_store %arg11[%swap3A_434], %gather3A_433 {strides = array<i32>} : memref<512xf32, #tpu.memory_space<vmem>>, vector<16xf32>,
    } else {
    }
    %convert_element_type3A_182 = arith.extui %ge3A_176 : i1 to i32
    %cond3A_183 = arith.constant 0 : i32
    %cond3A_184 = arith.cmpi ne, %convert_element_type3A_182, %cond3A_183 : i32
    scf.if %cond3A_184 {
      %sub3A_410 = arith.constant 2599936 : i32
      %sub3A_411 = arith.subi %squeeze3A_157, %sub3A_410 : i32
      %broadcast_in_dim3A = vector.broadcast %sub3A_411 : i32 to vector<16xi32>
      %add3A_412 = arith.constant 0 : i32
      %add3A_413 = vector.broadcast %add3A_412 : i32 to vector<16xi32>
      %add3A_414 = arith.addi %iota3A, %add3A_413 : vector<16xi32>
      %gather3A = tpu.vector_load_idx %arg12[%add3A_414, %broadcast_in_dim3A] : memref<64x64xf32, #tpu.memory_space<vmem>>[vector<16xi32>, vector<16xi32>], vector<16xf32>,
      %swap3A = arith.constant 128 : index
      %swap3A_415 = tpu.vector_load %arg11[%swap3A] {strides = array<i32>} : memref<512xf32, #tpu.memory_space<vmem>>, vector<16xf32>,
      tpu.vector_store %arg11[%swap3A], %gather3A {strides = array<i32>} : memref<512xf32, #tpu.memory_space<vmem>>, vector<16xf32>,
      %add3A_416 = arith.constant 16 : i32
      %add3A_417 = vector.broadcast %add3A_416 : i32 to vector<16xi32>
      %add3A_418 = arith.addi %iota3A, %add3A_417 : vector<16xi32>
      %gather3A_419 = tpu.vector_load_idx %arg12[%add3A_418, %broadcast_in_dim3A] : memref<64x64xf32, #tpu.memory_space<vmem>>[vector<16xi32>, vector<16xi32>], vector<16xf32>,
      %swap3A_420 = arith.constant 144 : index
      %swap3A_421 = tpu.vector_load %arg11[%swap3A_420] {strides = array<i32>} : memref<512xf32, #tpu.memory_space<vmem>>, vector<16xf32>,
      tpu.vector_store %arg11[%swap3A_420], %gather3A_419 {strides = array<i32>} : memref<512xf32, #tpu.memory_space<vmem>>, vector<16xf32>,
      %add3A_422 = arith.constant 32 : i32
      %add3A_423 = vector.broadcast %add3A_422 : i32 to vector<16xi32>
      %add3A_424 = arith.addi %iota3A, %add3A_423 : vector<16xi32>
      %gather3A_425 = tpu.vector_load_idx %arg12[%add3A_424, %broadcast_in_dim3A] : memref<64x64xf32, #tpu.memory_space<vmem>>[vector<16xi32>, vector<16xi32>], vector<16xf32>,
      %swap3A_426 = arith.constant 160 : index
      %swap3A_427 = tpu.vector_load %arg11[%swap3A_426] {strides = array<i32>} : memref<512xf32, #tpu.memory_space<vmem>>, vector<16xf32>,
      tpu.vector_store %arg11[%swap3A_426], %gather3A_425 {strides = array<i32>} : memref<512xf32, #tpu.memory_space<vmem>>, vector<16xf32>,
      %add3A_428 = arith.constant 48 : i32
      %add3A_429 = vector.broadcast %add3A_428 : i32 to vector<16xi32>
      %add3A_430 = arith.addi %iota3A, %add3A_429 : vector<16xi32>
      %gather3A_431 = tpu.vector_load_idx %arg12[%add3A_430, %broadcast_in_dim3A] : memref<64x64xf32, #tpu.memory_space<vmem>>[vector<16xi32>, vector<16xi32>], vector<16xf32>,
      %swap3A_432 = arith.constant 176 : index
      %swap3A_433 = tpu.vector_load %arg11[%swap3A_432] {strides = array<i32>} : memref<512xf32, #tpu.memory_space<vmem>>, vector<16xf32>,
      tpu.vector_store %arg11[%swap3A_432], %gather3A_431 {strides = array<i32>} : memref<512xf32, #tpu.memory_space<vmem>>, vector<16xf32>,
    } else {
    }
    %mul3A_185 = arith.constant 64 : i32
    %mul3A_186 = arith.muli %squeeze3A_159, %mul3A_185 : i32
    %dma_start3A_187 = arith.constant 128 : i32
    %dma_start3A_188 = tpu.memref_slice %arg11[%dma_start3A_187] : memref<512xf32, #tpu.memory_space<vmem>> -> memref<64xf32, #tpu.memory_space<vmem>>
    %dma_start3A_189 = tpu.memref_slice %arg7[%mul3A_186] : memref<6815744xf32, #tpu.memory_space<hbm>> -> memref<64xf32, #tpu.memory_space<hbm>>
    %dma_start3A_190 = tpu.memref_slice %arg7[%mul3A_186] : memref<6815744xf32, #tpu.memory_space<hbm>> -> memref<64xf32, #tpu.memory_space<hbm>>
    %dma_start3A_191 = arith.constant 128 : i32
    %dma_start3A_192 = tpu.memref_slice %arg11[%dma_start3A_191] : memref<512xf32, #tpu.memory_space<vmem>> -> memref<64xf32, #tpu.memory_space<vmem>>
    tpu.enqueue_dma source(%dma_start3A_192 : memref<64xf32, #tpu.memory_space<vmem>>) target(%dma_start3A_190 : memref<64xf32, #tpu.memory_space<hbm>>) target_semaphore(%arg14 : memref<!tpu.dma_semaphore, #tpu.memory_space<semaphore_mem>>)
    %slice3A_193 = vector.extract_strided_slice %get3A_89 {offsets = [3], sizes = [1], strides = [1]} : vector<16xi32> to vector<1xi32>
    %squeeze3A_194 = vector.extract %slice3A_193[0] : i32 from vector<1xi32>
    %slice3A_195 = vector.extract_strided_slice %get3A_91 {offsets = [3], sizes = [1], strides = [1]} : vector<16xi32> to vector<1xi32>
    %squeeze3A_196 = vector.extract %slice3A_195[0] : i32 from vector<1xi32>
    %shift_right_logical3A_197 = arith.constant 7 : i32
    %shift_right_logical3A_198 = arith.shrui %squeeze3A_194, %shift_right_logical3A_197 : i32
    %and3A_199 = arith.constant 127 : i32
    %and3A_200 = arith.andi %squeeze3A_194, %and3A_199 : i32
    %gt3A_201 = arith.cmpi sgt, %shift_right_logical3A_198, %max3A_170 : i32
    %lt3A_202 = arith.constant 20312 : i32
    %lt3A_203 = arith.cmpi slt, %shift_right_logical3A_198, %lt3A_202 : i32
    %and3A_204 = arith.andi %gt3A_201, %lt3A_203 : i1
    %convert_element_type3A_205 = arith.extui %and3A_204 : i1 to i32
    %add3A_206 = arith.addi %add3A_169, %convert_element_type3A_205 : i32
    %max3A_207 = arith.maxsi %max3A_170, %shift_right_logical3A_198 : i32
    %sub3A_208 = arith.constant 1 : i32
    %sub3A_209 = arith.subi %add3A_206, %sub3A_208 : i32
    %and3A_210 = arith.constant 7 : i32
    %and3A_211 = arith.andi %sub3A_209, %and3A_210 : i32
    %ge3A_212 = arith.constant 2599936 : i32
    %ge3A_213 = arith.cmpi sge, %squeeze3A_194, %ge3A_212 : i32
    %not3A_214 = arith.constant true
    %not3A_215 = arith.xori %ge3A_213, %not3A_214 : i1
    %convert_element_type3A_216 = arith.extui %not3A_215 : i1 to i32
    %cond3A_217 = arith.constant 0 : i32
    %cond3A_218 = arith.cmpi ne, %convert_element_type3A_216, %cond3A_217 : i32
    scf.if %cond3A_218 {
      %mul3A_410 = arith.constant 64 : i32
      %mul3A_411 = arith.muli %and3A_211, %mul3A_410 : i32
      %broadcast_in_dim3A = vector.broadcast %mul3A_411 : i32 to vector<16xi32>
      %add3A_412 = arith.addi %broadcast_in_dim3A, %iota3A : vector<16xi32>
      %broadcast_in_dim3A_413 = vector.broadcast %and3A_200 : i32 to vector<16xi32>
      %add3A_414 = arith.constant 0 : i32
      %add3A_415 = vector.broadcast %add3A_414 : i32 to vector<16xi32>
      %add3A_416 = arith.addi %add3A_412, %add3A_415 : vector<16xi32>
      %gather3A = tpu.vector_load_idx %arg10[%add3A_416, %broadcast_in_dim3A_413] : memref<512x128xf32, #tpu.memory_space<vmem>>[vector<16xi32>, vector<16xi32>], vector<16xf32>,
      %swap3A = arith.constant 192 : index
      %swap3A_417 = tpu.vector_load %arg11[%swap3A] {strides = array<i32>} : memref<512xf32, #tpu.memory_space<vmem>>, vector<16xf32>,
      tpu.vector_store %arg11[%swap3A], %gather3A {strides = array<i32>} : memref<512xf32, #tpu.memory_space<vmem>>, vector<16xf32>,
      %add3A_418 = arith.constant 16 : i32
      %add3A_419 = vector.broadcast %add3A_418 : i32 to vector<16xi32>
      %add3A_420 = arith.addi %add3A_412, %add3A_419 : vector<16xi32>
      %gather3A_421 = tpu.vector_load_idx %arg10[%add3A_420, %broadcast_in_dim3A_413] : memref<512x128xf32, #tpu.memory_space<vmem>>[vector<16xi32>, vector<16xi32>], vector<16xf32>,
      %swap3A_422 = arith.constant 208 : index
      %swap3A_423 = tpu.vector_load %arg11[%swap3A_422] {strides = array<i32>} : memref<512xf32, #tpu.memory_space<vmem>>, vector<16xf32>,
      tpu.vector_store %arg11[%swap3A_422], %gather3A_421 {strides = array<i32>} : memref<512xf32, #tpu.memory_space<vmem>>, vector<16xf32>,
      %add3A_424 = arith.constant 32 : i32
      %add3A_425 = vector.broadcast %add3A_424 : i32 to vector<16xi32>
      %add3A_426 = arith.addi %add3A_412, %add3A_425 : vector<16xi32>
      %gather3A_427 = tpu.vector_load_idx %arg10[%add3A_426, %broadcast_in_dim3A_413] : memref<512x128xf32, #tpu.memory_space<vmem>>[vector<16xi32>, vector<16xi32>], vector<16xf32>,
      %swap3A_428 = arith.constant 224 : index
      %swap3A_429 = tpu.vector_load %arg11[%swap3A_428] {strides = array<i32>} : memref<512xf32, #tpu.memory_space<vmem>>, vector<16xf32>,
      tpu.vector_store %arg11[%swap3A_428], %gather3A_427 {strides = array<i32>} : memref<512xf32, #tpu.memory_space<vmem>>, vector<16xf32>,
      %add3A_430 = arith.constant 48 : i32
      %add3A_431 = vector.broadcast %add3A_430 : i32 to vector<16xi32>
      %add3A_432 = arith.addi %add3A_412, %add3A_431 : vector<16xi32>
      %gather3A_433 = tpu.vector_load_idx %arg10[%add3A_432, %broadcast_in_dim3A_413] : memref<512x128xf32, #tpu.memory_space<vmem>>[vector<16xi32>, vector<16xi32>], vector<16xf32>,
      %swap3A_434 = arith.constant 240 : index
      %swap3A_435 = tpu.vector_load %arg11[%swap3A_434] {strides = array<i32>} : memref<512xf32, #tpu.memory_space<vmem>>, vector<16xf32>,
      tpu.vector_store %arg11[%swap3A_434], %gather3A_433 {strides = array<i32>} : memref<512xf32, #tpu.memory_space<vmem>>, vector<16xf32>,
    } else {
    }
    %convert_element_type3A_219 = arith.extui %ge3A_213 : i1 to i32
    %cond3A_220 = arith.constant 0 : i32
    %cond3A_221 = arith.cmpi ne, %convert_element_type3A_219, %cond3A_220 : i32
    scf.if %cond3A_221 {
      %sub3A_410 = arith.constant 2599936 : i32
      %sub3A_411 = arith.subi %squeeze3A_194, %sub3A_410 : i32
      %broadcast_in_dim3A = vector.broadcast %sub3A_411 : i32 to vector<16xi32>
      %add3A_412 = arith.constant 0 : i32
      %add3A_413 = vector.broadcast %add3A_412 : i32 to vector<16xi32>
      %add3A_414 = arith.addi %iota3A, %add3A_413 : vector<16xi32>
      %gather3A = tpu.vector_load_idx %arg12[%add3A_414, %broadcast_in_dim3A] : memref<64x64xf32, #tpu.memory_space<vmem>>[vector<16xi32>, vector<16xi32>], vector<16xf32>,
      %swap3A = arith.constant 192 : index
      %swap3A_415 = tpu.vector_load %arg11[%swap3A] {strides = array<i32>} : memref<512xf32, #tpu.memory_space<vmem>>, vector<16xf32>,
      tpu.vector_store %arg11[%swap3A], %gather3A {strides = array<i32>} : memref<512xf32, #tpu.memory_space<vmem>>, vector<16xf32>,
      %add3A_416 = arith.constant 16 : i32
      %add3A_417 = vector.broadcast %add3A_416 : i32 to vector<16xi32>
      %add3A_418 = arith.addi %iota3A, %add3A_417 : vector<16xi32>
      %gather3A_419 = tpu.vector_load_idx %arg12[%add3A_418, %broadcast_in_dim3A] : memref<64x64xf32, #tpu.memory_space<vmem>>[vector<16xi32>, vector<16xi32>], vector<16xf32>,
      %swap3A_420 = arith.constant 208 : index
      %swap3A_421 = tpu.vector_load %arg11[%swap3A_420] {strides = array<i32>} : memref<512xf32, #tpu.memory_space<vmem>>, vector<16xf32>,
      tpu.vector_store %arg11[%swap3A_420], %gather3A_419 {strides = array<i32>} : memref<512xf32, #tpu.memory_space<vmem>>, vector<16xf32>,
      %add3A_422 = arith.constant 32 : i32
      %add3A_423 = vector.broadcast %add3A_422 : i32 to vector<16xi32>
      %add3A_424 = arith.addi %iota3A, %add3A_423 : vector<16xi32>
      %gather3A_425 = tpu.vector_load_idx %arg12[%add3A_424, %broadcast_in_dim3A] : memref<64x64xf32, #tpu.memory_space<vmem>>[vector<16xi32>, vector<16xi32>], vector<16xf32>,
      %swap3A_426 = arith.constant 224 : index
      %swap3A_427 = tpu.vector_load %arg11[%swap3A_426] {strides = array<i32>} : memref<512xf32, #tpu.memory_space<vmem>>, vector<16xf32>,
      tpu.vector_store %arg11[%swap3A_426], %gather3A_425 {strides = array<i32>} : memref<512xf32, #tpu.memory_space<vmem>>, vector<16xf32>,
      %add3A_428 = arith.constant 48 : i32
      %add3A_429 = vector.broadcast %add3A_428 : i32 to vector<16xi32>
      %add3A_430 = arith.addi %iota3A, %add3A_429 : vector<16xi32>
      %gather3A_431 = tpu.vector_load_idx %arg12[%add3A_430, %broadcast_in_dim3A] : memref<64x64xf32, #tpu.memory_space<vmem>>[vector<16xi32>, vector<16xi32>], vector<16xf32>,
      %swap3A_432 = arith.constant 240 : index
      %swap3A_433 = tpu.vector_load %arg11[%swap3A_432] {strides = array<i32>} : memref<512xf32, #tpu.memory_space<vmem>>, vector<16xf32>,
      tpu.vector_store %arg11[%swap3A_432], %gather3A_431 {strides = array<i32>} : memref<512xf32, #tpu.memory_space<vmem>>, vector<16xf32>,
    } else {
    }
    %mul3A_222 = arith.constant 64 : i32
    %mul3A_223 = arith.muli %squeeze3A_196, %mul3A_222 : i32
    %dma_start3A_224 = arith.constant 192 : i32
    %dma_start3A_225 = tpu.memref_slice %arg11[%dma_start3A_224] : memref<512xf32, #tpu.memory_space<vmem>> -> memref<64xf32, #tpu.memory_space<vmem>>
    %dma_start3A_226 = tpu.memref_slice %arg7[%mul3A_223] : memref<6815744xf32, #tpu.memory_space<hbm>> -> memref<64xf32, #tpu.memory_space<hbm>>
    %dma_start3A_227 = tpu.memref_slice %arg7[%mul3A_223] : memref<6815744xf32, #tpu.memory_space<hbm>> -> memref<64xf32, #tpu.memory_space<hbm>>
    %dma_start3A_228 = arith.constant 192 : i32
    %dma_start3A_229 = tpu.memref_slice %arg11[%dma_start3A_228] : memref<512xf32, #tpu.memory_space<vmem>> -> memref<64xf32, #tpu.memory_space<vmem>>
    tpu.enqueue_dma source(%dma_start3A_229 : memref<64xf32, #tpu.memory_space<vmem>>) target(%dma_start3A_227 : memref<64xf32, #tpu.memory_space<hbm>>) target_semaphore(%arg14 : memref<!tpu.dma_semaphore, #tpu.memory_space<semaphore_mem>>)
    %slice3A_230 = vector.extract_strided_slice %get3A_89 {offsets = [4], sizes = [1], strides = [1]} : vector<16xi32> to vector<1xi32>
    %squeeze3A_231 = vector.extract %slice3A_230[0] : i32 from vector<1xi32>
    %slice3A_232 = vector.extract_strided_slice %get3A_91 {offsets = [4], sizes = [1], strides = [1]} : vector<16xi32> to vector<1xi32>
    %squeeze3A_233 = vector.extract %slice3A_232[0] : i32 from vector<1xi32>
    %shift_right_logical3A_234 = arith.constant 7 : i32
    %shift_right_logical3A_235 = arith.shrui %squeeze3A_231, %shift_right_logical3A_234 : i32
    %and3A_236 = arith.constant 127 : i32
    %and3A_237 = arith.andi %squeeze3A_231, %and3A_236 : i32
    %gt3A_238 = arith.cmpi sgt, %shift_right_logical3A_235, %max3A_207 : i32
    %lt3A_239 = arith.constant 20312 : i32
    %lt3A_240 = arith.cmpi slt, %shift_right_logical3A_235, %lt3A_239 : i32
    %and3A_241 = arith.andi %gt3A_238, %lt3A_240 : i1
    %convert_element_type3A_242 = arith.extui %and3A_241 : i1 to i32
    %add3A_243 = arith.addi %add3A_206, %convert_element_type3A_242 : i32
    %max3A_244 = arith.maxsi %max3A_207, %shift_right_logical3A_235 : i32
    %sub3A_245 = arith.constant 1 : i32
    %sub3A_246 = arith.subi %add3A_243, %sub3A_245 : i32
    %and3A_247 = arith.constant 7 : i32
    %and3A_248 = arith.andi %sub3A_246, %and3A_247 : i32
    %ge3A_249 = arith.constant 2599936 : i32
    %ge3A_250 = arith.cmpi sge, %squeeze3A_231, %ge3A_249 : i32
    %not3A_251 = arith.constant true
    %not3A_252 = arith.xori %ge3A_250, %not3A_251 : i1
    %convert_element_type3A_253 = arith.extui %not3A_252 : i1 to i32
    %cond3A_254 = arith.constant 0 : i32
    %cond3A_255 = arith.cmpi ne, %convert_element_type3A_253, %cond3A_254 : i32
    scf.if %cond3A_255 {
      %mul3A_410 = arith.constant 64 : i32
      %mul3A_411 = arith.muli %and3A_248, %mul3A_410 : i32
      %broadcast_in_dim3A = vector.broadcast %mul3A_411 : i32 to vector<16xi32>
      %add3A_412 = arith.addi %broadcast_in_dim3A, %iota3A : vector<16xi32>
      %broadcast_in_dim3A_413 = vector.broadcast %and3A_237 : i32 to vector<16xi32>
      %add3A_414 = arith.constant 0 : i32
      %add3A_415 = vector.broadcast %add3A_414 : i32 to vector<16xi32>
      %add3A_416 = arith.addi %add3A_412, %add3A_415 : vector<16xi32>
      %gather3A = tpu.vector_load_idx %arg10[%add3A_416, %broadcast_in_dim3A_413] : memref<512x128xf32, #tpu.memory_space<vmem>>[vector<16xi32>, vector<16xi32>], vector<16xf32>,
      %swap3A = arith.constant 256 : index
      %swap3A_417 = tpu.vector_load %arg11[%swap3A] {strides = array<i32>} : memref<512xf32, #tpu.memory_space<vmem>>, vector<16xf32>,
      tpu.vector_store %arg11[%swap3A], %gather3A {strides = array<i32>} : memref<512xf32, #tpu.memory_space<vmem>>, vector<16xf32>,
      %add3A_418 = arith.constant 16 : i32
      %add3A_419 = vector.broadcast %add3A_418 : i32 to vector<16xi32>
      %add3A_420 = arith.addi %add3A_412, %add3A_419 : vector<16xi32>
      %gather3A_421 = tpu.vector_load_idx %arg10[%add3A_420, %broadcast_in_dim3A_413] : memref<512x128xf32, #tpu.memory_space<vmem>>[vector<16xi32>, vector<16xi32>], vector<16xf32>,
      %swap3A_422 = arith.constant 272 : index
      %swap3A_423 = tpu.vector_load %arg11[%swap3A_422] {strides = array<i32>} : memref<512xf32, #tpu.memory_space<vmem>>, vector<16xf32>,
      tpu.vector_store %arg11[%swap3A_422], %gather3A_421 {strides = array<i32>} : memref<512xf32, #tpu.memory_space<vmem>>, vector<16xf32>,
      %add3A_424 = arith.constant 32 : i32
      %add3A_425 = vector.broadcast %add3A_424 : i32 to vector<16xi32>
      %add3A_426 = arith.addi %add3A_412, %add3A_425 : vector<16xi32>
      %gather3A_427 = tpu.vector_load_idx %arg10[%add3A_426, %broadcast_in_dim3A_413] : memref<512x128xf32, #tpu.memory_space<vmem>>[vector<16xi32>, vector<16xi32>], vector<16xf32>,
      %swap3A_428 = arith.constant 288 : index
      %swap3A_429 = tpu.vector_load %arg11[%swap3A_428] {strides = array<i32>} : memref<512xf32, #tpu.memory_space<vmem>>, vector<16xf32>,
      tpu.vector_store %arg11[%swap3A_428], %gather3A_427 {strides = array<i32>} : memref<512xf32, #tpu.memory_space<vmem>>, vector<16xf32>,
      %add3A_430 = arith.constant 48 : i32
      %add3A_431 = vector.broadcast %add3A_430 : i32 to vector<16xi32>
      %add3A_432 = arith.addi %add3A_412, %add3A_431 : vector<16xi32>
      %gather3A_433 = tpu.vector_load_idx %arg10[%add3A_432, %broadcast_in_dim3A_413] : memref<512x128xf32, #tpu.memory_space<vmem>>[vector<16xi32>, vector<16xi32>], vector<16xf32>,
      %swap3A_434 = arith.constant 304 : index
      %swap3A_435 = tpu.vector_load %arg11[%swap3A_434] {strides = array<i32>} : memref<512xf32, #tpu.memory_space<vmem>>, vector<16xf32>,
      tpu.vector_store %arg11[%swap3A_434], %gather3A_433 {strides = array<i32>} : memref<512xf32, #tpu.memory_space<vmem>>, vector<16xf32>,
    } else {
    }
    %convert_element_type3A_256 = arith.extui %ge3A_250 : i1 to i32
    %cond3A_257 = arith.constant 0 : i32
    %cond3A_258 = arith.cmpi ne, %convert_element_type3A_256, %cond3A_257 : i32
    scf.if %cond3A_258 {
      %sub3A_410 = arith.constant 2599936 : i32
      %sub3A_411 = arith.subi %squeeze3A_231, %sub3A_410 : i32
      %broadcast_in_dim3A = vector.broadcast %sub3A_411 : i32 to vector<16xi32>
      %add3A_412 = arith.constant 0 : i32
      %add3A_413 = vector.broadcast %add3A_412 : i32 to vector<16xi32>
      %add3A_414 = arith.addi %iota3A, %add3A_413 : vector<16xi32>
      %gather3A = tpu.vector_load_idx %arg12[%add3A_414, %broadcast_in_dim3A] : memref<64x64xf32, #tpu.memory_space<vmem>>[vector<16xi32>, vector<16xi32>], vector<16xf32>,
      %swap3A = arith.constant 256 : index
      %swap3A_415 = tpu.vector_load %arg11[%swap3A] {strides = array<i32>} : memref<512xf32, #tpu.memory_space<vmem>>, vector<16xf32>,
      tpu.vector_store %arg11[%swap3A], %gather3A {strides = array<i32>} : memref<512xf32, #tpu.memory_space<vmem>>, vector<16xf32>,
      %add3A_416 = arith.constant 16 : i32
      %add3A_417 = vector.broadcast %add3A_416 : i32 to vector<16xi32>
      %add3A_418 = arith.addi %iota3A, %add3A_417 : vector<16xi32>
      %gather3A_419 = tpu.vector_load_idx %arg12[%add3A_418, %broadcast_in_dim3A] : memref<64x64xf32, #tpu.memory_space<vmem>>[vector<16xi32>, vector<16xi32>], vector<16xf32>,
      %swap3A_420 = arith.constant 272 : index
      %swap3A_421 = tpu.vector_load %arg11[%swap3A_420] {strides = array<i32>} : memref<512xf32, #tpu.memory_space<vmem>>, vector<16xf32>,
      tpu.vector_store %arg11[%swap3A_420], %gather3A_419 {strides = array<i32>} : memref<512xf32, #tpu.memory_space<vmem>>, vector<16xf32>,
      %add3A_422 = arith.constant 32 : i32
      %add3A_423 = vector.broadcast %add3A_422 : i32 to vector<16xi32>
      %add3A_424 = arith.addi %iota3A, %add3A_423 : vector<16xi32>
      %gather3A_425 = tpu.vector_load_idx %arg12[%add3A_424, %broadcast_in_dim3A] : memref<64x64xf32, #tpu.memory_space<vmem>>[vector<16xi32>, vector<16xi32>], vector<16xf32>,
      %swap3A_426 = arith.constant 288 : index
      %swap3A_427 = tpu.vector_load %arg11[%swap3A_426] {strides = array<i32>} : memref<512xf32, #tpu.memory_space<vmem>>, vector<16xf32>,
      tpu.vector_store %arg11[%swap3A_426], %gather3A_425 {strides = array<i32>} : memref<512xf32, #tpu.memory_space<vmem>>, vector<16xf32>,
      %add3A_428 = arith.constant 48 : i32
      %add3A_429 = vector.broadcast %add3A_428 : i32 to vector<16xi32>
      %add3A_430 = arith.addi %iota3A, %add3A_429 : vector<16xi32>
      %gather3A_431 = tpu.vector_load_idx %arg12[%add3A_430, %broadcast_in_dim3A] : memref<64x64xf32, #tpu.memory_space<vmem>>[vector<16xi32>, vector<16xi32>], vector<16xf32>,
      %swap3A_432 = arith.constant 304 : index
      %swap3A_433 = tpu.vector_load %arg11[%swap3A_432] {strides = array<i32>} : memref<512xf32, #tpu.memory_space<vmem>>, vector<16xf32>,
      tpu.vector_store %arg11[%swap3A_432], %gather3A_431 {strides = array<i32>} : memref<512xf32, #tpu.memory_space<vmem>>, vector<16xf32>,
    } else {
    }
    %mul3A_259 = arith.constant 64 : i32
    %mul3A_260 = arith.muli %squeeze3A_233, %mul3A_259 : i32
    %dma_start3A_261 = arith.constant 256 : i32
    %dma_start3A_262 = tpu.memref_slice %arg11[%dma_start3A_261] : memref<512xf32, #tpu.memory_space<vmem>> -> memref<64xf32, #tpu.memory_space<vmem>>
    %dma_start3A_263 = tpu.memref_slice %arg7[%mul3A_260] : memref<6815744xf32, #tpu.memory_space<hbm>> -> memref<64xf32, #tpu.memory_space<hbm>>
    %dma_start3A_264 = tpu.memref_slice %arg7[%mul3A_260] : memref<6815744xf32, #tpu.memory_space<hbm>> -> memref<64xf32, #tpu.memory_space<hbm>>
    %dma_start3A_265 = arith.constant 256 : i32
    %dma_start3A_266 = tpu.memref_slice %arg11[%dma_start3A_265] : memref<512xf32, #tpu.memory_space<vmem>> -> memref<64xf32, #tpu.memory_space<vmem>>
    tpu.enqueue_dma source(%dma_start3A_266 : memref<64xf32, #tpu.memory_space<vmem>>) target(%dma_start3A_264 : memref<64xf32, #tpu.memory_space<hbm>>) target_semaphore(%arg14 : memref<!tpu.dma_semaphore, #tpu.memory_space<semaphore_mem>>)
    %slice3A_267 = vector.extract_strided_slice %get3A_89 {offsets = [5], sizes = [1], strides = [1]} : vector<16xi32> to vector<1xi32>
    %squeeze3A_268 = vector.extract %slice3A_267[0] : i32 from vector<1xi32>
    %slice3A_269 = vector.extract_strided_slice %get3A_91 {offsets = [5], sizes = [1], strides = [1]} : vector<16xi32> to vector<1xi32>
    %squeeze3A_270 = vector.extract %slice3A_269[0] : i32 from vector<1xi32>
    %shift_right_logical3A_271 = arith.constant 7 : i32
    %shift_right_logical3A_272 = arith.shrui %squeeze3A_268, %shift_right_logical3A_271 : i32
    %and3A_273 = arith.constant 127 : i32
    %and3A_274 = arith.andi %squeeze3A_268, %and3A_273 : i32
    %gt3A_275 = arith.cmpi sgt, %shift_right_logical3A_272, %max3A_244 : i32
    %lt3A_276 = arith.constant 20312 : i32
    %lt3A_277 = arith.cmpi slt, %shift_right_logical3A_272, %lt3A_276 : i32
    %and3A_278 = arith.andi %gt3A_275, %lt3A_277 : i1
    %convert_element_type3A_279 = arith.extui %and3A_278 : i1 to i32
    %add3A_280 = arith.addi %add3A_243, %convert_element_type3A_279 : i32
    %max3A_281 = arith.maxsi %max3A_244, %shift_right_logical3A_272 : i32
    %sub3A_282 = arith.constant 1 : i32
    %sub3A_283 = arith.subi %add3A_280, %sub3A_282 : i32
    %and3A_284 = arith.constant 7 : i32
    %and3A_285 = arith.andi %sub3A_283, %and3A_284 : i32
    %ge3A_286 = arith.constant 2599936 : i32
    %ge3A_287 = arith.cmpi sge, %squeeze3A_268, %ge3A_286 : i32
    %not3A_288 = arith.constant true
    %not3A_289 = arith.xori %ge3A_287, %not3A_288 : i1
    %convert_element_type3A_290 = arith.extui %not3A_289 : i1 to i32
    %cond3A_291 = arith.constant 0 : i32
    %cond3A_292 = arith.cmpi ne, %convert_element_type3A_290, %cond3A_291 : i32
    scf.if %cond3A_292 {
      %mul3A_410 = arith.constant 64 : i32
      %mul3A_411 = arith.muli %and3A_285, %mul3A_410 : i32
      %broadcast_in_dim3A = vector.broadcast %mul3A_411 : i32 to vector<16xi32>
      %add3A_412 = arith.addi %broadcast_in_dim3A, %iota3A : vector<16xi32>
      %broadcast_in_dim3A_413 = vector.broadcast %and3A_274 : i32 to vector<16xi32>
      %add3A_414 = arith.constant 0 : i32
      %add3A_415 = vector.broadcast %add3A_414 : i32 to vector<16xi32>
      %add3A_416 = arith.addi %add3A_412, %add3A_415 : vector<16xi32>
      %gather3A = tpu.vector_load_idx %arg10[%add3A_416, %broadcast_in_dim3A_413] : memref<512x128xf32, #tpu.memory_space<vmem>>[vector<16xi32>, vector<16xi32>], vector<16xf32>,
      %swap3A = arith.constant 320 : index
      %swap3A_417 = tpu.vector_load %arg11[%swap3A] {strides = array<i32>} : memref<512xf32, #tpu.memory_space<vmem>>, vector<16xf32>,
      tpu.vector_store %arg11[%swap3A], %gather3A {strides = array<i32>} : memref<512xf32, #tpu.memory_space<vmem>>, vector<16xf32>,
      %add3A_418 = arith.constant 16 : i32
      %add3A_419 = vector.broadcast %add3A_418 : i32 to vector<16xi32>
      %add3A_420 = arith.addi %add3A_412, %add3A_419 : vector<16xi32>
      %gather3A_421 = tpu.vector_load_idx %arg10[%add3A_420, %broadcast_in_dim3A_413] : memref<512x128xf32, #tpu.memory_space<vmem>>[vector<16xi32>, vector<16xi32>], vector<16xf32>,
      %swap3A_422 = arith.constant 336 : index
      %swap3A_423 = tpu.vector_load %arg11[%swap3A_422] {strides = array<i32>} : memref<512xf32, #tpu.memory_space<vmem>>, vector<16xf32>,
      tpu.vector_store %arg11[%swap3A_422], %gather3A_421 {strides = array<i32>} : memref<512xf32, #tpu.memory_space<vmem>>, vector<16xf32>,
      %add3A_424 = arith.constant 32 : i32
      %add3A_425 = vector.broadcast %add3A_424 : i32 to vector<16xi32>
      %add3A_426 = arith.addi %add3A_412, %add3A_425 : vector<16xi32>
      %gather3A_427 = tpu.vector_load_idx %arg10[%add3A_426, %broadcast_in_dim3A_413] : memref<512x128xf32, #tpu.memory_space<vmem>>[vector<16xi32>, vector<16xi32>], vector<16xf32>,
      %swap3A_428 = arith.constant 352 : index
      %swap3A_429 = tpu.vector_load %arg11[%swap3A_428] {strides = array<i32>} : memref<512xf32, #tpu.memory_space<vmem>>, vector<16xf32>,
      tpu.vector_store %arg11[%swap3A_428], %gather3A_427 {strides = array<i32>} : memref<512xf32, #tpu.memory_space<vmem>>, vector<16xf32>,
      %add3A_430 = arith.constant 48 : i32
      %add3A_431 = vector.broadcast %add3A_430 : i32 to vector<16xi32>
      %add3A_432 = arith.addi %add3A_412, %add3A_431 : vector<16xi32>
      %gather3A_433 = tpu.vector_load_idx %arg10[%add3A_432, %broadcast_in_dim3A_413] : memref<512x128xf32, #tpu.memory_space<vmem>>[vector<16xi32>, vector<16xi32>], vector<16xf32>,
      %swap3A_434 = arith.constant 368 : index
      %swap3A_435 = tpu.vector_load %arg11[%swap3A_434] {strides = array<i32>} : memref<512xf32, #tpu.memory_space<vmem>>, vector<16xf32>,
      tpu.vector_store %arg11[%swap3A_434], %gather3A_433 {strides = array<i32>} : memref<512xf32, #tpu.memory_space<vmem>>, vector<16xf32>,
    } else {
    }
    %convert_element_type3A_293 = arith.extui %ge3A_287 : i1 to i32
    %cond3A_294 = arith.constant 0 : i32
    %cond3A_295 = arith.cmpi ne, %convert_element_type3A_293, %cond3A_294 : i32
    scf.if %cond3A_295 {
      %sub3A_410 = arith.constant 2599936 : i32
      %sub3A_411 = arith.subi %squeeze3A_268, %sub3A_410 : i32
      %broadcast_in_dim3A = vector.broadcast %sub3A_411 : i32 to vector<16xi32>
      %add3A_412 = arith.constant 0 : i32
      %add3A_413 = vector.broadcast %add3A_412 : i32 to vector<16xi32>
      %add3A_414 = arith.addi %iota3A, %add3A_413 : vector<16xi32>
      %gather3A = tpu.vector_load_idx %arg12[%add3A_414, %broadcast_in_dim3A] : memref<64x64xf32, #tpu.memory_space<vmem>>[vector<16xi32>, vector<16xi32>], vector<16xf32>,
      %swap3A = arith.constant 320 : index
      %swap3A_415 = tpu.vector_load %arg11[%swap3A] {strides = array<i32>} : memref<512xf32, #tpu.memory_space<vmem>>, vector<16xf32>,
      tpu.vector_store %arg11[%swap3A], %gather3A {strides = array<i32>} : memref<512xf32, #tpu.memory_space<vmem>>, vector<16xf32>,
      %add3A_416 = arith.constant 16 : i32
      %add3A_417 = vector.broadcast %add3A_416 : i32 to vector<16xi32>
      %add3A_418 = arith.addi %iota3A, %add3A_417 : vector<16xi32>
      %gather3A_419 = tpu.vector_load_idx %arg12[%add3A_418, %broadcast_in_dim3A] : memref<64x64xf32, #tpu.memory_space<vmem>>[vector<16xi32>, vector<16xi32>], vector<16xf32>,
      %swap3A_420 = arith.constant 336 : index
      %swap3A_421 = tpu.vector_load %arg11[%swap3A_420] {strides = array<i32>} : memref<512xf32, #tpu.memory_space<vmem>>, vector<16xf32>,
      tpu.vector_store %arg11[%swap3A_420], %gather3A_419 {strides = array<i32>} : memref<512xf32, #tpu.memory_space<vmem>>, vector<16xf32>,
      %add3A_422 = arith.constant 32 : i32
      %add3A_423 = vector.broadcast %add3A_422 : i32 to vector<16xi32>
      %add3A_424 = arith.addi %iota3A, %add3A_423 : vector<16xi32>
      %gather3A_425 = tpu.vector_load_idx %arg12[%add3A_424, %broadcast_in_dim3A] : memref<64x64xf32, #tpu.memory_space<vmem>>[vector<16xi32>, vector<16xi32>], vector<16xf32>,
      %swap3A_426 = arith.constant 352 : index
      %swap3A_427 = tpu.vector_load %arg11[%swap3A_426] {strides = array<i32>} : memref<512xf32, #tpu.memory_space<vmem>>, vector<16xf32>,
      tpu.vector_store %arg11[%swap3A_426], %gather3A_425 {strides = array<i32>} : memref<512xf32, #tpu.memory_space<vmem>>, vector<16xf32>,
      %add3A_428 = arith.constant 48 : i32
      %add3A_429 = vector.broadcast %add3A_428 : i32 to vector<16xi32>
      %add3A_430 = arith.addi %iota3A, %add3A_429 : vector<16xi32>
      %gather3A_431 = tpu.vector_load_idx %arg12[%add3A_430, %broadcast_in_dim3A] : memref<64x64xf32, #tpu.memory_space<vmem>>[vector<16xi32>, vector<16xi32>], vector<16xf32>,
      %swap3A_432 = arith.constant 368 : index
      %swap3A_433 = tpu.vector_load %arg11[%swap3A_432] {strides = array<i32>} : memref<512xf32, #tpu.memory_space<vmem>>, vector<16xf32>,
      tpu.vector_store %arg11[%swap3A_432], %gather3A_431 {strides = array<i32>} : memref<512xf32, #tpu.memory_space<vmem>>, vector<16xf32>,
    } else {
    }
    %mul3A_296 = arith.constant 64 : i32
    %mul3A_297 = arith.muli %squeeze3A_270, %mul3A_296 : i32
    %dma_start3A_298 = arith.constant 320 : i32
    %dma_start3A_299 = tpu.memref_slice %arg11[%dma_start3A_298] : memref<512xf32, #tpu.memory_space<vmem>> -> memref<64xf32, #tpu.memory_space<vmem>>
    %dma_start3A_300 = tpu.memref_slice %arg7[%mul3A_297] : memref<6815744xf32, #tpu.memory_space<hbm>> -> memref<64xf32, #tpu.memory_space<hbm>>
    %dma_start3A_301 = tpu.memref_slice %arg7[%mul3A_297] : memref<6815744xf32, #tpu.memory_space<hbm>> -> memref<64xf32, #tpu.memory_space<hbm>>
    %dma_start3A_302 = arith.constant 320 : i32
    %dma_start3A_303 = tpu.memref_slice %arg11[%dma_start3A_302] : memref<512xf32, #tpu.memory_space<vmem>> -> memref<64xf32, #tpu.memory_space<vmem>>
    tpu.enqueue_dma source(%dma_start3A_303 : memref<64xf32, #tpu.memory_space<vmem>>) target(%dma_start3A_301 : memref<64xf32, #tpu.memory_space<hbm>>) target_semaphore(%arg14 : memref<!tpu.dma_semaphore, #tpu.memory_space<semaphore_mem>>)
    %slice3A_304 = vector.extract_strided_slice %get3A_89 {offsets = [6], sizes = [1], strides = [1]} : vector<16xi32> to vector<1xi32>
    %squeeze3A_305 = vector.extract %slice3A_304[0] : i32 from vector<1xi32>
    %slice3A_306 = vector.extract_strided_slice %get3A_91 {offsets = [6], sizes = [1], strides = [1]} : vector<16xi32> to vector<1xi32>
    %squeeze3A_307 = vector.extract %slice3A_306[0] : i32 from vector<1xi32>
    %shift_right_logical3A_308 = arith.constant 7 : i32
    %shift_right_logical3A_309 = arith.shrui %squeeze3A_305, %shift_right_logical3A_308 : i32
    %and3A_310 = arith.constant 127 : i32
    %and3A_311 = arith.andi %squeeze3A_305, %and3A_310 : i32
    %gt3A_312 = arith.cmpi sgt, %shift_right_logical3A_309, %max3A_281 : i32
    %lt3A_313 = arith.constant 20312 : i32
    %lt3A_314 = arith.cmpi slt, %shift_right_logical3A_309, %lt3A_313 : i32
    %and3A_315 = arith.andi %gt3A_312, %lt3A_314 : i1
    %convert_element_type3A_316 = arith.extui %and3A_315 : i1 to i32
    %add3A_317 = arith.addi %add3A_280, %convert_element_type3A_316 : i32
    %max3A_318 = arith.maxsi %max3A_281, %shift_right_logical3A_309 : i32
    %sub3A_319 = arith.constant 1 : i32
    %sub3A_320 = arith.subi %add3A_317, %sub3A_319 : i32
    %and3A_321 = arith.constant 7 : i32
    %and3A_322 = arith.andi %sub3A_320, %and3A_321 : i32
    %ge3A_323 = arith.constant 2599936 : i32
    %ge3A_324 = arith.cmpi sge, %squeeze3A_305, %ge3A_323 : i32
    %not3A_325 = arith.constant true
    %not3A_326 = arith.xori %ge3A_324, %not3A_325 : i1
    %convert_element_type3A_327 = arith.extui %not3A_326 : i1 to i32
    %cond3A_328 = arith.constant 0 : i32
    %cond3A_329 = arith.cmpi ne, %convert_element_type3A_327, %cond3A_328 : i32
    scf.if %cond3A_329 {
      %mul3A_410 = arith.constant 64 : i32
      %mul3A_411 = arith.muli %and3A_322, %mul3A_410 : i32
      %broadcast_in_dim3A = vector.broadcast %mul3A_411 : i32 to vector<16xi32>
      %add3A_412 = arith.addi %broadcast_in_dim3A, %iota3A : vector<16xi32>
      %broadcast_in_dim3A_413 = vector.broadcast %and3A_311 : i32 to vector<16xi32>
      %add3A_414 = arith.constant 0 : i32
      %add3A_415 = vector.broadcast %add3A_414 : i32 to vector<16xi32>
      %add3A_416 = arith.addi %add3A_412, %add3A_415 : vector<16xi32>
      %gather3A = tpu.vector_load_idx %arg10[%add3A_416, %broadcast_in_dim3A_413] : memref<512x128xf32, #tpu.memory_space<vmem>>[vector<16xi32>, vector<16xi32>], vector<16xf32>,
      %swap3A = arith.constant 384 : index
      %swap3A_417 = tpu.vector_load %arg11[%swap3A] {strides = array<i32>} : memref<512xf32, #tpu.memory_space<vmem>>, vector<16xf32>,
      tpu.vector_store %arg11[%swap3A], %gather3A {strides = array<i32>} : memref<512xf32, #tpu.memory_space<vmem>>, vector<16xf32>,
      %add3A_418 = arith.constant 16 : i32
      %add3A_419 = vector.broadcast %add3A_418 : i32 to vector<16xi32>
      %add3A_420 = arith.addi %add3A_412, %add3A_419 : vector<16xi32>
      %gather3A_421 = tpu.vector_load_idx %arg10[%add3A_420, %broadcast_in_dim3A_413] : memref<512x128xf32, #tpu.memory_space<vmem>>[vector<16xi32>, vector<16xi32>], vector<16xf32>,
      %swap3A_422 = arith.constant 400 : index
      %swap3A_423 = tpu.vector_load %arg11[%swap3A_422] {strides = array<i32>} : memref<512xf32, #tpu.memory_space<vmem>>, vector<16xf32>,
      tpu.vector_store %arg11[%swap3A_422], %gather3A_421 {strides = array<i32>} : memref<512xf32, #tpu.memory_space<vmem>>, vector<16xf32>,
      %add3A_424 = arith.constant 32 : i32
      %add3A_425 = vector.broadcast %add3A_424 : i32 to vector<16xi32>
      %add3A_426 = arith.addi %add3A_412, %add3A_425 : vector<16xi32>
      %gather3A_427 = tpu.vector_load_idx %arg10[%add3A_426, %broadcast_in_dim3A_413] : memref<512x128xf32, #tpu.memory_space<vmem>>[vector<16xi32>, vector<16xi32>], vector<16xf32>,
      %swap3A_428 = arith.constant 416 : index
      %swap3A_429 = tpu.vector_load %arg11[%swap3A_428] {strides = array<i32>} : memref<512xf32, #tpu.memory_space<vmem>>, vector<16xf32>,
      tpu.vector_store %arg11[%swap3A_428], %gather3A_427 {strides = array<i32>} : memref<512xf32, #tpu.memory_space<vmem>>, vector<16xf32>,
      %add3A_430 = arith.constant 48 : i32
      %add3A_431 = vector.broadcast %add3A_430 : i32 to vector<16xi32>
      %add3A_432 = arith.addi %add3A_412, %add3A_431 : vector<16xi32>
      %gather3A_433 = tpu.vector_load_idx %arg10[%add3A_432, %broadcast_in_dim3A_413] : memref<512x128xf32, #tpu.memory_space<vmem>>[vector<16xi32>, vector<16xi32>], vector<16xf32>,
      %swap3A_434 = arith.constant 432 : index
      %swap3A_435 = tpu.vector_load %arg11[%swap3A_434] {strides = array<i32>} : memref<512xf32, #tpu.memory_space<vmem>>, vector<16xf32>,
      tpu.vector_store %arg11[%swap3A_434], %gather3A_433 {strides = array<i32>} : memref<512xf32, #tpu.memory_space<vmem>>, vector<16xf32>,
    } else {
    }
    %convert_element_type3A_330 = arith.extui %ge3A_324 : i1 to i32
    %cond3A_331 = arith.constant 0 : i32
    %cond3A_332 = arith.cmpi ne, %convert_element_type3A_330, %cond3A_331 : i32
    scf.if %cond3A_332 {
      %sub3A_410 = arith.constant 2599936 : i32
      %sub3A_411 = arith.subi %squeeze3A_305, %sub3A_410 : i32
      %broadcast_in_dim3A = vector.broadcast %sub3A_411 : i32 to vector<16xi32>
      %add3A_412 = arith.constant 0 : i32
      %add3A_413 = vector.broadcast %add3A_412 : i32 to vector<16xi32>
      %add3A_414 = arith.addi %iota3A, %add3A_413 : vector<16xi32>
      %gather3A = tpu.vector_load_idx %arg12[%add3A_414, %broadcast_in_dim3A] : memref<64x64xf32, #tpu.memory_space<vmem>>[vector<16xi32>, vector<16xi32>], vector<16xf32>,
      %swap3A = arith.constant 384 : index
      %swap3A_415 = tpu.vector_load %arg11[%swap3A] {strides = array<i32>} : memref<512xf32, #tpu.memory_space<vmem>>, vector<16xf32>,
      tpu.vector_store %arg11[%swap3A], %gather3A {strides = array<i32>} : memref<512xf32, #tpu.memory_space<vmem>>, vector<16xf32>,
      %add3A_416 = arith.constant 16 : i32
      %add3A_417 = vector.broadcast %add3A_416 : i32 to vector<16xi32>
      %add3A_418 = arith.addi %iota3A, %add3A_417 : vector<16xi32>
      %gather3A_419 = tpu.vector_load_idx %arg12[%add3A_418, %broadcast_in_dim3A] : memref<64x64xf32, #tpu.memory_space<vmem>>[vector<16xi32>, vector<16xi32>], vector<16xf32>,
      %swap3A_420 = arith.constant 400 : index
      %swap3A_421 = tpu.vector_load %arg11[%swap3A_420] {strides = array<i32>} : memref<512xf32, #tpu.memory_space<vmem>>, vector<16xf32>,
      tpu.vector_store %arg11[%swap3A_420], %gather3A_419 {strides = array<i32>} : memref<512xf32, #tpu.memory_space<vmem>>, vector<16xf32>,
      %add3A_422 = arith.constant 32 : i32
      %add3A_423 = vector.broadcast %add3A_422 : i32 to vector<16xi32>
      %add3A_424 = arith.addi %iota3A, %add3A_423 : vector<16xi32>
      %gather3A_425 = tpu.vector_load_idx %arg12[%add3A_424, %broadcast_in_dim3A] : memref<64x64xf32, #tpu.memory_space<vmem>>[vector<16xi32>, vector<16xi32>], vector<16xf32>,
      %swap3A_426 = arith.constant 416 : index
      %swap3A_427 = tpu.vector_load %arg11[%swap3A_426] {strides = array<i32>} : memref<512xf32, #tpu.memory_space<vmem>>, vector<16xf32>,
      tpu.vector_store %arg11[%swap3A_426], %gather3A_425 {strides = array<i32>} : memref<512xf32, #tpu.memory_space<vmem>>, vector<16xf32>,
      %add3A_428 = arith.constant 48 : i32
      %add3A_429 = vector.broadcast %add3A_428 : i32 to vector<16xi32>
      %add3A_430 = arith.addi %iota3A, %add3A_429 : vector<16xi32>
      %gather3A_431 = tpu.vector_load_idx %arg12[%add3A_430, %broadcast_in_dim3A] : memref<64x64xf32, #tpu.memory_space<vmem>>[vector<16xi32>, vector<16xi32>], vector<16xf32>,
      %swap3A_432 = arith.constant 432 : index
      %swap3A_433 = tpu.vector_load %arg11[%swap3A_432] {strides = array<i32>} : memref<512xf32, #tpu.memory_space<vmem>>, vector<16xf32>,
      tpu.vector_store %arg11[%swap3A_432], %gather3A_431 {strides = array<i32>} : memref<512xf32, #tpu.memory_space<vmem>>, vector<16xf32>,
    } else {
    }
    %mul3A_333 = arith.constant 64 : i32
    %mul3A_334 = arith.muli %squeeze3A_307, %mul3A_333 : i32
    %dma_start3A_335 = arith.constant 384 : i32
    %dma_start3A_336 = tpu.memref_slice %arg11[%dma_start3A_335] : memref<512xf32, #tpu.memory_space<vmem>> -> memref<64xf32, #tpu.memory_space<vmem>>
    %dma_start3A_337 = tpu.memref_slice %arg7[%mul3A_334] : memref<6815744xf32, #tpu.memory_space<hbm>> -> memref<64xf32, #tpu.memory_space<hbm>>
    %dma_start3A_338 = tpu.memref_slice %arg7[%mul3A_334] : memref<6815744xf32, #tpu.memory_space<hbm>> -> memref<64xf32, #tpu.memory_space<hbm>>
    %dma_start3A_339 = arith.constant 384 : i32
    %dma_start3A_340 = tpu.memref_slice %arg11[%dma_start3A_339] : memref<512xf32, #tpu.memory_space<vmem>> -> memref<64xf32, #tpu.memory_space<vmem>>
    tpu.enqueue_dma source(%dma_start3A_340 : memref<64xf32, #tpu.memory_space<vmem>>) target(%dma_start3A_338 : memref<64xf32, #tpu.memory_space<hbm>>) target_semaphore(%arg14 : memref<!tpu.dma_semaphore, #tpu.memory_space<semaphore_mem>>)
    %slice3A_341 = vector.extract_strided_slice %get3A_89 {offsets = [7], sizes = [1], strides = [1]} : vector<16xi32> to vector<1xi32>
    %squeeze3A_342 = vector.extract %slice3A_341[0] : i32 from vector<1xi32>
    %slice3A_343 = vector.extract_strided_slice %get3A_91 {offsets = [7], sizes = [1], strides = [1]} : vector<16xi32> to vector<1xi32>
    %squeeze3A_344 = vector.extract %slice3A_343[0] : i32 from vector<1xi32>
    %shift_right_logical3A_345 = arith.constant 7 : i32
    %shift_right_logical3A_346 = arith.shrui %squeeze3A_342, %shift_right_logical3A_345 : i32
    %and3A_347 = arith.constant 127 : i32
    %and3A_348 = arith.andi %squeeze3A_342, %and3A_347 : i32
    %gt3A_349 = arith.cmpi sgt, %shift_right_logical3A_346, %max3A_318 : i32
    %lt3A_350 = arith.constant 20312 : i32
    %lt3A_351 = arith.cmpi slt, %shift_right_logical3A_346, %lt3A_350 : i32
    %and3A_352 = arith.andi %gt3A_349, %lt3A_351 : i1
    %convert_element_type3A_353 = arith.extui %and3A_352 : i1 to i32
    %add3A_354 = arith.addi %add3A_317, %convert_element_type3A_353 : i32
    %max3A_355 = arith.maxsi %max3A_318, %shift_right_logical3A_346 : i32
    %sub3A_356 = arith.constant 1 : i32
    %sub3A_357 = arith.subi %add3A_354, %sub3A_356 : i32
    %and3A_358 = arith.constant 7 : i32
    %and3A_359 = arith.andi %sub3A_357, %and3A_358 : i32
    %ge3A_360 = arith.constant 2599936 : i32
    %ge3A_361 = arith.cmpi sge, %squeeze3A_342, %ge3A_360 : i32
    %not3A_362 = arith.constant true
    %not3A_363 = arith.xori %ge3A_361, %not3A_362 : i1
    %convert_element_type3A_364 = arith.extui %not3A_363 : i1 to i32
    %cond3A_365 = arith.constant 0 : i32
    %cond3A_366 = arith.cmpi ne, %convert_element_type3A_364, %cond3A_365 : i32
    scf.if %cond3A_366 {
      %mul3A_410 = arith.constant 64 : i32
      %mul3A_411 = arith.muli %and3A_359, %mul3A_410 : i32
      %broadcast_in_dim3A = vector.broadcast %mul3A_411 : i32 to vector<16xi32>
      %add3A_412 = arith.addi %broadcast_in_dim3A, %iota3A : vector<16xi32>
      %broadcast_in_dim3A_413 = vector.broadcast %and3A_348 : i32 to vector<16xi32>
      %add3A_414 = arith.constant 0 : i32
      %add3A_415 = vector.broadcast %add3A_414 : i32 to vector<16xi32>
      %add3A_416 = arith.addi %add3A_412, %add3A_415 : vector<16xi32>
      %gather3A = tpu.vector_load_idx %arg10[%add3A_416, %broadcast_in_dim3A_413] : memref<512x128xf32, #tpu.memory_space<vmem>>[vector<16xi32>, vector<16xi32>], vector<16xf32>,
      %swap3A = arith.constant 448 : index
      %swap3A_417 = tpu.vector_load %arg11[%swap3A] {strides = array<i32>} : memref<512xf32, #tpu.memory_space<vmem>>, vector<16xf32>,
      tpu.vector_store %arg11[%swap3A], %gather3A {strides = array<i32>} : memref<512xf32, #tpu.memory_space<vmem>>, vector<16xf32>,
      %add3A_418 = arith.constant 16 : i32
      %add3A_419 = vector.broadcast %add3A_418 : i32 to vector<16xi32>
      %add3A_420 = arith.addi %add3A_412, %add3A_419 : vector<16xi32>
      %gather3A_421 = tpu.vector_load_idx %arg10[%add3A_420, %broadcast_in_dim3A_413] : memref<512x128xf32, #tpu.memory_space<vmem>>[vector<16xi32>, vector<16xi32>], vector<16xf32>,
      %swap3A_422 = arith.constant 464 : index
      %swap3A_423 = tpu.vector_load %arg11[%swap3A_422] {strides = array<i32>} : memref<512xf32, #tpu.memory_space<vmem>>, vector<16xf32>,
      tpu.vector_store %arg11[%swap3A_422], %gather3A_421 {strides = array<i32>} : memref<512xf32, #tpu.memory_space<vmem>>, vector<16xf32>,
      %add3A_424 = arith.constant 32 : i32
      %add3A_425 = vector.broadcast %add3A_424 : i32 to vector<16xi32>
      %add3A_426 = arith.addi %add3A_412, %add3A_425 : vector<16xi32>
      %gather3A_427 = tpu.vector_load_idx %arg10[%add3A_426, %broadcast_in_dim3A_413] : memref<512x128xf32, #tpu.memory_space<vmem>>[vector<16xi32>, vector<16xi32>], vector<16xf32>,
      %swap3A_428 = arith.constant 480 : index
      %swap3A_429 = tpu.vector_load %arg11[%swap3A_428] {strides = array<i32>} : memref<512xf32, #tpu.memory_space<vmem>>, vector<16xf32>,
      tpu.vector_store %arg11[%swap3A_428], %gather3A_427 {strides = array<i32>} : memref<512xf32, #tpu.memory_space<vmem>>, vector<16xf32>,
      %add3A_430 = arith.constant 48 : i32
      %add3A_431 = vector.broadcast %add3A_430 : i32 to vector<16xi32>
      %add3A_432 = arith.addi %add3A_412, %add3A_431 : vector<16xi32>
      %gather3A_433 = tpu.vector_load_idx %arg10[%add3A_432, %broadcast_in_dim3A_413] : memref<512x128xf32, #tpu.memory_space<vmem>>[vector<16xi32>, vector<16xi32>], vector<16xf32>,
      %swap3A_434 = arith.constant 496 : index
      %swap3A_435 = tpu.vector_load %arg11[%swap3A_434] {strides = array<i32>} : memref<512xf32, #tpu.memory_space<vmem>>, vector<16xf32>,
      tpu.vector_store %arg11[%swap3A_434], %gather3A_433 {strides = array<i32>} : memref<512xf32, #tpu.memory_space<vmem>>, vector<16xf32>,
    } else {
    }
    %convert_element_type3A_367 = arith.extui %ge3A_361 : i1 to i32
    %cond3A_368 = arith.constant 0 : i32
    %cond3A_369 = arith.cmpi ne, %convert_element_type3A_367, %cond3A_368 : i32
    scf.if %cond3A_369 {
      %sub3A_410 = arith.constant 2599936 : i32
      %sub3A_411 = arith.subi %squeeze3A_342, %sub3A_410 : i32
      %broadcast_in_dim3A = vector.broadcast %sub3A_411 : i32 to vector<16xi32>
      %add3A_412 = arith.constant 0 : i32
      %add3A_413 = vector.broadcast %add3A_412 : i32 to vector<16xi32>
      %add3A_414 = arith.addi %iota3A, %add3A_413 : vector<16xi32>
      %gather3A = tpu.vector_load_idx %arg12[%add3A_414, %broadcast_in_dim3A] : memref<64x64xf32, #tpu.memory_space<vmem>>[vector<16xi32>, vector<16xi32>], vector<16xf32>,
      %swap3A = arith.constant 448 : index
      %swap3A_415 = tpu.vector_load %arg11[%swap3A] {strides = array<i32>} : memref<512xf32, #tpu.memory_space<vmem>>, vector<16xf32>,
      tpu.vector_store %arg11[%swap3A], %gather3A {strides = array<i32>} : memref<512xf32, #tpu.memory_space<vmem>>, vector<16xf32>,
      %add3A_416 = arith.constant 16 : i32
      %add3A_417 = vector.broadcast %add3A_416 : i32 to vector<16xi32>
      %add3A_418 = arith.addi %iota3A, %add3A_417 : vector<16xi32>
      %gather3A_419 = tpu.vector_load_idx %arg12[%add3A_418, %broadcast_in_dim3A] : memref<64x64xf32, #tpu.memory_space<vmem>>[vector<16xi32>, vector<16xi32>], vector<16xf32>,
      %swap3A_420 = arith.constant 464 : index
      %swap3A_421 = tpu.vector_load %arg11[%swap3A_420] {strides = array<i32>} : memref<512xf32, #tpu.memory_space<vmem>>, vector<16xf32>,
      tpu.vector_store %arg11[%swap3A_420], %gather3A_419 {strides = array<i32>} : memref<512xf32, #tpu.memory_space<vmem>>, vector<16xf32>,
      %add3A_422 = arith.constant 32 : i32
      %add3A_423 = vector.broadcast %add3A_422 : i32 to vector<16xi32>
      %add3A_424 = arith.addi %iota3A, %add3A_423 : vector<16xi32>
      %gather3A_425 = tpu.vector_load_idx %arg12[%add3A_424, %broadcast_in_dim3A] : memref<64x64xf32, #tpu.memory_space<vmem>>[vector<16xi32>, vector<16xi32>], vector<16xf32>,
      %swap3A_426 = arith.constant 480 : index
      %swap3A_427 = tpu.vector_load %arg11[%swap3A_426] {strides = array<i32>} : memref<512xf32, #tpu.memory_space<vmem>>, vector<16xf32>,
      tpu.vector_store %arg11[%swap3A_426], %gather3A_425 {strides = array<i32>} : memref<512xf32, #tpu.memory_space<vmem>>, vector<16xf32>,
      %add3A_428 = arith.constant 48 : i32
      %add3A_429 = vector.broadcast %add3A_428 : i32 to vector<16xi32>
      %add3A_430 = arith.addi %iota3A, %add3A_429 : vector<16xi32>
      %gather3A_431 = tpu.vector_load_idx %arg12[%add3A_430, %broadcast_in_dim3A] : memref<64x64xf32, #tpu.memory_space<vmem>>[vector<16xi32>, vector<16xi32>], vector<16xf32>,
      %swap3A_432 = arith.constant 496 : index
      %swap3A_433 = tpu.vector_load %arg11[%swap3A_432] {strides = array<i32>} : memref<512xf32, #tpu.memory_space<vmem>>, vector<16xf32>,
      tpu.vector_store %arg11[%swap3A_432], %gather3A_431 {strides = array<i32>} : memref<512xf32, #tpu.memory_space<vmem>>, vector<16xf32>,
    } else {
    }
    %mul3A_370 = arith.constant 64 : i32
    %mul3A_371 = arith.muli %squeeze3A_344, %mul3A_370 : i32
    %dma_start3A_372 = arith.constant 448 : i32
    %dma_start3A_373 = tpu.memref_slice %arg11[%dma_start3A_372] : memref<512xf32, #tpu.memory_space<vmem>> -> memref<64xf32, #tpu.memory_space<vmem>>
    %dma_start3A_374 = tpu.memref_slice %arg7[%mul3A_371] : memref<6815744xf32, #tpu.memory_space<hbm>> -> memref<64xf32, #tpu.memory_space<hbm>>
    %dma_start3A_375 = tpu.memref_slice %arg7[%mul3A_371] : memref<6815744xf32, #tpu.memory_space<hbm>> -> memref<64xf32, #tpu.memory_space<hbm>>
    %dma_start3A_376 = arith.constant 448 : i32
    %dma_start3A_377 = tpu.memref_slice %arg11[%dma_start3A_376] : memref<512xf32, #tpu.memory_space<vmem>> -> memref<64xf32, #tpu.memory_space<vmem>>
    tpu.enqueue_dma source(%dma_start3A_377 : memref<64xf32, #tpu.memory_space<vmem>>) target(%dma_start3A_375 : memref<64xf32, #tpu.memory_space<hbm>>) target_semaphore(%arg14 : memref<!tpu.dma_semaphore, #tpu.memory_space<semaphore_mem>>)
    %dma_wait3A_378 = arith.constant 0 : i32
    %dma_wait3A_379 = tpu.memref_slice %arg11[%dma_wait3A_378] : memref<512xf32, #tpu.memory_space<vmem>> -> memref<64xf32, #tpu.memory_space<vmem>>
    %dma_wait3A_380 = arith.constant 0 : i32
    %dma_wait3A_381 = tpu.memref_slice %arg11[%dma_wait3A_380] : memref<512xf32, #tpu.memory_space<vmem>> -> memref<64xf32, #tpu.memory_space<vmem>>
    tpu.wait_dma2 semaphore(%arg14 : memref<!tpu.dma_semaphore, #tpu.memory_space<semaphore_mem>>) src(%arg4 : memref<64xf32, #tpu.memory_space<hbm>>) dst(%dma_wait3A_381 : memref<64xf32, #tpu.memory_space<vmem>>)
    %dma_wait3A_382 = arith.constant 64 : i32
    %dma_wait3A_383 = tpu.memref_slice %arg11[%dma_wait3A_382] : memref<512xf32, #tpu.memory_space<vmem>> -> memref<64xf32, #tpu.memory_space<vmem>>
    %dma_wait3A_384 = arith.constant 64 : i32
    %dma_wait3A_385 = tpu.memref_slice %arg11[%dma_wait3A_384] : memref<512xf32, #tpu.memory_space<vmem>> -> memref<64xf32, #tpu.memory_space<vmem>>
    tpu.wait_dma2 semaphore(%arg14 : memref<!tpu.dma_semaphore, #tpu.memory_space<semaphore_mem>>) src(%arg4 : memref<64xf32, #tpu.memory_space<hbm>>) dst(%dma_wait3A_385 : memref<64xf32, #tpu.memory_space<vmem>>)
    %dma_wait3A_386 = arith.constant 128 : i32
    %dma_wait3A_387 = tpu.memref_slice %arg11[%dma_wait3A_386] : memref<512xf32, #tpu.memory_space<vmem>> -> memref<64xf32, #tpu.memory_space<vmem>>
    %dma_wait3A_388 = arith.constant 128 : i32
    %dma_wait3A_389 = tpu.memref_slice %arg11[%dma_wait3A_388] : memref<512xf32, #tpu.memory_space<vmem>> -> memref<64xf32, #tpu.memory_space<vmem>>
    tpu.wait_dma2 semaphore(%arg14 : memref<!tpu.dma_semaphore, #tpu.memory_space<semaphore_mem>>) src(%arg4 : memref<64xf32, #tpu.memory_space<hbm>>) dst(%dma_wait3A_389 : memref<64xf32, #tpu.memory_space<vmem>>)
    %dma_wait3A_390 = arith.constant 192 : i32
    %dma_wait3A_391 = tpu.memref_slice %arg11[%dma_wait3A_390] : memref<512xf32, #tpu.memory_space<vmem>> -> memref<64xf32, #tpu.memory_space<vmem>>
    %dma_wait3A_392 = arith.constant 192 : i32
    %dma_wait3A_393 = tpu.memref_slice %arg11[%dma_wait3A_392] : memref<512xf32, #tpu.memory_space<vmem>> -> memref<64xf32, #tpu.memory_space<vmem>>
    tpu.wait_dma2 semaphore(%arg14 : memref<!tpu.dma_semaphore, #tpu.memory_space<semaphore_mem>>) src(%arg4 : memref<64xf32, #tpu.memory_space<hbm>>) dst(%dma_wait3A_393 : memref<64xf32, #tpu.memory_space<vmem>>)
    %dma_wait3A_394 = arith.constant 256 : i32
    %dma_wait3A_395 = tpu.memref_slice %arg11[%dma_wait3A_394] : memref<512xf32, #tpu.memory_space<vmem>> -> memref<64xf32, #tpu.memory_space<vmem>>
    %dma_wait3A_396 = arith.constant 256 : i32
    %dma_wait3A_397 = tpu.memref_slice %arg11[%dma_wait3A_396] : memref<512xf32, #tpu.memory_space<vmem>> -> memref<64xf32, #tpu.memory_space<vmem>>
    tpu.wait_dma2 semaphore(%arg14 : memref<!tpu.dma_semaphore, #tpu.memory_space<semaphore_mem>>) src(%arg4 : memref<64xf32, #tpu.memory_space<hbm>>) dst(%dma_wait3A_397 : memref<64xf32, #tpu.memory_space<vmem>>)
    %dma_wait3A_398 = arith.constant 320 : i32
    %dma_wait3A_399 = tpu.memref_slice %arg11[%dma_wait3A_398] : memref<512xf32, #tpu.memory_space<vmem>> -> memref<64xf32, #tpu.memory_space<vmem>>
    %dma_wait3A_400 = arith.constant 320 : i32
    %dma_wait3A_401 = tpu.memref_slice %arg11[%dma_wait3A_400] : memref<512xf32, #tpu.memory_space<vmem>> -> memref<64xf32, #tpu.memory_space<vmem>>
    tpu.wait_dma2 semaphore(%arg14 : memref<!tpu.dma_semaphore, #tpu.memory_space<semaphore_mem>>) src(%arg4 : memref<64xf32, #tpu.memory_space<hbm>>) dst(%dma_wait3A_401 : memref<64xf32, #tpu.memory_space<vmem>>)
    %dma_wait3A_402 = arith.constant 384 : i32
    %dma_wait3A_403 = tpu.memref_slice %arg11[%dma_wait3A_402] : memref<512xf32, #tpu.memory_space<vmem>> -> memref<64xf32, #tpu.memory_space<vmem>>
    %dma_wait3A_404 = arith.constant 384 : i32
    %dma_wait3A_405 = tpu.memref_slice %arg11[%dma_wait3A_404] : memref<512xf32, #tpu.memory_space<vmem>> -> memref<64xf32, #tpu.memory_space<vmem>>
    tpu.wait_dma2 semaphore(%arg14 : memref<!tpu.dma_semaphore, #tpu.memory_space<semaphore_mem>>) src(%arg4 : memref<64xf32, #tpu.memory_space<hbm>>) dst(%dma_wait3A_405 : memref<64xf32, #tpu.memory_space<vmem>>)
    %dma_wait3A_406 = arith.constant 448 : i32
    %dma_wait3A_407 = tpu.memref_slice %arg11[%dma_wait3A_406] : memref<512xf32, #tpu.memory_space<vmem>> -> memref<64xf32, #tpu.memory_space<vmem>>
    %dma_wait3A_408 = arith.constant 448 : i32
    %dma_wait3A_409 = tpu.memref_slice %arg11[%dma_wait3A_408] : memref<512xf32, #tpu.memory_space<vmem>> -> memref<64xf32, #tpu.memory_space<vmem>>
    tpu.wait_dma2 semaphore(%arg14 : memref<!tpu.dma_semaphore, #tpu.memory_space<semaphore_mem>>) src(%arg4 : memref<64xf32, #tpu.memory_space<hbm>>) dst(%dma_wait3A_409 : memref<64xf32, #tpu.memory_space<vmem>>)
    return
  }
}

</mosaic_0001>

<sc_bundles>
// kernel: kernel.3.cloned.1.call-start
scs
__scs_entry_jumppad:
0x0: {  	(pc) =	sbr.rel $0x88, $3  }
0x1: {  	(tag) =	ssettag $0x0;
	lr =	simm.s32 $0x1  }
0x2: {  	[smem:$0x3F9F] =	sst lr;
	_ =	strace $0xD0000000  }
0x3: {  	_ = 	snop  }
0x4: {  	_ = 	snop  }
0x5: {  	_ = 	snop  }
0x6: {  	_ = 	snop  }
0x7: {  	_ = 	snop  }
__scs_overlays_trampoline_lowered:
0x8: {  	[smem:$0x3FAE] =	sst s0  }
0x9: {  	[smem:$0x3FAF] =	sst s1  }
0xa: {  	[smem:$0x3FB0] =	sst s2  }
0xb: {  	[smem:$0x3FB1] =	sst s3  }
0xc: {  	[smem:$0x3FB2] =	sst s4  }
0xd: {  	[smem:$0x3FB3] =	sst s5  }
0xe: {  	[smem:$0x3FB4] =	sst s6  }
0xf: {  	[smem:$0x3FB5] =	sst s7  }
0x10: {  	[smem:$0x3FB6] =	sst s8  }
0x11: {  	[smem:$0x3FB7] =	sst s9;
	s0 =	simm.s32 @!p0 $0x0  }
0x12: {  	s1 =	sld [smem:$0x3F9D];
	s0 =	simm.s32 @p0 $0x1  }
0x13: {  	[smem:$0x3FB8] =	sst s0;
	s0 =	simm.s32 @!p1 $0x0  }
0x14: {  	s2 =	sld [smem:$0x3F9C];
	s0 =	simm.s32 @p1 $0x1  }
0x15: {  	[smem:$0x3FB9] =	sst s0;
	s0 =	simm.s32 @!p2 $0x0  }
0x16: {  	s3 =	sld [smem:$0x3FDB];
	s0 =	simm.s32 @p2 $0x1  }
0x17: {  	s4 =	simm.s32 $0x1BF5;
	[smem:$0x3FBB] =	sst s0  }
0x18: {  	s0 =	sld [smem:$0x3F9E];
	_ =	swait.ge [sflag:s4], $0x0  }
0x19: {  	s7 =	sld [smem:$0x3F9F]  }
0x1a: {  	s8 =	sadd.s32 $0xFFFFE003, lr  }
0x1b: {  	s9 =	sadd.s32 $0xFFFFFEF7, lr;
	s5 =	simm.s32 $0xFFFFFFFF;
	p2 =	slt.u32 s8, $0xFFFFF086  }
0x1c: {  	p1 =	slt.u32 s9, $0xF7A;
	s5 =	simm.s32 @!p2 $0x0  }
0x1d: {  	s5 =	simm.s32 @p1 $0x1;
	p0 =	seq.s32 s7, s2  }
0x1e: {  	s7 =	smul.u32 @!p0 $0xF7A, s2;
	p2 =	seq.s32 @!p0 s5, $0x0  }
0x1f: {  	s9 =	smul.u32 $0xF7A, s1;
	s8 =	simm.s32 @!p0 $0x1BF5;
	p2 =	por !p2, p0  }
0x20: {  	[sflag:s8] =	ssyncset.s32 @!p0 $0xFFFFF086;
	s6 =	sadd.s32 @!p0 s3, s7;
	s7 =	simm.s32 @!p0 $0x108  }
0x21: {  	s3 =	sadd.s32 s3, s9;
	s6 =	sadd.s32 @!p0 $0x88, s6;
	s7 =	simm.s32 @p2 $0x1082  }
0x22: {  	[simem:s7], [sflag:s8] =	dma.local @!p0 [hbm:s6], $0xF7A  }
0x23: {  	s9 =	sor.u32 $0xD0000000, s2;
	s6 =	simm.s32 $0x108;
	_ =	swait.ge @!p0 [sflag:s8], $0x0  }
0x24: {  	s3 =	sadd.s32 $0x88, s3;
	s6 =	simm.s32 @!p1 $0x1082;
	[sflag:s4] =	ssyncset.s32 $0xFFFFF086  }
0x25: {  	[simem:s6], [sflag:s4] =	dma.local [hbm:s3], $0xF7A  }
0x26: {  	[smem:$0x3F9F] =	sst s1;
	(tag) =	ssettag s2;
	_ =	strace s9  }
0x27: {  	s1 =	sld [smem:$0x3FAF]  }
0x28: {  	s2 =	sld [smem:$0x3FB0]  }
0x29: {  	s4 =	sld [smem:$0x3FB2]  }
0x2a: {  	p0 =	seq.s32 s5, $0x0;
	s5 =	sld [smem:$0x3FB3]  }
0x2b: {  	s6 =	sld [smem:$0x3FB4]  }
0x2c: {  	s7 =	sld [smem:$0x3FB5]  }
0x2d: {  	s3 =	simm.s32 $0x108;
	s8 =	sld [smem:$0x3FB6]  }
0x2e: {  	s3 =	simm.s32 @!p0 $0x1082;
	s9 =	sld [smem:$0x3FB7]  }
0x2f: {  	lr =	sadd.s32 s0, s3;
	s0 =	sld [smem:$0x3FAE]  }
0x30: {  	s3 =	sld [smem:$0x3FB1]  }
0x31: {  	[smem:$0x3FBA] =	sst s10  }
0x32: {  	s10 =	sld [smem:$0x3FB8];
	_ =	sdelay $0x3  }
0x33: {  	p0 =	seq.s32 s10, $0x1;
	s10 =	sld [smem:$0x3FBA];
	_ =	sdelay $0x3  }
0x34: {  	[smem:$0x3FBA] =	sst s10  }
0x35: {  	s10 =	sld [smem:$0x3FB9];
	_ =	sdelay $0x3  }
0x36: {  	p1 =	seq.s32 s10, $0x1;
	s10 =	sld [smem:$0x3FBA];
	_ =	sdelay $0x3  }
0x37: {  	[smem:$0x3FBA] =	sst s10  }
0x38: {  	s10 =	sld [smem:$0x3FBB]  }
0x39: {  	_ = 	snop;
	(pc) =	sbr.ind lr, $3  }
0x3a: {  	_ = 	snop  }
0x3b: {  	_ = 	snop  }
0x3c: {  	p2 =	seq.s32 s10, $0x1;
	s10 =	sld [smem:$0x3FBA]  }
0x3d: {  	_ =	shalt  }
0x3e: {  	_ =	shalt  }
0x3f: {  	_ =	shalt  }
0x40: {  	_ =	shalt  }
0x41: {  	_ =	shalt  }
0x42: {  	_ =	shalt  }
0x43: {  	_ =	shalt  }
0x44: {  	_ =	shalt  }
0x45: {  	_ =	shalt  }
0x46: {  	_ =	shalt  }
0x47: {  	_ =	shalt  }
0x48: {  	_ =	shalt  }
0x49: {  	_ =	shalt  }
0x4a: {  	_ =	shalt  }
0x4b: {  	_ =	shalt  }
0x4c: {  	_ =	shalt  }
0x4d: {  	_ =	shalt  }
0x4e: {  	_ =	shalt  }
0x4f: {  	_ =	shalt  }
0x50: {  	_ =	shalt  }
0x51: {  	_ =	shalt  }
0x52: {  	_ =	shalt  }
0x53: {  	_ =	shalt  }
0x54: {  	_ =	shalt  }
0x55: {  	_ =	shalt  }
0x56: {  	_ =	shalt  }
0x57: {  	_ =	shalt  }
0x58: {  	_ =	shalt  }
0x59: {  	_ =	shalt  }
0x5a: {  	_ =	shalt  }
0x5b: {  	_ =	shalt  }
0x5c: {  	_ =	shalt  }
0x5d: {  	_ =	shalt  }
0x5e: {  	_ =	shalt  }
0x5f: {  	_ =	shalt  }
0x60: {  	_ =	shalt  }
0x61: {  	_ =	shalt  }
0x62: {  	_ =	shalt  }
0x63: {  	_ =	shalt  }
0x64: {  	_ =	shalt  }
0x65: {  	_ =	shalt  }
0x66: {  	_ =	shalt  }
0x67: {  	_ =	shalt  }
0x68: {  	_ =	shalt  }
0x69: {  	_ =	shalt  }
0x6a: {  	_ =	shalt  }
0x6b: {  	_ =	shalt  }
0x6c: {  	_ =	shalt  }
0x6d: {  	_ =	shalt  }
0x6e: {  	_ =	shalt  }
0x6f: {  	_ =	shalt  }
0x70: {  	_ =	shalt  }
0x71: {  	_ =	shalt  }
0x72: {  	_ =	shalt  }
0x73: {  	_ =	shalt  }
0x74: {  	_ =	shalt  }
0x75: {  	_ =	shalt  }
0x76: {  	_ =	shalt  }
0x77: {  	_ =	shalt  }
0x78: {  	_ =	shalt  }
0x79: {  	_ =	shalt  }
0x7a: {  	_ =	shalt  }
0x7b: {  	_ =	shalt  }
0x7c: {  	_ =	shalt  }
0x7d: {  	_ =	shalt  }
0x7e: {  	_ =	shalt  }
0x7f: {  	_ =	shalt  }
0x80: {  	_ =	shalt  }
0x81: {  	_ =	shalt  }
0x82: {  	_ =	shalt  }
0x83: {  	_ =	shalt  }
0x84: {  	_ =	shalt  }
0x85: {  	_ =	shalt  }
0x86: {  	_ =	shalt  }
0x87: {  	_ =	shalt  }
.Lfunc_end0:
.L_simem_size_0:
called_computation_lowered:
.L_overlay_start_0:
0x88: {  	s2 =	sld [smem:$0x3FD9]  }
0x89: {  	s3 =	sld [smem:$0x3FFE];
	_ =	sdelay $0x1  }
0x8a: {  	s1 =	srdreg.scid  }
0x8b: {  	s0 =	sand.u32 $0x1, s1  }
0x8c: {  	s17 =	sshll.u32 s0, $0xA;
	s2 =	sadd.s32 s3, s2  }
0x8d: {  	s2 =	sadd.s32 s2, s17  }
0x8e: {  	[smem:$0x3FC6] =	sst s2  }
0x8f: {  	_ = 	snop  }
0x90: {  	s2 =	sld [smem:$0x3FC8]  }
0x91: {  	s18 =	sld [smem:$0x3FD0];
	(tm) =	ssettm $0x1  }
0x92: {  	s4 =	sld [smem:$0x3FFB];
	_ =	sdelay $0x3  }
0x93: {  	_ =	strace s4  }
0x94: {  	s4 =	sld [smem:$0x3FFC];
	_ =	sdelay $0x3  }
0x95: {  	_ =	strace s4  }
0x96: {  	s4 =	sld [smem:$0x3FFD];
	_ =	sdelay $0x3  }
0x97: {  	_ =	strace s4  }
0x98: {  	_ =	strace $0x8FFFFFFF  }
0x99: {  	s19 =	sld [smem:$0x3FDB];
	_ =	sdelay $0x1  }
0x9a: {  	s5 =	simm.s32 $_scs_section_size  }
0x9b: {  	s6 =	simm.s32 $_size__tile_overlayer_lowered;
	s7 =	simm.s32 $_tile_overlayer_lowered  }
0x9c: {  	s22 =	simm.s32 $0x1BFF;
	s21 =	sshll.u32 s7, $0x1;
	s4 =	sadd.s32 s5, s19  }
0x9d: {  	s8 =	simm.s32 $0x0;
	s20 =	sshll.u32 s6, $0x1;
	s6 =	sadd.s32 s21, s4  }
0x9e: {  	[timem:s8], [sflag:s22] =	dma.local [hbm:s6], s20  }
0x9f: {  	_ =	swait.ge [sflag:s22], s20  }
0xa0: {  	s5 =	ssub.s32 $0x0, s20;
	[sflag:s22] =	ssyncset.done $0x0  }
0xa1: {  	[sflag:s22] =	ssyncadd.s32 s5;
	_ =	sdelay $0x1  }
0xa2: {  	s23 =	simm.s32 $0x1B8B  }
0xa3: {  	_ =	swait.ge [sflag:s23], $0x1  }
0xa4: {  	[sflag:s23] =	ssyncset.done $0x0  }
0xa5: {  	s25 =	simm.s32 $0x1B8E;
	s24 =	sld [smem:$0x3FFE];
	[sflag:s23] =	ssyncadd.s32 $0xFFFFFFFF  }
0xa6: {  	s26 =	simm.s32 $execute0_lowered;
	[smem:$0x3FD2] =	sst s25  }
0xa7: {  	s6 =	sshll.u32 s26, $0x1;
	_ =	strace $0x80000046;
	[dreg:$0x1] =	wrdreg $0xFFFFFFFF  }
0xa8: {  	s28 =	simm.s32 $_size_execute0_lowered;
	s4 =	sadd.s32 s4, s6;
	[dreg:$0x0] =	wrdreg $0x0  }
0xa9: {  	s6 =	sshll.u32 s28, $0x1;
	[dreg:$0x2] =	wrdreg s4  }
0xaa: {  	[dreg:$0x3] =	wrdreg s6  }
0xab: {  	[dreg:$0x4] =	wrdreg $0xC0  }
0xac: {  	_ =	task [dreg:s8], $0x5FFFF  }
0xad: {  	[dreg:$0x1] =	wrdreg $0xFFFFFFFF  }
0xae: {  	[dreg:$0x0] =	wrdreg $0x60  }
0xaf: {  	[dreg:$0x2] =	wrdreg s24  }
0xb0: {  	[dreg:$0x3] =	wrdreg s2  }
0xb1: {  	[dreg:$0x4] =	wrdreg s18  }
0xb2: {  	[dreg:$0x5] =	wrdreg $0x9  }
0xb3: {  	_ =	task.clear_ibuf [dreg:s8], $0x6FFFF;
	_ =	strace $0x90000046  }
0xb4: {  	s29 =	simm.s32 $0x9;
	_ =	strace $0x80000048  }
0xb5: {  	_ =	swait.ge [sflag:s29], $0x1  }
0xb6: {  	[sflag:s29] =	ssyncadd.s32 $0xFFFFFFFF  }
0xb7: {  	_ =	strace $0x90000048  }
0xb8: {  	_ =	sfence  }
0xb9: {  	s30 =	sld [smem:$0x0];
	_ =	sdelay $0x2  }
0xba: {  	s31 =	sshll.u32 s1, $0xD;
	s1 =	sshrl.u32 s1, $0x2  }
0xbb: {  	s3 =	sand.u32 $0x4000, s31;
	s1 =	sadd.s32 s1, s30  }
0xbc: {  	s0 =	sor.u32 s3, s0;
	s1 =	sshll.u32 s1, $0x11  }
0xbd: {  	s0 =	sor.u32 s1, s0  }
0xbe: {  	s0 =	sadd.s32 $0x8F2B, s0  }
0xbf: {  	[sflag:s0] =	ssyncadd.remote.s32 $0x1  }
0xc0: {  	_ =	sfence.sel $0xFFFF  }
0xc1: {  	[dreg:$0x0] =	wrdreg $0xFFFFFFFF;
	(pc) =	sbr.abs _section_cstart, $3  }
0xc2: {  	[dreg:$0x1] =	wrdreg $0xFFFFFFFF  }
0xc3: {  	_ =	task.clear_ibuf [dreg:s8], $0x2FFFF;
	_ =	strace $0x9FFFFFFF  }
0xc4: {  	(tm) =	ssettm $0x7FFFFFFF  }
0xc5: {  	_ =	shalt  }
tec
execute0_lowered:
.L_overlay_start_1:
0x0: {  	(tag) =	ssettag $0x1  }
0x1: {  	s1 =	rddreg [dreg:$0x0]  }
0x2: {  	s2 =	srdreg.scid;
	s3 =	rddreg [dreg:$0x1]  }
0x3: {  	s0 =	stileid.u32;
	s4 =	rddreg [dreg:$0x2]  }
0x4: {  	s5 =	simm.s32 $0x0;
	s9 =	simm.s32 $0x3;
	s11 =	simm.s32 $0x11D00  }
0x5: {  	s12 =	simm.s32 $0x2;
	s13 =	simm.s32 $0x11B00;
	s14 =	simm.s32 $0x11B40  }
0x6: {  	s15 =	simm.s32 $0x11B80;
	s16 =	simm.s32 $0x11BC0;
	s17 =	simm.s32 $0x11C00  }
0x7: {  	s18 =	simm.s32 $0x11C40;
	s6 =	sand.u32 $0x1, s2;
	s31 =	sshll.u32 s0, $0x1  }
.Ltmp0:
0x8: {  	s19 =	simm.s32 $0x11C80;
	s2 =	sor.u32 s6, s31;
	(pc) =	sbr.rel .LBB2_1-.Ltmp0, $4  }
0x9: {  	s20 =	simm.s32 $0x11CC0;
	s6 =	ssub.s32 $0x2, s6;
	s7 =	smul.u32 $0x1A0, s2  }
0xa: {  	s21 =	simm.s32 $0x0;
	[smem:$0x7FF] =	sst s5;
	s8 =	sshrl.u32 s6, $0x1  }
0xb: {  	_ =	strace $0x80000047;
	s8 =	ssub.s32 s6, s8;
	s7 =	sadd.s32 s7, s1  }
0xc: {  	s8 =	smax.u32 s8, $0x1;
	s6 =	sadd.s32 $0x400, s7;
	s7 =	sadd.s32 $0x3800, s7  }
.LBB2_7:
0xd: {  	p0 =	sge.s32 s23, s31  }
0xe: {  	s0 =	simm.s32 @!p0 $0x1  }
0xf: {  	s2 =	sadd.s32 $0x1, s23;
	_ =	swait.ge @!p0 [sflag:s0], $0x2000  }
0x10: {  	p1 =	sge.s32 s2, s31;
	[sflag:s0] =	ssyncset.done @!p0 $0x0  }
0x11: {  	[sflag:s0] =	ssyncadd.s32 @!p0 $0xFFFFE000;
	s0 =	simm.s32 @!p1 $0x1  }
0x12: {  	s10 =	sadd.s32 $0x2, s23;
	_ =	swait.ge @!p1 [sflag:s0], $0x2000  }
0x13: {  	p0 =	sge.s32 s10, s31;
	[sflag:s0] =	ssyncset.done @!p1 $0x0  }
0x14: {  	[sflag:s0] =	ssyncadd.s32 @!p1 $0xFFFFE000;
	s0 =	simm.s32 @!p0 $0x1  }
0x15: {  	s24 =	sadd.s32 $0x3, s23;
	_ =	swait.ge @!p0 [sflag:s0], $0x2000  }
0x16: {  	p1 =	sge.s32 s24, s31;
	[sflag:s0] =	ssyncset.done @!p0 $0x0  }
0x17: {  	[sflag:s0] =	ssyncadd.s32 @!p0 $0xFFFFE000;
	s0 =	simm.s32 @!p1 $0x1  }
0x18: {  	s25 =	sadd.s32 $0x4, s23;
	_ =	swait.ge @!p1 [sflag:s0], $0x2000  }
0x19: {  	p0 =	sge.s32 s25, s31;
	[sflag:s0] =	ssyncset.done @!p1 $0x0  }
0x1a: {  	[sflag:s0] =	ssyncadd.s32 @!p1 $0xFFFFE000;
	s0 =	simm.s32 @!p0 $0x1  }
0x1b: {  	s26 =	sadd.s32 $0x5, s23;
	_ =	swait.ge @!p0 [sflag:s0], $0x2000  }
0x1c: {  	p1 =	sge.s32 s26, s31;
	[sflag:s0] =	ssyncset.done @!p0 $0x0  }
0x1d: {  	[sflag:s0] =	ssyncadd.s32 @!p0 $0xFFFFE000;
	s0 =	simm.s32 @!p1 $0x1  }
0x1e: {  	s28 =	sadd.s32 $0x6, s23;
	_ =	swait.ge @!p1 [sflag:s0], $0x2000  }
0x1f: {  	p0 =	sge.s32 s28, s31;
	[sflag:s0] =	ssyncset.done @!p1 $0x0  }
0x20: {  	[sflag:s0] =	ssyncadd.s32 @!p1 $0xFFFFE000;
	s0 =	simm.s32 @!p0 $0x1  }
0x21: {  	s29 =	sadd.s32 $0x7, s23;
	_ =	swait.ge @!p0 [sflag:s0], $0x2000  }
0x22: {  	p1 =	sge.s32 s29, s31;
	[sflag:s0] =	ssyncset.done @!p0 $0x0  }
0x23: {  	[sflag:s0] =	ssyncadd.s32 @!p0 $0xFFFFE000;
	s0 =	simm.s32 @!p1 $0x1  }
0x24: {  	_ =	swait.ge @!p1 [sflag:s0], $0x2000  }
0x25: {  	[sflag:s0] =	ssyncset.done @!p1 $0x0  }
0x26: {  	[sflag:s0] =	ssyncadd.s32 @!p1 $0xFFFFE000  }
0x27: {  	_ =	swait.ge [sflag:s12], $0x40  }
0x28: {  	[sflag:s12] =	ssyncset.done $0x0  }
0x29: {  	[sflag:s12] =	ssyncadd.s32 $0xFFFFFFC0  }
0x2a: {  	_ =	swait.ge [sflag:s12], $0x40  }
0x2b: {  	[sflag:s12] =	ssyncset.done $0x0  }
0x2c: {  	[sflag:s12] =	ssyncadd.s32 $0xFFFFFFC0  }
0x2d: {  	_ =	swait.ge [sflag:s12], $0x40  }
0x2e: {  	[sflag:s12] =	ssyncset.done $0x0  }
0x2f: {  	[sflag:s12] =	ssyncadd.s32 $0xFFFFFFC0  }
0x30: {  	_ =	swait.ge [sflag:s12], $0x40  }
0x31: {  	[sflag:s12] =	ssyncset.done $0x0  }
0x32: {  	[sflag:s12] =	ssyncadd.s32 $0xFFFFFFC0  }
0x33: {  	_ =	swait.ge [sflag:s12], $0x40  }
0x34: {  	[sflag:s12] =	ssyncset.done $0x0  }
0x35: {  	[sflag:s12] =	ssyncadd.s32 $0xFFFFFFC0  }
0x36: {  	_ =	swait.ge [sflag:s12], $0x40  }
0x37: {  	[sflag:s12] =	ssyncset.done $0x0  }
0x38: {  	[sflag:s12] =	ssyncadd.s32 $0xFFFFFFC0  }
0x39: {  	_ =	swait.ge [sflag:s12], $0x40  }
0x3a: {  	[sflag:s12] =	ssyncset.done $0x0  }
0x3b: {  	[sflag:s12] =	ssyncadd.s32 $0xFFFFFFC0  }
0x3c: {  	_ =	swait.ge [sflag:s12], $0x40  }
0x3d: {  	[sflag:s12] =	ssyncset.done $0x0  }
0x3e: {  	[sflag:s12] =	ssyncadd.s32 $0xFFFFFFC0  }
0x3f: {  	v1 =	vld [tilespmem:$0xCF8];
	_ =	sdelay $0x4  }
0x40: {  	(v2sf) =	vpush v1, $0x0;
	_ =	sdelay $0xe  }
0x41: {  	s0 =	spop (v2sf)  }
0x42: {  	p1 =	sgt.s32 s0, $0x27ABFF  }
0x43: {  	v0 =	vlaneseq.u32 @p1  }
0x44: {  	v2 =	vmul.u32 @p1 $0x80, v0  }
0x45: {  	s2 =	sadd.s32 @p1 $0xFFD85400, s0  }
0x46: {  	v0 =	vadd.s32 @p1 s2, v2;
	_ =	sdelay $0x3  }
0x47: {  	s10 =	simm.s32 @p1 $0x11D00  }
0x48: {  	v3 =	vor.u32 @p1 $0x800, v2;
	v0 =	vld.idx.msk @p1 [tilespmem:v0+s10+$0x0], $0xffff  }
0x49: {  	s24 =	sshrl.u32 s0, $0x7;
	v3 =	vadd.s32 @p1 s2, v3  }
0x4a: {  	p2 =	slt.u32 s0, $0x27AC00;
	p3 =	sgt.s32 s24, s22  }
0x4b: {  	p0 =	por !p2, !p3  }
0x4c: {  	s25 =	simm.s32 $0x1;
	p0 =	por !p0, !p0  }
0x4d: {  	s25 =	simm.s32 @!p0 $0x0;
	[tilespmem:$0x11B00] =	vst @p1 v0  }
0x4e: {  	s23 =	sadd.s32 s25, s23;
	v0 =	vld.idx.msk @p1 [tilespmem:v3+s10+$0x0], $0xffff;
	v3 =	vor.u32 @p1 $0x1000, v2  }
0x4f: {  	s25 =	sshll.u32 @!p1 s23, $0x6;
	v3 =	vadd.s32 @p1 s2, v3  }
0x50: {  	s25 =	sadd.s32 @!p1 $0x1C0, s25  }
0x51: {  	v4 =	vlaneseq.u32 @!p1;
	s25 =	sand.u32 @!p1 $0x1C0, s25  }
0x52: {  	v4 =	vmul.u32 @!p1 $0x80, v4;
	v5 =	vmov @!p1 s25  }
0x53: {  	v5 =	vshll.u32 @!p1 v5, $0x7;
	[tilespmem:$0x11B10] =	vst @p1 v0  }
0x54: {  	s0 =	sand.u32 @!p1 $0x7F, s0;
	v0 =	vor.u32 @!p1 v4, v5;
	v3 =	vld.idx.msk @p1 [tilespmem:v3+s10+$0x0], $0xffff  }
0x55: {  	v6 =	vor.u32 @!p1 s0, v0  }
0x56: {  	v63 =	vld [tilespmem:$0x1A78];
	_ =	sdelay $0x1  }
0x57: {  	v2 =	vor.u32 @p1 $0x1800, v2  }
0x58: {  	v2 =	vadd.s32 @p1 s2, v2;
	s2 =	simm.s32 @!p1 $0x1B00;
	[tilespmem:$0x11B20] =	vst @p1 v3;
	v3 =	vor.u32 @!p1 $0x800, v4  }
0x59: {  	v6 =	vld.idx.msk @!p1 [tilespmem:v6+s2+$0x0], $0xffff;
	v3 =	vor.u32 @!p1 v3, v5  }
0x5a: {  	(v2sf) =	vpush v63, $0x0;
	v3 =	vor.u32 @!p1 s0, v3  }
0x5b: {  	(v2sf) =	vpush v1, $0x1;
	_ =	sdelay $0x2  }
0x5c: {  	v7 =	vor.u32 @!p1 $0x1000, v4;
	v2 =	vld.idx.msk @p1 [tilespmem:v2+s10+$0x0], $0xffff;
	[tilespmem:$0x11B00] =	vst @!p1 v6  }
0x5d: {  	v6 =	vor.u32 @!p1 v7, v5;
	v3 =	vld.idx.msk @!p1 [tilespmem:v3+s2+$0x0], $0xffff  }
0x5e: {  	v6 =	vor.u32 @!p1 s0, v6;
	_ =	sdelay $0x3  }
0x5f: {  	v4 =	vor.u32 @!p1 $0x1800, v4;
	[tilespmem:$0x11B10] =	vst @!p1 v3  }
0x60: {  	v4 =	vor.u32 @!p1 v4, v5;
	v3 =	vld.idx.msk @!p1 [tilespmem:v6+s2+$0x0], $0xffff  }
0x61: {  	v4 =	vor.u32 @!p1 s0, v4;
	_ =	sdelay $0x2  }
0x62: {  	s30 =	spop (v2sf)  }
0x63: {  	s10 =	spop (v2sf);
	[tilespmem:$0x11B20] =	vst @!p1 v3  }
0x64: {  	p0 =	sgt.s32 s10, $0x27ABFF;
	v3 =	vld.idx.msk @!p1 [tilespmem:v4+s2+$0x0], $0xffff  }
0x65: {  	v4 =	vlaneseq.u32 @p0  }
0x66: {  	v4 =	vmul.u32 @p0 $0x80, v4  }
0x67: {  	s2 =	sadd.s32 @p0 $0xFFD85400, s10  }
0x68: {  	s0 =	sshll.u32 s30, $0x3;
	v5 =	vadd.s32 @p0 s2, v4  }
0x69: {  	s0 =	sand.u32 $0x1FFFFFF8, s0;
	v2 =	vpsel p1, v2, v3  }
0x6a: {  	s0 =	sadd.s32 s4, s0;
	[tilespmem:$0x11B30] =	vst v2  }
0x6b: {  	[hbm4b:s0+s5] =	stream.linear.scatter [tilespmem:s13], [sflag:$0x2], $0x40, $0x38;
	[tilespmem:$0x13D00] =	vst v63  }
0x6c: {  	s0 =	simm.s32 @p0 $0x11D00  }
0x6d: {  	p1 =	sgt.s32 s22, s24;
	v3 =	vor.u32 @p0 $0x800, v4;
	v2 =	vld.idx.msk @p0 [tilespmem:v5+s0+$0x0], $0xffff  }
0x6e: {  	s31 =	sshrl.u32 s10, $0x7;
	s24 =	smov.u32 @p1 s22;
	v3 =	vadd.s32 @p0 s2, v3  }
0x6f: {  	p4 =	slt.u32 s10, $0x27AC00;
	p1 =	sgt.u32 s31, s24  }
0x70: {  	p1 =	por !p4, !p1  }
0x71: {  	s22 =	simm.s32 $0x1;
	p1 =	por !p1, !p1  }
0x72: {  	s22 =	simm.s32 @!p1 $0x0;
	[tilespmem:$0x11B40] =	vst @p0 v2  }
0x73: {  	s22 =	sadd.s32 s22, s23;
	v2 =	vld.idx.msk @p0 [tilespmem:v3+s0+$0x0], $0xffff;
	v3 =	vor.u32 @p0 $0x1000, v4  }
0x74: {  	s23 =	sshll.u32 @!p0 s22, $0x6;
	v3 =	vadd.s32 @p0 s2, v3  }
0x75: {  	s23 =	sadd.s32 @!p0 $0x1C0, s23  }
0x76: {  	v5 =	vlaneseq.u32 @!p0;
	s23 =	sand.u32 @!p0 $0x1C0, s23  }
0x77: {  	v5 =	vmul.u32 @!p0 $0x80, v5;
	v6 =	vmov @!p0 s23  }
0x78: {  	[tilespmem:$0x11B50] =	vst @p0 v2;
	v2 =	vshll.u32 @!p0 v6, $0x7  }
0x79: {  	s10 =	sand.u32 @!p0 $0x7F, s10;
	v3 =	vld.idx.msk @p0 [tilespmem:v3+s0+$0x0], $0xffff;
	v6 =	vor.u32 @!p0 v5, v2  }
0x7a: {  	v6 =	vor.u32 @!p0 s10, v6;
	_ =	sdelay $0x2  }
0x7b: {  	v4 =	vor.u32 @p0 $0x1800, v4  }
0x7c: {  	[tilespmem:$0x11B60] =	vst @p0 v3;
	v3 =	vadd.s32 @p0 s2, v4;
	v4 =	vor.u32 @!p0 $0x800, v5;
	s2 =	simm.s32 @!p0 $0x1B00  }
0x7d: {  	v6 =	vld.idx.msk @!p0 [tilespmem:v6+s2+$0x0], $0xffff;
	v4 =	vor.u32 @!p0 v4, v2  }
0x7e: {  	(v2sf) =	vpush v63, $0x1;
	v4 =	vor.u32 @!p0 s10, v4  }
0x7f: {  	(v2sf) =	vpush v1, $0x2;
	_ =	sdelay $0x2  }
0x80: {  	v7 =	vor.u32 @!p0 $0x1000, v5;
	v3 =	vld.idx.msk @p0 [tilespmem:v3+s0+$0x0], $0xffff;
	[tilespmem:$0x11B40] =	vst @!p0 v6  }
0x81: {  	v6 =	vor.u32 @!p0 v7, v2;
	v4 =	vld.idx.msk @!p0 [tilespmem:v4+s2+$0x0], $0xffff  }
0x82: {  	v6 =	vor.u32 @!p0 s10, v6;
	_ =	sdelay $0x3  }
0x83: {  	v5 =	vor.u32 @!p0 $0x1800, v5;
	[tilespmem:$0x11B50] =	vst @!p0 v4  }
0x84: {  	v2 =	vor.u32 @!p0 v5, v2;
	v4 =	vld.idx.msk @!p0 [tilespmem:v6+s2+$0x0], $0xffff  }
0x85: {  	v2 =	vor.u32 @!p0 s10, v2;
	_ =	sdelay $0x2  }
0x86: {  	s23 =	spop (v2sf)  }
0x87: {  	s10 =	spop (v2sf);
	[tilespmem:$0x11B60] =	vst @!p0 v4  }
0x88: {  	p1 =	sgt.s32 s10, $0x27ABFF;
	v2 =	vld.idx.msk @!p0 [tilespmem:v2+s2+$0x0], $0xffff  }
0x89: {  	v4 =	vlaneseq.u32 @p1  }
0x8a: {  	v4 =	vmul.u32 @p1 $0x80, v4  }
0x8b: {  	s2 =	sadd.s32 @p1 $0xFFD85400, s10  }
0x8c: {  	s0 =	sshll.u32 s23, $0x3;
	v5 =	vadd.s32 @p1 s2, v4  }
0x8d: {  	s0 =	sand.u32 $0x1FFFFFF8, s0;
	v2 =	vpsel p0, v3, v2  }
0x8e: {  	s0 =	sadd.s32 s4, s0;
	[tilespmem:$0x11B70] =	vst v2  }
0x8f: {  	[hbm4b:s0+s5] =	stream.linear.scatter [tilespmem:s14], [sflag:$0x2], $0x40, $0x38;
	[tilespmem:$0x13D00] =	vst v63  }
0x90: {  	s0 =	simm.s32 @p1 $0x11D00  }
0x91: {  	v3 =	vor.u32 @p1 $0x800, v4;
	v2 =	vld.idx.msk @p1 [tilespmem:v5+s0+$0x0], $0xffff  }
0x92: {  	s24 =	smax.u32 s24, s31;
	s26 =	sshrl.u32 s10, $0x7;
	v3 =	vadd.s32 @p1 s2, v3  }
0x93: {  	p6 =	slt.u32 s10, $0x27AC00;
	p5 =	sgt.u32 s26, s24  }
0x94: {  	p0 =	por !p6, !p5  }
0x95: {  	s25 =	simm.s32 $0x1;
	p0 =	por !p0, !p0  }
0x96: {  	s25 =	simm.s32 @!p0 $0x0;
	[tilespmem:$0x11B80] =	vst @p1 v2  }
0x97: {  	s22 =	sadd.s32 s25, s22;
	v2 =	vld.idx.msk @p1 [tilespmem:v3+s0+$0x0], $0xffff;
	v3 =	vor.u32 @p1 $0x1000, v4  }
0x98: {  	s25 =	sshll.u32 @!p1 s22, $0x6;
	v3 =	vadd.s32 @p1 s2, v3  }
0x99: {  	s25 =	sadd.s32 @!p1 $0x1C0, s25  }
0x9a: {  	v5 =	vlaneseq.u32 @!p1;
	s25 =	sand.u32 @!p1 $0x1C0, s25  }
0x9b: {  	v5 =	vmul.u32 @!p1 $0x80, v5;
	v6 =	vmov @!p1 s25  }
0x9c: {  	[tilespmem:$0x11B90] =	vst @p1 v2;
	v2 =	vshll.u32 @!p1 v6, $0x7  }
0x9d: {  	s10 =	sand.u32 @!p1 $0x7F, s10;
	v3 =	vld.idx.msk @p1 [tilespmem:v3+s0+$0x0], $0xffff;
	v6 =	vor.u32 @!p1 v5, v2  }
0x9e: {  	v6 =	vor.u32 @!p1 s10, v6;
	_ =	sdelay $0x2  }
0x9f: {  	v4 =	vor.u32 @p1 $0x1800, v4  }
0xa0: {  	[tilespmem:$0x11BA0] =	vst @p1 v3;
	v3 =	vadd.s32 @p1 s2, v4;
	v4 =	vor.u32 @!p1 $0x800, v5;
	s2 =	simm.s32 @!p1 $0x1B00  }
0xa1: {  	v6 =	vld.idx.msk @!p1 [tilespmem:v6+s2+$0x0], $0xffff;
	v4 =	vor.u32 @!p1 v4, v2  }
0xa2: {  	(v2sf) =	vpush v63, $0x2;
	v4 =	vor.u32 @!p1 s10, v4  }
0xa3: {  	(v2sf) =	vpush v1, $0x3;
	_ =	sdelay $0x2  }
0xa4: {  	v7 =	vor.u32 @!p1 $0x1000, v5;
	v3 =	vld.idx.msk @p1 [tilespmem:v3+s0+$0x0], $0xffff;
	[tilespmem:$0x11B80] =	vst @!p1 v6  }
0xa5: {  	v6 =	vor.u32 @!p1 v7, v2;
	v4 =	vld.idx.msk @!p1 [tilespmem:v4+s2+$0x0], $0xffff  }
0xa6: {  	v6 =	vor.u32 @!p1 s10, v6;
	_ =	sdelay $0x3  }
0xa7: {  	v5 =	vor.u32 @!p1 $0x1800, v5;
	[tilespmem:$0x11B90] =	vst @!p1 v4  }
0xa8: {  	v2 =	vor.u32 @!p1 v5, v2;
	v4 =	vld.idx.msk @!p1 [tilespmem:v6+s2+$0x0], $0xffff  }
0xa9: {  	v2 =	vor.u32 @!p1 s10, v2;
	_ =	sdelay $0x2  }
0xaa: {  	s28 =	spop (v2sf)  }
0xab: {  	s10 =	spop (v2sf);
	[tilespmem:$0x11BA0] =	vst @!p1 v4  }
0xac: {  	p0 =	sgt.s32 s10, $0x27ABFF;
	v2 =	vld.idx.msk @!p1 [tilespmem:v2+s2+$0x0], $0xffff  }
0xad: {  	v4 =	vlaneseq.u32 @p0  }
0xae: {  	v4 =	vmul.u32 @p0 $0x80, v4  }
0xaf: {  	s2 =	sadd.s32 @p0 $0xFFD85400, s10  }
0xb0: {  	s0 =	sshll.u32 s28, $0x3;
	v5 =	vadd.s32 @p0 s2, v4  }
0xb1: {  	s0 =	sand.u32 $0x1FFFFFF8, s0;
	v2 =	vpsel p1, v3, v2  }
0xb2: {  	s0 =	sadd.s32 s4, s0;
	[tilespmem:$0x11BB0] =	vst v2  }
0xb3: {  	[hbm4b:s0+s5] =	stream.linear.scatter [tilespmem:s15], [sflag:$0x2], $0x40, $0x38;
	[tilespmem:$0x13D00] =	vst v63  }
0xb4: {  	s0 =	simm.s32 @p0 $0x11D00  }
0xb5: {  	v3 =	vor.u32 @p0 $0x800, v4;
	v2 =	vld.idx.msk @p0 [tilespmem:v5+s0+$0x0], $0xffff  }
0xb6: {  	s23 =	smax.u32 s24, s26;
	s29 =	sshrl.u32 s10, $0x7;
	v3 =	vadd.s32 @p0 s2, v3  }
0xb7: {  	p4 =	slt.u32 s10, $0x27AC00;
	p3 =	sgt.u32 s29, s23  }
0xb8: {  	p1 =	por !p4, !p3  }
0xb9: {  	s25 =	simm.s32 $0x1;
	p1 =	por !p1, !p1  }
0xba: {  	s25 =	simm.s32 @!p1 $0x0;
	[tilespmem:$0x11BC0] =	vst @p0 v2  }
0xbb: {  	s22 =	sadd.s32 s25, s22;
	v2 =	vld.idx.msk @p0 [tilespmem:v3+s0+$0x0], $0xffff;
	v3 =	vor.u32 @p0 $0x1000, v4  }
0xbc: {  	s25 =	sshll.u32 @!p0 s22, $0x6;
	v3 =	vadd.s32 @p0 s2, v3  }
0xbd: {  	s25 =	sadd.s32 @!p0 $0x1C0, s25  }
0xbe: {  	v5 =	vlaneseq.u32 @!p0;
	s25 =	sand.u32 @!p0 $0x1C0, s25  }
0xbf: {  	v5 =	vmul.u32 @!p0 $0x80, v5;
	v6 =	vmov @!p0 s25  }
0xc0: {  	[tilespmem:$0x11BD0] =	vst @p0 v2;
	v2 =	vshll.u32 @!p0 v6, $0x7  }
0xc1: {  	s10 =	sand.u32 @!p0 $0x7F, s10;
	v3 =	vld.idx.msk @p0 [tilespmem:v3+s0+$0x0], $0xffff;
	v6 =	vor.u32 @!p0 v5, v2  }
0xc2: {  	v6 =	vor.u32 @!p0 s10, v6;
	_ =	sdelay $0x2  }
0xc3: {  	v4 =	vor.u32 @p0 $0x1800, v4  }
0xc4: {  	[tilespmem:$0x11BE0] =	vst @p0 v3;
	v3 =	vadd.s32 @p0 s2, v4;
	v4 =	vor.u32 @!p0 $0x800, v5;
	s2 =	simm.s32 @!p0 $0x1B00  }
0xc5: {  	v6 =	vld.idx.msk @!p0 [tilespmem:v6+s2+$0x0], $0xffff;
	v4 =	vor.u32 @!p0 v4, v2  }
0xc6: {  	(v2sf) =	vpush v63, $0x3;
	v4 =	vor.u32 @!p0 s10, v4  }
0xc7: {  	(v2sf) =	vpush v1, $0x4;
	_ =	sdelay $0x2  }
0xc8: {  	v7 =	vor.u32 @!p0 $0x1000, v5;
	v3 =	vld.idx.msk @p0 [tilespmem:v3+s0+$0x0], $0xffff;
	[tilespmem:$0x11BC0] =	vst @!p0 v6  }
0xc9: {  	v6 =	vor.u32 @!p0 v7, v2;
	v4 =	vld.idx.msk @!p0 [tilespmem:v4+s2+$0x0], $0xffff  }
0xca: {  	v6 =	vor.u32 @!p0 s10, v6;
	_ =	sdelay $0x3  }
0xcb: {  	v5 =	vor.u32 @!p0 $0x1800, v5;
	[tilespmem:$0x11BD0] =	vst @!p0 v4  }
0xcc: {  	v2 =	vor.u32 @!p0 v5, v2;
	v4 =	vld.idx.msk @!p0 [tilespmem:v6+s2+$0x0], $0xffff  }
0xcd: {  	v2 =	vor.u32 @!p0 s10, v2;
	_ =	sdelay $0x2  }
0xce: {  	s30 =	spop (v2sf)  }
0xcf: {  	s10 =	spop (v2sf);
	[tilespmem:$0x11BE0] =	vst @!p0 v4  }
0xd0: {  	p1 =	sgt.s32 s10, $0x27ABFF;
	v2 =	vld.idx.msk @!p0 [tilespmem:v2+s2+$0x0], $0xffff  }
0xd1: {  	v4 =	vlaneseq.u32 @p1  }
0xd2: {  	v4 =	vmul.u32 @p1 $0x80, v4  }
0xd3: {  	s2 =	sadd.s32 @p1 $0xFFD85400, s10  }
0xd4: {  	s0 =	sshll.u32 s30, $0x3;
	v5 =	vadd.s32 @p1 s2, v4  }
0xd5: {  	s0 =	sand.u32 $0x1FFFFFF8, s0;
	v2 =	vpsel p0, v3, v2  }
0xd6: {  	s0 =	sadd.s32 s4, s0;
	[tilespmem:$0x11BF0] =	vst v2  }
0xd7: {  	[hbm4b:s0+s5] =	stream.linear.scatter [tilespmem:s16], [sflag:$0x2], $0x40, $0x38;
	[tilespmem:$0x13D00] =	vst v63  }
0xd8: {  	s0 =	simm.s32 @p1 $0x11D00  }
0xd9: {  	v3 =	vor.u32 @p1 $0x800, v4;
	v2 =	vld.idx.msk @p1 [tilespmem:v5+s0+$0x0], $0xffff  }
0xda: {  	s23 =	smax.u32 s23, s29;
	s31 =	sshrl.u32 s10, $0x7;
	v3 =	vadd.s32 @p1 s2, v3  }
0xdb: {  	p6 =	slt.u32 s10, $0x27AC00;
	p5 =	sgt.u32 s31, s23  }
0xdc: {  	p0 =	por !p6, !p5  }
0xdd: {  	s25 =	simm.s32 $0x1;
	p0 =	por !p0, !p0  }
0xde: {  	s25 =	simm.s32 @!p0 $0x0;
	[tilespmem:$0x11C00] =	vst @p1 v2  }
0xdf: {  	s22 =	sadd.s32 s25, s22;
	v2 =	vld.idx.msk @p1 [tilespmem:v3+s0+$0x0], $0xffff;
	v3 =	vor.u32 @p1 $0x1000, v4  }
0xe0: {  	s25 =	sshll.u32 @!p1 s22, $0x6;
	v3 =	vadd.s32 @p1 s2, v3  }
0xe1: {  	s25 =	sadd.s32 @!p1 $0x1C0, s25  }
0xe2: {  	v5 =	vlaneseq.u32 @!p1;
	s25 =	sand.u32 @!p1 $0x1C0, s25  }
0xe3: {  	v5 =	vmul.u32 @!p1 $0x80, v5;
	v6 =	vmov @!p1 s25  }
0xe4: {  	[tilespmem:$0x11C10] =	vst @p1 v2;
	v2 =	vshll.u32 @!p1 v6, $0x7  }
0xe5: {  	s10 =	sand.u32 @!p1 $0x7F, s10;
	v3 =	vld.idx.msk @p1 [tilespmem:v3+s0+$0x0], $0xffff;
	v6 =	vor.u32 @!p1 v5, v2  }
0xe6: {  	v6 =	vor.u32 @!p1 s10, v6;
	_ =	sdelay $0x2  }
0xe7: {  	v4 =	vor.u32 @p1 $0x1800, v4  }
0xe8: {  	[tilespmem:$0x11C20] =	vst @p1 v3;
	v3 =	vadd.s32 @p1 s2, v4;
	v4 =	vor.u32 @!p1 $0x800, v5;
	s2 =	simm.s32 @!p1 $0x1B00  }
0xe9: {  	v6 =	vld.idx.msk @!p1 [tilespmem:v6+s2+$0x0], $0xffff;
	v4 =	vor.u32 @!p1 v4, v2  }
0xea: {  	(v2sf) =	vpush v63, $0x4;
	v4 =	vor.u32 @!p1 s10, v4  }
0xeb: {  	(v2sf) =	vpush v1, $0x5;
	_ =	sdelay $0x2  }
0xec: {  	v7 =	vor.u32 @!p1 $0x1000, v5;
	v3 =	vld.idx.msk @p1 [tilespmem:v3+s0+$0x0], $0xffff;
	[tilespmem:$0x11C00] =	vst @!p1 v6  }
0xed: {  	v6 =	vor.u32 @!p1 v7, v2;
	v4 =	vld.idx.msk @!p1 [tilespmem:v4+s2+$0x0], $0xffff  }
0xee: {  	v6 =	vor.u32 @!p1 s10, v6;
	_ =	sdelay $0x3  }
0xef: {  	v5 =	vor.u32 @!p1 $0x1800, v5;
	[tilespmem:$0x11C10] =	vst @!p1 v4  }
0xf0: {  	v2 =	vor.u32 @!p1 v5, v2;
	v4 =	vld.idx.msk @!p1 [tilespmem:v6+s2+$0x0], $0xffff  }
0xf1: {  	v2 =	vor.u32 @!p1 s10, v2;
	_ =	sdelay $0x2  }
0xf2: {  	s25 =	spop (v2sf)  }
0xf3: {  	s10 =	spop (v2sf);
	[tilespmem:$0x11C20] =	vst @!p1 v4  }
0xf4: {  	p0 =	sgt.s32 s10, $0x27ABFF;
	v2 =	vld.idx.msk @!p1 [tilespmem:v2+s2+$0x0], $0xffff  }
0xf5: {  	v4 =	vlaneseq.u32 @p0  }
0xf6: {  	v4 =	vmul.u32 @p0 $0x80, v4  }
0xf7: {  	s2 =	sadd.s32 @p0 $0xFFD85400, s10  }
0xf8: {  	s0 =	sshll.u32 s25, $0x3;
	v5 =	vadd.s32 @p0 s2, v4  }
0xf9: {  	s0 =	sand.u32 $0x1FFFFFF8, s0;
	v2 =	vpsel p1, v3, v2  }
0xfa: {  	s0 =	sadd.s32 s4, s0;
	[tilespmem:$0x11C30] =	vst v2  }
0xfb: {  	[hbm4b:s0+s5] =	stream.linear.scatter [tilespmem:s17], [sflag:$0x2], $0x40, $0x38;
	[tilespmem:$0x13D00] =	vst v63  }
0xfc: {  	s0 =	simm.s32 @p0 $0x11D00  }
0xfd: {  	v3 =	vor.u32 @p0 $0x800, v4;
	v2 =	vld.idx.msk @p0 [tilespmem:v5+s0+$0x0], $0xffff  }
0xfe: {  	s23 =	smax.u32 s23, s31;
	s26 =	sshrl.u32 s10, $0x7;
	v3 =	vadd.s32 @p0 s2, v3  }
0xff: {  	p4 =	slt.u32 s10, $0x27AC00;
	p3 =	sgt.u32 s26, s23  }
0x100: {  	p1 =	por !p4, !p3  }
0x101: {  	s25 =	simm.s32 $0x1;
	p1 =	por !p1, !p1  }
0x102: {  	s25 =	simm.s32 @!p1 $0x0;
	[tilespmem:$0x11C40] =	vst @p0 v2  }
0x103: {  	s22 =	sadd.s32 s25, s22;
	v2 =	vld.idx.msk @p0 [tilespmem:v3+s0+$0x0], $0xffff;
	v3 =	vor.u32 @p0 $0x1000, v4  }
0x104: {  	s25 =	sshll.u32 @!p0 s22, $0x6;
	v3 =	vadd.s32 @p0 s2, v3  }
0x105: {  	s25 =	sadd.s32 @!p0 $0x1C0, s25  }
0x106: {  	v5 =	vlaneseq.u32 @!p0;
	s25 =	sand.u32 @!p0 $0x1C0, s25  }
0x107: {  	v5 =	vmul.u32 @!p0 $0x80, v5;
	v6 =	vmov @!p0 s25  }
0x108: {  	[tilespmem:$0x11C50] =	vst @p0 v2;
	v2 =	vshll.u32 @!p0 v6, $0x7  }
0x109: {  	s10 =	sand.u32 @!p0 $0x7F, s10;
	v3 =	vld.idx.msk @p0 [tilespmem:v3+s0+$0x0], $0xffff;
	v6 =	vor.u32 @!p0 v5, v2  }
0x10a: {  	v6 =	vor.u32 @!p0 s10, v6;
	_ =	sdelay $0x2  }
0x10b: {  	v4 =	vor.u32 @p0 $0x1800, v4  }
0x10c: {  	[tilespmem:$0x11C60] =	vst @p0 v3;
	v3 =	vadd.s32 @p0 s2, v4;
	v4 =	vor.u32 @!p0 $0x800, v5;
	s2 =	simm.s32 @!p0 $0x1B00  }
0x10d: {  	v6 =	vld.idx.msk @!p0 [tilespmem:v6+s2+$0x0], $0xffff;
	v4 =	vor.u32 @!p0 v4, v2  }
0x10e: {  	(v2sf) =	vpush v63, $0x5;
	v4 =	vor.u32 @!p0 s10, v4  }
0x10f: {  	(v2sf) =	vpush v1, $0x6;
	_ =	sdelay $0x2  }
0x110: {  	v7 =	vor.u32 @!p0 $0x1000, v5;
	v3 =	vld.idx.msk @p0 [tilespmem:v3+s0+$0x0], $0xffff;
	[tilespmem:$0x11C40] =	vst @!p0 v6  }
0x111: {  	v6 =	vor.u32 @!p0 v7, v2;
	v4 =	vld.idx.msk @!p0 [tilespmem:v4+s2+$0x0], $0xffff  }
0x112: {  	v6 =	vor.u32 @!p0 s10, v6;
	_ =	sdelay $0x3  }
0x113: {  	v5 =	vor.u32 @!p0 $0x1800, v5;
	[tilespmem:$0x11C50] =	vst @!p0 v4  }
0x114: {  	v2 =	vor.u32 @!p0 v5, v2;
	v4 =	vld.idx.msk @!p0 [tilespmem:v6+s2+$0x0], $0xffff  }
0x115: {  	v2 =	vor.u32 @!p0 s10, v2;
	_ =	sdelay $0x2  }
0x116: {  	s28 =	spop (v2sf)  }
0x117: {  	s10 =	spop (v2sf);
	[tilespmem:$0x11C60] =	vst @!p0 v4  }
0x118: {  	p1 =	sgt.s32 s10, $0x27ABFF;
	v2 =	vld.idx.msk @!p0 [tilespmem:v2+s2+$0x0], $0xffff  }
0x119: {  	v4 =	vlaneseq.u32 @p1  }
0x11a: {  	v4 =	vmul.u32 @p1 $0x80, v4  }
0x11b: {  	s2 =	sadd.s32 @p1 $0xFFD85400, s10  }
0x11c: {  	s0 =	sshll.u32 s28, $0x3;
	v5 =	vadd.s32 @p1 s2, v4  }
0x11d: {  	s0 =	sand.u32 $0x1FFFFFF8, s0;
	v2 =	vpsel p0, v3, v2  }
0x11e: {  	s0 =	sadd.s32 s4, s0;
	[tilespmem:$0x11C70] =	vst v2  }
0x11f: {  	[hbm4b:s0+s5] =	stream.linear.scatter [tilespmem:s18], [sflag:$0x2], $0x40, $0x38;
	[tilespmem:$0x13D00] =	vst v63  }
0x120: {  	s0 =	simm.s32 @p1 $0x11D00  }
0x121: {  	v3 =	vor.u32 @p1 $0x800, v4;
	v2 =	vld.idx.msk @p1 [tilespmem:v5+s0+$0x0], $0xffff  }
0x122: {  	s23 =	smax.u32 s23, s26;
	s29 =	sshrl.u32 s10, $0x7;
	v3 =	vadd.s32 @p1 s2, v3  }
0x123: {  	p6 =	slt.u32 s10, $0x27AC00;
	p5 =	sgt.u32 s29, s23  }
0x124: {  	p0 =	por !p6, !p5  }
0x125: {  	s25 =	simm.s32 $0x1;
	p0 =	por !p0, !p0  }
0x126: {  	s25 =	simm.s32 @!p0 $0x0;
	[tilespmem:$0x11C80] =	vst @p1 v2  }
0x127: {  	s22 =	sadd.s32 s25, s22;
	v2 =	vld.idx.msk @p1 [tilespmem:v3+s0+$0x0], $0xffff;
	v3 =	vor.u32 @p1 $0x1000, v4  }
0x128: {  	s25 =	sshll.u32 @!p1 s22, $0x6;
	v3 =	vadd.s32 @p1 s2, v3  }
0x129: {  	s25 =	sadd.s32 @!p1 $0x1C0, s25  }
0x12a: {  	v5 =	vlaneseq.u32 @!p1;
	s25 =	sand.u32 @!p1 $0x1C0, s25  }
0x12b: {  	v5 =	vmul.u32 @!p1 $0x80, v5;
	v6 =	vmov @!p1 s25  }
0x12c: {  	[tilespmem:$0x11C90] =	vst @p1 v2;
	v2 =	vshll.u32 @!p1 v6, $0x7  }
0x12d: {  	s10 =	sand.u32 @!p1 $0x7F, s10;
	v3 =	vld.idx.msk @p1 [tilespmem:v3+s0+$0x0], $0xffff;
	v6 =	vor.u32 @!p1 v5, v2  }
0x12e: {  	v6 =	vor.u32 @!p1 s10, v6;
	_ =	sdelay $0x2  }
0x12f: {  	v4 =	vor.u32 @p1 $0x1800, v4  }
0x130: {  	[tilespmem:$0x11CA0] =	vst @p1 v3;
	v3 =	vadd.s32 @p1 s2, v4;
	v4 =	vor.u32 @!p1 $0x800, v5;
	s2 =	simm.s32 @!p1 $0x1B00  }
0x131: {  	v6 =	vld.idx.msk @!p1 [tilespmem:v6+s2+$0x0], $0xffff;
	v4 =	vor.u32 @!p1 v4, v2  }
0x132: {  	(v2sf) =	vpush v63, $0x6;
	v4 =	vor.u32 @!p1 s10, v4  }
0x133: {  	(v2sf) =	vpush v1, $0x7;
	_ =	sdelay $0x2  }
0x134: {  	v1 =	vld.idx.msk @p1 [tilespmem:v3+s0+$0x0], $0xffff;
	v3 =	vor.u32 @!p1 $0x1000, v5;
	[tilespmem:$0x11C80] =	vst @!p1 v6  }
0x135: {  	v3 =	vor.u32 @!p1 v3, v2;
	v4 =	vld.idx.msk @!p1 [tilespmem:v4+s2+$0x0], $0xffff  }
0x136: {  	v3 =	vor.u32 @!p1 s10, v3;
	_ =	sdelay $0x3  }
0x137: {  	v5 =	vor.u32 @!p1 $0x1800, v5;
	[tilespmem:$0x11C90] =	vst @!p1 v4  }
0x138: {  	v2 =	vor.u32 @!p1 v5, v2;
	v3 =	vld.idx.msk @!p1 [tilespmem:v3+s2+$0x0], $0xffff  }
0x139: {  	v2 =	vor.u32 @!p1 s10, v2;
	_ =	sdelay $0x2  }
0x13a: {  	s30 =	spop (v2sf)  }
0x13b: {  	s10 =	spop (v2sf);
	[tilespmem:$0x11CA0] =	vst @!p1 v3  }
0x13c: {  	p0 =	sgt.s32 s10, $0x27ABFF;
	v2 =	vld.idx.msk @!p1 [tilespmem:v2+s2+$0x0], $0xffff  }
0x13d: {  	v3 =	vlaneseq.u32 @p0  }
0x13e: {  	v3 =	vmul.u32 @p0 $0x80, v3  }
0x13f: {  	s2 =	sadd.s32 @p0 $0xFFD85400, s10  }
0x140: {  	s0 =	sshll.u32 s30, $0x3;
	v4 =	vadd.s32 @p0 s2, v3  }
0x141: {  	s0 =	sand.u32 $0x1FFFFFF8, s0;
	v1 =	vpsel p1, v1, v2  }
0x142: {  	s0 =	sadd.s32 s4, s0;
	[tilespmem:$0x11CB0] =	vst v1  }
0x143: {  	[hbm4b:s0+s5] =	stream.linear.scatter [tilespmem:s19], [sflag:$0x2], $0x40, $0x38;
	[tilespmem:$0x13D00] =	vst v63  }
0x144: {  	s0 =	simm.s32 @p0 $0x11D00  }
0x145: {  	s23 =	smax.u32 s23, s29;
	s24 =	sshrl.u32 @!p0 s10, $0x7;
	v2 =	vor.u32 @p0 $0x800, v3;
	v1 =	vld.idx.msk @p0 [tilespmem:v4+s0+$0x0], $0xffff  }
0x146: {  	p2 =	slt.u32 @!p0 s10, $0x27AC00;
	p1 =	sgt.u32 @!p0 s24, s23;
	v2 =	vadd.s32 @p0 s2, v2  }
0x147: {  	p1 =	por @!p0 !p2, !p1  }
0x148: {  	p1 =	por @!p0 !p1, !p1  }
0x149: {  	s23 =	simm.s32 @!p0 $0x1;
	p1 =	por !p1, p0  }
0x14a: {  	s23 =	simm.s32 @p1 $0x0;
	[tilespmem:$0x11CC0] =	vst @p0 v1  }
0x14b: {  	s22 =	sadd.s32 @!p0 s23, s22;
	v1 =	vld.idx.msk @p0 [tilespmem:v2+s0+$0x0], $0xffff;
	v2 =	vor.u32 @p0 $0x1000, v3  }
0x14c: {  	s22 =	sshll.u32 @!p0 s22, $0x6;
	v2 =	vadd.s32 @p0 s2, v2  }
0x14d: {  	s22 =	sadd.s32 @!p0 $0x1C0, s22  }
0x14e: {  	v4 =	vlaneseq.u32 @!p0;
	s22 =	sand.u32 @!p0 $0x1C0, s22  }
0x14f: {  	v4 =	vmul.u32 @!p0 $0x80, v4;
	v5 =	vmov @!p0 s22  }
0x150: {  	[tilespmem:$0x11CD0] =	vst @p0 v1;
	v1 =	vshll.u32 @!p0 v5, $0x7  }
0x151: {  	s10 =	sand.u32 @!p0 $0x7F, s10;
	v2 =	vld.idx.msk @p0 [tilespmem:v2+s0+$0x0], $0xffff;
	v5 =	vor.u32 @!p0 v4, v1  }
0x152: {  	v5 =	vor.u32 @!p0 s10, v5;
	_ =	sdelay $0x2  }
0x153: {  	v3 =	vor.u32 @p0 $0x1800, v3  }
0x154: {  	[tilespmem:$0x11CE0] =	vst @p0 v2;
	v2 =	vadd.s32 @p0 s2, v3;
	v3 =	vor.u32 @!p0 $0x800, v4;
	s2 =	simm.s32 @!p0 $0x1B00  }
0x155: {  	v5 =	vld.idx.msk @!p0 [tilespmem:v5+s2+$0x0], $0xffff;
	v3 =	vor.u32 @!p0 v3, v1  }
0x156: {  	v3 =	vor.u32 @!p0 s10, v3;
	_ =	sdelay $0x3  }
0x157: {  	v6 =	vor.u32 @!p0 $0x1000, v4;
	v2 =	vld.idx.msk @p0 [tilespmem:v2+s0+$0x0], $0xffff;
	[tilespmem:$0x11CC0] =	vst @!p0 v5  }
0x158: {  	(v2sf) =	vpush v63, $0x7;
	v0 =	vld.idx.msk @!p0 [tilespmem:v3+s2+$0x0], $0xffff;
	v3 =	vor.u32 @!p0 v6, v1  }
0x159: {  	v3 =	vor.u32 @!p0 s10, v3;
	_ =	sdelay $0x3  }
0x15a: {  	v4 =	vor.u32 @!p0 $0x1800, v4;
	[tilespmem:$0x11CD0] =	vst @!p0 v0  }
0x15b: {  	v1 =	vor.u32 @!p0 v4, v1;
	v0 =	vld.idx.msk @!p0 [tilespmem:v3+s2+$0x0], $0xffff  }
0x15c: {  	v1 =	vor.u32 @!p0 s10, v1;
	_ =	sdelay $0x3  }
0x15d: {  	[tilespmem:$0x11CE0] =	vst @!p0 v0  }
0x15e: {  	v0 =	vld.idx.msk @!p0 [tilespmem:v1+s2+$0x0], $0xffff;
	_ =	sdelay $0x2  }
0x15f: {  	s31 =	spop (v2sf)  }
0x160: {  	s0 =	sshll.u32 s31, $0x3  }
0x161: {  	s0 =	sand.u32 $0x1FFFFFF8, s0;
	v0 =	vpsel p0, v2, v0  }
0x162: {  	s0 =	sadd.s32 s4, s0;
	[tilespmem:$0x11CF0] =	vst v0  }
0x163: {  	[hbm4b:s0+s5] =	stream.linear.scatter [tilespmem:s20], [sflag:$0x2], $0x40, $0x38;
	[tilespmem:$0x13D00] =	vst v63  }
0x164: {  	_ =	swait.ge [sflag:s12], $0x40  }
0x165: {  	[sflag:s12] =	ssyncset.done $0x0  }
0x166: {  	[sflag:s12] =	ssyncadd.s32 $0xFFFFFFC0  }
0x167: {  	_ =	swait.ge [sflag:s12], $0x40  }
0x168: {  	[sflag:s12] =	ssyncset.done $0x0  }
0x169: {  	[sflag:s12] =	ssyncadd.s32 $0xFFFFFFC0  }
0x16a: {  	_ =	swait.ge [sflag:s12], $0x40  }
0x16b: {  	[sflag:s12] =	ssyncset.done $0x0  }
0x16c: {  	[sflag:s12] =	ssyncadd.s32 $0xFFFFFFC0  }
0x16d: {  	_ =	swait.ge [sflag:s12], $0x40  }
0x16e: {  	[sflag:s12] =	ssyncset.done $0x0  }
0x16f: {  	[sflag:s12] =	ssyncadd.s32 $0xFFFFFFC0  }
0x170: {  	_ =	swait.ge [sflag:s12], $0x40  }
0x171: {  	[sflag:s12] =	ssyncset.done $0x0  }
0x172: {  	[sflag:s12] =	ssyncadd.s32 $0xFFFFFFC0  }
0x173: {  	_ =	swait.ge [sflag:s12], $0x40  }
0x174: {  	[sflag:s12] =	ssyncset.done $0x0  }
0x175: {  	s21 =	sadd.s32 $0x1, s21;
	[sflag:s12] =	ssyncadd.s32 $0xFFFFFFC0  }
0x176: {  	p0 =	sne.s32 s21, s8;
	_ =	swait.ge [sflag:s12], $0x40  }
.Ltmp1:
0x177: {  	[sflag:s12] =	ssyncset.done $0x0;
	(pc) =	sbr.rel @!p0 .LBB2_8-.Ltmp1, $4  }
0x178: {  	[sflag:s12] =	ssyncadd.s32 $0xFFFFFFC0  }
0x179: {  	_ =	swait.ge [sflag:s12], $0x40  }
0x17a: {  	[sflag:s12] =	ssyncset.done $0x0  }
0x17b: {  	[sflag:s12] =	ssyncadd.s32 $0xFFFFFFC0  }
.LBB2_1:
0x17c: {  	[tilespmem:s5], [sflag:$0x3] =	stream.linear.gather [hbm4b:s6+s5], $0xD00, $0x38;
	[tilespmem:$0x13D00] =	vst v63  }
0x17d: {  	_ =	swait.ge [sflag:s9], $0xD00  }
0x17e: {  	[sflag:s9] =	ssyncset.done $0x0  }
0x17f: {  	s0 =	simm.s32 $0xD80;
	[sflag:s9] =	ssyncadd.s32 $0xFFFFF300  }
0x180: {  	[tilespmem:s0], [sflag:$0x3] =	stream.linear.gather [hbm4b:s7+s5], $0xD00, $0x38;
	[tilespmem:$0x13D00] =	vst v63  }
0x181: {  	_ =	swait.ge [sflag:s9], $0xD00  }
0x182: {  	[sflag:s9] =	ssyncset.done $0x0  }
.Ltmp2:
0x183: {  	s28 =	simm.s32 $0xFFFFFFFF;
	[sflag:s9] =	ssyncadd.s32 $0xFFFFF300;
	(pc) =	sbr.rel .LBB2_2-.Ltmp2, $4  }
0x184: {  	[tilespmem:s11], [sflag:$0x3] =	stream.linear.gather [hbm4b:s1+s5], $0x2000, $0x38;
	[tilespmem:$0x13D00] =	vst v63  }
0x185: {  	s24 =	simm.s32 $0xD78;
	s25 =	simm.s32 $0x0;
	_ =	swait.ge [sflag:s9], $0x2000  }
0x186: {  	s30 =	simm.s32 $0x0;
	s31 =	simm.s32 $0x0;
	[sflag:s9] =	ssyncset.done $0x0  }
0x187: {  	s29 =	simm.s32 $0xFFFFFFFF;
	s26 =	simm.s32 $0x0;
	[sflag:s9] =	ssyncadd.s32 $0xFFFFE000  }
.LBB2_3:
0x188: {  	_ =	swait.ge [sflag:s12], $0x40  }
0x189: {  	[sflag:s12] =	ssyncset.done $0x0  }
0x18a: {  	[sflag:s12] =	ssyncadd.s32 $0xFFFFFFC0  }
0x18b: {  	_ =	swait.ge [sflag:s12], $0x40  }
0x18c: {  	[sflag:s12] =	ssyncset.done $0x0  }
0x18d: {  	[sflag:s12] =	ssyncadd.s32 $0xFFFFFFC0  }
0x18e: {  	_ =	swait.ge [sflag:s12], $0x40  }
0x18f: {  	[sflag:s12] =	ssyncset.done $0x0  }
0x190: {  	[sflag:s12] =	ssyncadd.s32 $0xFFFFFFC0  }
0x191: {  	_ =	swait.ge [sflag:s12], $0x40  }
0x192: {  	[sflag:s12] =	ssyncset.done $0x0  }
0x193: {  	[sflag:s12] =	ssyncadd.s32 $0xFFFFFFC0  }
0x194: {  	_ =	swait.ge [sflag:s12], $0x40  }
0x195: {  	[sflag:s12] =	ssyncset.done $0x0  }
0x196: {  	[sflag:s12] =	ssyncadd.s32 $0xFFFFFFC0  }
0x197: {  	_ =	swait.ge [sflag:s12], $0x40  }
0x198: {  	[sflag:s12] =	ssyncset.done $0x0  }
0x199: {  	[sflag:s12] =	ssyncadd.s32 $0xFFFFFFC0  }
0x19a: {  	_ =	swait.ge [sflag:s12], $0x40  }
0x19b: {  	[sflag:s12] =	ssyncset.done $0x0  }
0x19c: {  	[sflag:s12] =	ssyncadd.s32 $0xFFFFFFC0  }
0x19d: {  	_ =	swait.ge [sflag:s12], $0x40  }
0x19e: {  	[sflag:s12] =	ssyncset.done $0x0  }
0x19f: {  	[sflag:s12] =	ssyncadd.s32 $0xFFFFFFC0  }
.LBB2_5:
0x1a0: {  	v1 =	vld [tilespmem:s25+$0xFFFFFFF8];
	_ =	sdelay $0x4  }
0x1a1: {  	(v2sf) =	vpush v1, $0x0;
	_ =	sdelay $0xe  }
0x1a2: {  	s31 =	spop (v2sf)  }
0x1a3: {  	p1 =	sgt.s32 s31, $0x27ABFF  }
0x1a4: {  	v0 =	vlaneseq.u32 @p1  }
0x1a5: {  	v2 =	vmul.u32 @p1 $0x80, v0  }
0x1a6: {  	s2 =	sadd.s32 @p1 $0xFFD85400, s31  }
0x1a7: {  	v0 =	vadd.s32 @p1 s2, v2;
	_ =	sdelay $0x3  }
0x1a8: {  	s0 =	simm.s32 @p1 $0x11D00  }
0x1a9: {  	v3 =	vld.idx.msk @p1 [tilespmem:v0+s0+$0x0], $0xffff;
	v0 =	vor.u32 @p1 $0x800, v2  }
0x1aa: {  	s29 =	sshrl.u32 s31, $0x7;
	v4 =	vadd.s32 @p1 s2, v0  }
0x1ab: {  	p2 =	slt.u32 s31, $0x27AC00;
	p0 =	sgt.s32 s29, s28  }
0x1ac: {  	p0 =	por !p2, !p0  }
0x1ad: {  	s10 =	simm.s32 $0x1;
	p0 =	por !p0, !p0  }
0x1ae: {  	v63 =	vld [tilespmem:s24+$0x0];
	s10 =	simm.s32 @!p0 $0x0;
	[tilespmem:$0x11B00] =	vst @p1 v3  }
0x1af: {  	s30 =	sadd.s32 s10, s30;
	v3 =	vld.idx.msk @p1 [tilespmem:v4+s0+$0x0], $0xffff;
	v4 =	vor.u32 @p1 $0x1000, v2  }
0x1b0: {  	s10 =	sshll.u32 @!p1 s30, $0x6;
	v4 =	vadd.s32 @p1 s2, v4  }
0x1b1: {  	s10 =	sadd.s32 @!p1 $0x1C0, s10  }
0x1b2: {  	v5 =	vlaneseq.u32 @!p1;
	s10 =	sand.u32 @!p1 $0x1C0, s10  }
0x1b3: {  	v5 =	vmul.u32 @!p1 $0x80, v5;
	v6 =	vmov @!p1 s10  }
0x1b4: {  	[tilespmem:$0x11B10] =	vst @p1 v3;
	v3 =	vshll.u32 @!p1 v6, $0x7  }
0x1b5: {  	s10 =	sand.u32 @!p1 $0x7F, s31;
	v4 =	vld.idx.msk @p1 [tilespmem:v4+s0+$0x0], $0xffff;
	v6 =	vor.u32 @!p1 v5, v3  }
0x1b6: {  	v6 =	vor.u32 @!p1 s10, v6;
	_ =	sdelay $0x2  }
0x1b7: {  	v2 =	vor.u32 @p1 $0x1800, v2  }
0x1b8: {  	v2 =	vadd.s32 @p1 s2, v2;
	s2 =	simm.s32 @!p1 $0x1B00;
	[tilespmem:$0x11B20] =	vst @p1 v4;
	v4 =	vor.u32 @!p1 $0x800, v5  }
0x1b9: {  	v6 =	vld.idx.msk @!p1 [tilespmem:v6+s2+$0x0], $0xffff;
	v4 =	vor.u32 @!p1 v4, v3  }
0x1ba: {  	(v2sf) =	vpush v63, $0x0;
	v4 =	vor.u32 @!p1 s10, v4  }
0x1bb: {  	(v2sf) =	vpush v1, $0x1;
	_ =	sdelay $0x2  }
0x1bc: {  	v7 =	vor.u32 @!p1 $0x1000, v5;
	v2 =	vld.idx.msk @p1 [tilespmem:v2+s0+$0x0], $0xffff;
	[tilespmem:$0x11B00] =	vst @!p1 v6  }
0x1bd: {  	v6 =	vor.u32 @!p1 v7, v3;
	v4 =	vld.idx.msk @!p1 [tilespmem:v4+s2+$0x0], $0xffff  }
0x1be: {  	v6 =	vor.u32 @!p1 s10, v6;
	_ =	sdelay $0x3  }
0x1bf: {  	v5 =	vor.u32 @!p1 $0x1800, v5;
	[tilespmem:$0x11B10] =	vst @!p1 v4  }
0x1c0: {  	v3 =	vor.u32 @!p1 v5, v3;
	v4 =	vld.idx.msk @!p1 [tilespmem:v6+s2+$0x0], $0xffff  }
0x1c1: {  	v3 =	vor.u32 @!p1 s10, v3;
	_ =	sdelay $0x2  }
0x1c2: {  	s31 =	spop (v2sf)  }
0x1c3: {  	s10 =	spop (v2sf);
	[tilespmem:$0x11B20] =	vst @!p1 v4  }
0x1c4: {  	p0 =	sgt.s32 s10, $0x27ABFF;
	v3 =	vld.idx.msk @!p1 [tilespmem:v3+s2+$0x0], $0xffff  }
0x1c5: {  	v4 =	vlaneseq.u32 @p0  }
0x1c6: {  	v4 =	vmul.u32 @p0 $0x80, v4  }
0x1c7: {  	s2 =	sadd.s32 @p0 $0xFFD85400, s10  }
0x1c8: {  	s0 =	sshll.u32 s31, $0x3;
	v5 =	vadd.s32 @p0 s2, v4  }
0x1c9: {  	s0 =	sand.u32 $0x1FFFFFF8, s0;
	v2 =	vpsel p1, v2, v3  }
0x1ca: {  	s0 =	sadd.s32 s4, s0;
	[tilespmem:$0x11B30] =	vst v2  }
0x1cb: {  	[hbm4b:s0+s5] =	stream.linear.scatter [tilespmem:s13], [sflag:$0x2], $0x40, $0x38;
	[tilespmem:$0x13D00] =	vst v63  }
0x1cc: {  	s0 =	simm.s32 @p0 $0x11D00  }
0x1cd: {  	p1 =	sgt.s32 s28, s29;
	v3 =	vor.u32 @p0 $0x800, v4;
	v2 =	vld.idx.msk @p0 [tilespmem:v5+s0+$0x0], $0xffff  }
0x1ce: {  	s31 =	sshrl.u32 s10, $0x7;
	s29 =	smov.u32 @p1 s28;
	v3 =	vadd.s32 @p0 s2, v3  }
0x1cf: {  	p4 =	slt.u32 s10, $0x27AC00;
	p1 =	sgt.u32 s31, s29  }
0x1d0: {  	p1 =	por !p4, !p1  }
0x1d1: {  	s28 =	simm.s32 $0x1;
	p1 =	por !p1, !p1  }
0x1d2: {  	s28 =	simm.s32 @!p1 $0x0;
	[tilespmem:$0x11B40] =	vst @p0 v2  }
0x1d3: {  	s28 =	sadd.s32 s28, s30;
	v2 =	vld.idx.msk @p0 [tilespmem:v3+s0+$0x0], $0xffff;
	v3 =	vor.u32 @p0 $0x1000, v4  }
0x1d4: {  	s30 =	sshll.u32 @!p0 s28, $0x6;
	v3 =	vadd.s32 @p0 s2, v3  }
0x1d5: {  	s30 =	sadd.s32 @!p0 $0x1C0, s30  }
0x1d6: {  	v5 =	vlaneseq.u32 @!p0;
	s30 =	sand.u32 @!p0 $0x1C0, s30  }
0x1d7: {  	v5 =	vmul.u32 @!p0 $0x80, v5;
	v6 =	vmov @!p0 s30  }
0x1d8: {  	[tilespmem:$0x11B50] =	vst @p0 v2;
	v2 =	vshll.u32 @!p0 v6, $0x7  }
0x1d9: {  	s10 =	sand.u32 @!p0 $0x7F, s10;
	v3 =	vld.idx.msk @p0 [tilespmem:v3+s0+$0x0], $0xffff;
	v6 =	vor.u32 @!p0 v5, v2  }
0x1da: {  	v6 =	vor.u32 @!p0 s10, v6;
	_ =	sdelay $0x2  }
0x1db: {  	v4 =	vor.u32 @p0 $0x1800, v4  }
0x1dc: {  	[tilespmem:$0x11B60] =	vst @p0 v3;
	v3 =	vadd.s32 @p0 s2, v4;
	v4 =	vor.u32 @!p0 $0x800, v5;
	s2 =	simm.s32 @!p0 $0x1B00  }
0x1dd: {  	v6 =	vld.idx.msk @!p0 [tilespmem:v6+s2+$0x0], $0xffff;
	v4 =	vor.u32 @!p0 v4, v2  }
0x1de: {  	(v2sf) =	vpush v63, $0x1;
	v4 =	vor.u32 @!p0 s10, v4  }
0x1df: {  	(v2sf) =	vpush v1, $0x2;
	_ =	sdelay $0x2  }
0x1e0: {  	v7 =	vor.u32 @!p0 $0x1000, v5;
	v3 =	vld.idx.msk @p0 [tilespmem:v3+s0+$0x0], $0xffff;
	[tilespmem:$0x11B40] =	vst @!p0 v6  }
0x1e1: {  	v6 =	vor.u32 @!p0 v7, v2;
	v4 =	vld.idx.msk @!p0 [tilespmem:v4+s2+$0x0], $0xffff  }
0x1e2: {  	v6 =	vor.u32 @!p0 s10, v6;
	_ =	sdelay $0x3  }
0x1e3: {  	v5 =	vor.u32 @!p0 $0x1800, v5;
	[tilespmem:$0x11B50] =	vst @!p0 v4  }
0x1e4: {  	v2 =	vor.u32 @!p0 v5, v2;
	v4 =	vld.idx.msk @!p0 [tilespmem:v6+s2+$0x0], $0xffff  }
0x1e5: {  	v2 =	vor.u32 @!p0 s10, v2;
	_ =	sdelay $0x2  }
0x1e6: {  	s30 =	spop (v2sf)  }
0x1e7: {  	s10 =	spop (v2sf);
	[tilespmem:$0x11B60] =	vst @!p0 v4  }
0x1e8: {  	p1 =	sgt.s32 s10, $0x27ABFF;
	v2 =	vld.idx.msk @!p0 [tilespmem:v2+s2+$0x0], $0xffff  }
0x1e9: {  	v4 =	vlaneseq.u32 @p1  }
0x1ea: {  	v4 =	vmul.u32 @p1 $0x80, v4  }
0x1eb: {  	s2 =	sadd.s32 @p1 $0xFFD85400, s10  }
0x1ec: {  	s0 =	sshll.u32 s30, $0x3;
	v5 =	vadd.s32 @p1 s2, v4  }
0x1ed: {  	s0 =	sand.u32 $0x1FFFFFF8, s0;
	v2 =	vpsel p0, v3, v2  }
0x1ee: {  	s0 =	sadd.s32 s4, s0;
	[tilespmem:$0x11B70] =	vst v2  }
0x1ef: {  	[hbm4b:s0+s5] =	stream.linear.scatter [tilespmem:s14], [sflag:$0x2], $0x40, $0x38;
	[tilespmem:$0x13D00] =	vst v63  }
0x1f0: {  	s0 =	simm.s32 @p1 $0x11D00  }
0x1f1: {  	v3 =	vor.u32 @p1 $0x800, v4;
	v2 =	vld.idx.msk @p1 [tilespmem:v5+s0+$0x0], $0xffff  }
0x1f2: {  	s29 =	smax.u32 s29, s31;
	s30 =	sshrl.u32 s10, $0x7;
	v3 =	vadd.s32 @p1 s2, v3  }
0x1f3: {  	p6 =	slt.u32 s10, $0x27AC00;
	p5 =	sgt.u32 s30, s29  }
0x1f4: {  	p0 =	por !p6, !p5  }
0x1f5: {  	s31 =	simm.s32 $0x1;
	p0 =	por !p0, !p0  }
0x1f6: {  	s31 =	simm.s32 @!p0 $0x0;
	[tilespmem:$0x11B80] =	vst @p1 v2  }
0x1f7: {  	s28 =	sadd.s32 s31, s28;
	v2 =	vld.idx.msk @p1 [tilespmem:v3+s0+$0x0], $0xffff;
	v3 =	vor.u32 @p1 $0x1000, v4  }
0x1f8: {  	s31 =	sshll.u32 @!p1 s28, $0x6;
	v3 =	vadd.s32 @p1 s2, v3  }
0x1f9: {  	s31 =	sadd.s32 @!p1 $0x1C0, s31  }
0x1fa: {  	v5 =	vlaneseq.u32 @!p1;
	s31 =	sand.u32 @!p1 $0x1C0, s31  }
0x1fb: {  	v5 =	vmul.u32 @!p1 $0x80, v5;
	v6 =	vmov @!p1 s31  }
0x1fc: {  	[tilespmem:$0x11B90] =	vst @p1 v2;
	v2 =	vshll.u32 @!p1 v6, $0x7  }
0x1fd: {  	s10 =	sand.u32 @!p1 $0x7F, s10;
	v3 =	vld.idx.msk @p1 [tilespmem:v3+s0+$0x0], $0xffff;
	v6 =	vor.u32 @!p1 v5, v2  }
0x1fe: {  	v6 =	vor.u32 @!p1 s10, v6;
	_ =	sdelay $0x2  }
0x1ff: {  	v4 =	vor.u32 @p1 $0x1800, v4  }
0x200: {  	[tilespmem:$0x11BA0] =	vst @p1 v3;
	v3 =	vadd.s32 @p1 s2, v4;
	v4 =	vor.u32 @!p1 $0x800, v5;
	s2 =	simm.s32 @!p1 $0x1B00  }
0x201: {  	v6 =	vld.idx.msk @!p1 [tilespmem:v6+s2+$0x0], $0xffff;
	v4 =	vor.u32 @!p1 v4, v2  }
0x202: {  	(v2sf) =	vpush v63, $0x2;
	v4 =	vor.u32 @!p1 s10, v4  }
0x203: {  	(v2sf) =	vpush v1, $0x3;
	_ =	sdelay $0x2  }
0x204: {  	v7 =	vor.u32 @!p1 $0x1000, v5;
	v3 =	vld.idx.msk @p1 [tilespmem:v3+s0+$0x0], $0xffff;
	[tilespmem:$0x11B80] =	vst @!p1 v6  }
0x205: {  	v6 =	vor.u32 @!p1 v7, v2;
	v4 =	vld.idx.msk @!p1 [tilespmem:v4+s2+$0x0], $0xffff  }
0x206: {  	v6 =	vor.u32 @!p1 s10, v6;
	_ =	sdelay $0x3  }
0x207: {  	v5 =	vor.u32 @!p1 $0x1800, v5;
	[tilespmem:$0x11B90] =	vst @!p1 v4  }
0x208: {  	v2 =	vor.u32 @!p1 v5, v2;
	v4 =	vld.idx.msk @!p1 [tilespmem:v6+s2+$0x0], $0xffff  }
0x209: {  	v2 =	vor.u32 @!p1 s10, v2;
	_ =	sdelay $0x2  }
0x20a: {  	s31 =	spop (v2sf)  }
0x20b: {  	s10 =	spop (v2sf);
	[tilespmem:$0x11BA0] =	vst @!p1 v4  }
0x20c: {  	p0 =	sgt.s32 s10, $0x27ABFF;
	v2 =	vld.idx.msk @!p1 [tilespmem:v2+s2+$0x0], $0xffff  }
0x20d: {  	v4 =	vlaneseq.u32 @p0  }
0x20e: {  	v4 =	vmul.u32 @p0 $0x80, v4  }
0x20f: {  	s2 =	sadd.s32 @p0 $0xFFD85400, s10  }
0x210: {  	s0 =	sshll.u32 s31, $0x3;
	v5 =	vadd.s32 @p0 s2, v4  }
0x211: {  	s0 =	sand.u32 $0x1FFFFFF8, s0;
	v2 =	vpsel p1, v3, v2  }
0x212: {  	s0 =	sadd.s32 s4, s0;
	[tilespmem:$0x11BB0] =	vst v2  }
0x213: {  	[hbm4b:s0+s5] =	stream.linear.scatter [tilespmem:s15], [sflag:$0x2], $0x40, $0x38;
	[tilespmem:$0x13D00] =	vst v63  }
0x214: {  	s0 =	simm.s32 @p0 $0x11D00  }
0x215: {  	v3 =	vor.u32 @p0 $0x800, v4;
	v2 =	vld.idx.msk @p0 [tilespmem:v5+s0+$0x0], $0xffff  }
0x216: {  	s29 =	smax.u32 s29, s30;
	s30 =	sshrl.u32 s10, $0x7;
	v3 =	vadd.s32 @p0 s2, v3  }
0x217: {  	p4 =	slt.u32 s10, $0x27AC00;
	p3 =	sgt.u32 s30, s29  }
0x218: {  	p1 =	por !p4, !p3  }
0x219: {  	s31 =	simm.s32 $0x1;
	p1 =	por !p1, !p1  }
0x21a: {  	s31 =	simm.s32 @!p1 $0x0;
	[tilespmem:$0x11BC0] =	vst @p0 v2  }
0x21b: {  	s28 =	sadd.s32 s31, s28;
	v2 =	vld.idx.msk @p0 [tilespmem:v3+s0+$0x0], $0xffff;
	v3 =	vor.u32 @p0 $0x1000, v4  }
0x21c: {  	s31 =	sshll.u32 @!p0 s28, $0x6;
	v3 =	vadd.s32 @p0 s2, v3  }
0x21d: {  	s31 =	sadd.s32 @!p0 $0x1C0, s31  }
0x21e: {  	v5 =	vlaneseq.u32 @!p0;
	s31 =	sand.u32 @!p0 $0x1C0, s31  }
0x21f: {  	v5 =	vmul.u32 @!p0 $0x80, v5;
	v6 =	vmov @!p0 s31  }
0x220: {  	[tilespmem:$0x11BD0] =	vst @p0 v2;
	v2 =	vshll.u32 @!p0 v6, $0x7  }
0x221: {  	s10 =	sand.u32 @!p0 $0x7F, s10;
	v3 =	vld.idx.msk @p0 [tilespmem:v3+s0+$0x0], $0xffff;
	v6 =	vor.u32 @!p0 v5, v2  }
0x222: {  	v6 =	vor.u32 @!p0 s10, v6;
	_ =	sdelay $0x2  }
0x223: {  	v4 =	vor.u32 @p0 $0x1800, v4  }
0x224: {  	[tilespmem:$0x11BE0] =	vst @p0 v3;
	v3 =	vadd.s32 @p0 s2, v4;
	v4 =	vor.u32 @!p0 $0x800, v5;
	s2 =	simm.s32 @!p0 $0x1B00  }
0x225: {  	v6 =	vld.idx.msk @!p0 [tilespmem:v6+s2+$0x0], $0xffff;
	v4 =	vor.u32 @!p0 v4, v2  }
0x226: {  	(v2sf) =	vpush v63, $0x3;
	v4 =	vor.u32 @!p0 s10, v4  }
0x227: {  	(v2sf) =	vpush v1, $0x4;
	_ =	sdelay $0x2  }
0x228: {  	v7 =	vor.u32 @!p0 $0x1000, v5;
	v3 =	vld.idx.msk @p0 [tilespmem:v3+s0+$0x0], $0xffff;
	[tilespmem:$0x11BC0] =	vst @!p0 v6  }
0x229: {  	v6 =	vor.u32 @!p0 v7, v2;
	v4 =	vld.idx.msk @!p0 [tilespmem:v4+s2+$0x0], $0xffff  }
0x22a: {  	v6 =	vor.u32 @!p0 s10, v6;
	_ =	sdelay $0x3  }
0x22b: {  	v5 =	vor.u32 @!p0 $0x1800, v5;
	[tilespmem:$0x11BD0] =	vst @!p0 v4  }
0x22c: {  	v2 =	vor.u32 @!p0 v5, v2;
	v4 =	vld.idx.msk @!p0 [tilespmem:v6+s2+$0x0], $0xffff  }
0x22d: {  	v2 =	vor.u32 @!p0 s10, v2;
	_ =	sdelay $0x2  }
0x22e: {  	s31 =	spop (v2sf)  }
0x22f: {  	s10 =	spop (v2sf);
	[tilespmem:$0x11BE0] =	vst @!p0 v4  }
0x230: {  	p1 =	sgt.s32 s10, $0x27ABFF;
	v2 =	vld.idx.msk @!p0 [tilespmem:v2+s2+$0x0], $0xffff  }
0x231: {  	v4 =	vlaneseq.u32 @p1  }
0x232: {  	v4 =	vmul.u32 @p1 $0x80, v4  }
0x233: {  	s2 =	sadd.s32 @p1 $0xFFD85400, s10  }
0x234: {  	s0 =	sshll.u32 s31, $0x3;
	v5 =	vadd.s32 @p1 s2, v4  }
0x235: {  	s0 =	sand.u32 $0x1FFFFFF8, s0;
	v2 =	vpsel p0, v3, v2  }
0x236: {  	s0 =	sadd.s32 s4, s0;
	[tilespmem:$0x11BF0] =	vst v2  }
0x237: {  	[hbm4b:s0+s5] =	stream.linear.scatter [tilespmem:s16], [sflag:$0x2], $0x40, $0x38;
	[tilespmem:$0x13D00] =	vst v63  }
0x238: {  	s0 =	simm.s32 @p1 $0x11D00  }
0x239: {  	v3 =	vor.u32 @p1 $0x800, v4;
	v2 =	vld.idx.msk @p1 [tilespmem:v5+s0+$0x0], $0xffff  }
0x23a: {  	s29 =	smax.u32 s29, s30;
	s30 =	sshrl.u32 s10, $0x7;
	v3 =	vadd.s32 @p1 s2, v3  }
0x23b: {  	p6 =	slt.u32 s10, $0x27AC00;
	p5 =	sgt.u32 s30, s29  }
0x23c: {  	p0 =	por !p6, !p5  }
0x23d: {  	s31 =	simm.s32 $0x1;
	p0 =	por !p0, !p0  }
0x23e: {  	s31 =	simm.s32 @!p0 $0x0;
	[tilespmem:$0x11C00] =	vst @p1 v2  }
0x23f: {  	s28 =	sadd.s32 s31, s28;
	v2 =	vld.idx.msk @p1 [tilespmem:v3+s0+$0x0], $0xffff;
	v3 =	vor.u32 @p1 $0x1000, v4  }
0x240: {  	s31 =	sshll.u32 @!p1 s28, $0x6;
	v3 =	vadd.s32 @p1 s2, v3  }
0x241: {  	s31 =	sadd.s32 @!p1 $0x1C0, s31  }
0x242: {  	v5 =	vlaneseq.u32 @!p1;
	s31 =	sand.u32 @!p1 $0x1C0, s31  }
0x243: {  	v5 =	vmul.u32 @!p1 $0x80, v5;
	v6 =	vmov @!p1 s31  }
0x244: {  	[tilespmem:$0x11C10] =	vst @p1 v2;
	v2 =	vshll.u32 @!p1 v6, $0x7  }
0x245: {  	s10 =	sand.u32 @!p1 $0x7F, s10;
	v3 =	vld.idx.msk @p1 [tilespmem:v3+s0+$0x0], $0xffff;
	v6 =	vor.u32 @!p1 v5, v2  }
0x246: {  	v6 =	vor.u32 @!p1 s10, v6;
	_ =	sdelay $0x2  }
0x247: {  	v4 =	vor.u32 @p1 $0x1800, v4  }
0x248: {  	[tilespmem:$0x11C20] =	vst @p1 v3;
	v3 =	vadd.s32 @p1 s2, v4;
	v4 =	vor.u32 @!p1 $0x800, v5;
	s2 =	simm.s32 @!p1 $0x1B00  }
0x249: {  	v6 =	vld.idx.msk @!p1 [tilespmem:v6+s2+$0x0], $0xffff;
	v4 =	vor.u32 @!p1 v4, v2  }
0x24a: {  	(v2sf) =	vpush v63, $0x4;
	v4 =	vor.u32 @!p1 s10, v4  }
0x24b: {  	(v2sf) =	vpush v1, $0x5;
	_ =	sdelay $0x2  }
0x24c: {  	v7 =	vor.u32 @!p1 $0x1000, v5;
	v3 =	vld.idx.msk @p1 [tilespmem:v3+s0+$0x0], $0xffff;
	[tilespmem:$0x11C00] =	vst @!p1 v6  }
0x24d: {  	v6 =	vor.u32 @!p1 v7, v2;
	v4 =	vld.idx.msk @!p1 [tilespmem:v4+s2+$0x0], $0xffff  }
0x24e: {  	v6 =	vor.u32 @!p1 s10, v6;
	_ =	sdelay $0x3  }
0x24f: {  	v5 =	vor.u32 @!p1 $0x1800, v5;
	[tilespmem:$0x11C10] =	vst @!p1 v4  }
0x250: {  	v2 =	vor.u32 @!p1 v5, v2;
	v4 =	vld.idx.msk @!p1 [tilespmem:v6+s2+$0x0], $0xffff  }
0x251: {  	v2 =	vor.u32 @!p1 s10, v2;
	_ =	sdelay $0x2  }
0x252: {  	s31 =	spop (v2sf)  }
0x253: {  	s10 =	spop (v2sf);
	[tilespmem:$0x11C20] =	vst @!p1 v4  }
0x254: {  	p0 =	sgt.s32 s10, $0x27ABFF;
	v2 =	vld.idx.msk @!p1 [tilespmem:v2+s2+$0x0], $0xffff  }
0x255: {  	v4 =	vlaneseq.u32 @p0  }
0x256: {  	v4 =	vmul.u32 @p0 $0x80, v4  }
0x257: {  	s2 =	sadd.s32 @p0 $0xFFD85400, s10  }
0x258: {  	s0 =	sshll.u32 s31, $0x3;
	v5 =	vadd.s32 @p0 s2, v4  }
0x259: {  	s0 =	sand.u32 $0x1FFFFFF8, s0;
	v2 =	vpsel p1, v3, v2  }
0x25a: {  	s0 =	sadd.s32 s4, s0;
	[tilespmem:$0x11C30] =	vst v2  }
0x25b: {  	[hbm4b:s0+s5] =	stream.linear.scatter [tilespmem:s17], [sflag:$0x2], $0x40, $0x38;
	[tilespmem:$0x13D00] =	vst v63  }
0x25c: {  	s0 =	simm.s32 @p0 $0x11D00  }
0x25d: {  	v3 =	vor.u32 @p0 $0x800, v4;
	v2 =	vld.idx.msk @p0 [tilespmem:v5+s0+$0x0], $0xffff  }
0x25e: {  	s29 =	smax.u32 s29, s30;
	s30 =	sshrl.u32 s10, $0x7;
	v3 =	vadd.s32 @p0 s2, v3  }
0x25f: {  	p4 =	slt.u32 s10, $0x27AC00;
	p3 =	sgt.u32 s30, s29  }
0x260: {  	p1 =	por !p4, !p3  }
0x261: {  	s31 =	simm.s32 $0x1;
	p1 =	por !p1, !p1  }
0x262: {  	s31 =	simm.s32 @!p1 $0x0;
	[tilespmem:$0x11C40] =	vst @p0 v2  }
0x263: {  	s28 =	sadd.s32 s31, s28;
	v2 =	vld.idx.msk @p0 [tilespmem:v3+s0+$0x0], $0xffff;
	v3 =	vor.u32 @p0 $0x1000, v4  }
0x264: {  	s31 =	sshll.u32 @!p0 s28, $0x6;
	v3 =	vadd.s32 @p0 s2, v3  }
0x265: {  	s31 =	sadd.s32 @!p0 $0x1C0, s31  }
0x266: {  	v5 =	vlaneseq.u32 @!p0;
	s31 =	sand.u32 @!p0 $0x1C0, s31  }
0x267: {  	v5 =	vmul.u32 @!p0 $0x80, v5;
	v6 =	vmov @!p0 s31  }
0x268: {  	[tilespmem:$0x11C50] =	vst @p0 v2;
	v2 =	vshll.u32 @!p0 v6, $0x7  }
0x269: {  	s10 =	sand.u32 @!p0 $0x7F, s10;
	v3 =	vld.idx.msk @p0 [tilespmem:v3+s0+$0x0], $0xffff;
	v6 =	vor.u32 @!p0 v5, v2  }
0x26a: {  	v6 =	vor.u32 @!p0 s10, v6;
	_ =	sdelay $0x2  }
0x26b: {  	v4 =	vor.u32 @p0 $0x1800, v4  }
0x26c: {  	[tilespmem:$0x11C60] =	vst @p0 v3;
	v3 =	vadd.s32 @p0 s2, v4;
	v4 =	vor.u32 @!p0 $0x800, v5;
	s2 =	simm.s32 @!p0 $0x1B00  }
0x26d: {  	v6 =	vld.idx.msk @!p0 [tilespmem:v6+s2+$0x0], $0xffff;
	v4 =	vor.u32 @!p0 v4, v2  }
0x26e: {  	(v2sf) =	vpush v63, $0x5;
	v4 =	vor.u32 @!p0 s10, v4  }
0x26f: {  	(v2sf) =	vpush v1, $0x6;
	_ =	sdelay $0x2  }
0x270: {  	v7 =	vor.u32 @!p0 $0x1000, v5;
	v3 =	vld.idx.msk @p0 [tilespmem:v3+s0+$0x0], $0xffff;
	[tilespmem:$0x11C40] =	vst @!p0 v6  }
0x271: {  	v6 =	vor.u32 @!p0 v7, v2;
	v4 =	vld.idx.msk @!p0 [tilespmem:v4+s2+$0x0], $0xffff  }
0x272: {  	v6 =	vor.u32 @!p0 s10, v6;
	_ =	sdelay $0x3  }
0x273: {  	v5 =	vor.u32 @!p0 $0x1800, v5;
	[tilespmem:$0x11C50] =	vst @!p0 v4  }
0x274: {  	v2 =	vor.u32 @!p0 v5, v2;
	v4 =	vld.idx.msk @!p0 [tilespmem:v6+s2+$0x0], $0xffff  }
0x275: {  	v2 =	vor.u32 @!p0 s10, v2;
	_ =	sdelay $0x2  }
0x276: {  	s31 =	spop (v2sf)  }
0x277: {  	s10 =	spop (v2sf);
	[tilespmem:$0x11C60] =	vst @!p0 v4  }
0x278: {  	p1 =	sgt.s32 s10, $0x27ABFF;
	v2 =	vld.idx.msk @!p0 [tilespmem:v2+s2+$0x0], $0xffff  }
0x279: {  	v4 =	vlaneseq.u32 @p1  }
0x27a: {  	v4 =	vmul.u32 @p1 $0x80, v4  }
0x27b: {  	s2 =	sadd.s32 @p1 $0xFFD85400, s10  }
0x27c: {  	s0 =	sshll.u32 s31, $0x3;
	v5 =	vadd.s32 @p1 s2, v4  }
0x27d: {  	s0 =	sand.u32 $0x1FFFFFF8, s0;
	v2 =	vpsel p0, v3, v2  }
0x27e: {  	s0 =	sadd.s32 s4, s0;
	[tilespmem:$0x11C70] =	vst v2  }
0x27f: {  	[hbm4b:s0+s5] =	stream.linear.scatter [tilespmem:s18], [sflag:$0x2], $0x40, $0x38;
	[tilespmem:$0x13D00] =	vst v63  }
0x280: {  	s0 =	simm.s32 @p1 $0x11D00  }
0x281: {  	v3 =	vor.u32 @p1 $0x800, v4;
	v2 =	vld.idx.msk @p1 [tilespmem:v5+s0+$0x0], $0xffff  }
0x282: {  	s29 =	smax.u32 s29, s30;
	s30 =	sshrl.u32 s10, $0x7;
	v3 =	vadd.s32 @p1 s2, v3  }
0x283: {  	p6 =	slt.u32 s10, $0x27AC00;
	p5 =	sgt.u32 s30, s29  }
0x284: {  	p0 =	por !p6, !p5  }
0x285: {  	s31 =	simm.s32 $0x1;
	p0 =	por !p0, !p0  }
0x286: {  	s31 =	simm.s32 @!p0 $0x0;
	[tilespmem:$0x11C80] =	vst @p1 v2  }
0x287: {  	s28 =	sadd.s32 s31, s28;
	v2 =	vld.idx.msk @p1 [tilespmem:v3+s0+$0x0], $0xffff;
	v3 =	vor.u32 @p1 $0x1000, v4  }
0x288: {  	s31 =	sshll.u32 @!p1 s28, $0x6;
	v3 =	vadd.s32 @p1 s2, v3  }
0x289: {  	s31 =	sadd.s32 @!p1 $0x1C0, s31  }
0x28a: {  	v5 =	vlaneseq.u32 @!p1;
	s31 =	sand.u32 @!p1 $0x1C0, s31  }
0x28b: {  	v5 =	vmul.u32 @!p1 $0x80, v5;
	v6 =	vmov @!p1 s31  }
0x28c: {  	[tilespmem:$0x11C90] =	vst @p1 v2;
	v2 =	vshll.u32 @!p1 v6, $0x7  }
0x28d: {  	s10 =	sand.u32 @!p1 $0x7F, s10;
	v3 =	vld.idx.msk @p1 [tilespmem:v3+s0+$0x0], $0xffff;
	v6 =	vor.u32 @!p1 v5, v2  }
0x28e: {  	v6 =	vor.u32 @!p1 s10, v6;
	_ =	sdelay $0x2  }
0x28f: {  	v4 =	vor.u32 @p1 $0x1800, v4  }
0x290: {  	[tilespmem:$0x11CA0] =	vst @p1 v3;
	v3 =	vadd.s32 @p1 s2, v4;
	v4 =	vor.u32 @!p1 $0x800, v5;
	s2 =	simm.s32 @!p1 $0x1B00  }
0x291: {  	v6 =	vld.idx.msk @!p1 [tilespmem:v6+s2+$0x0], $0xffff;
	v4 =	vor.u32 @!p1 v4, v2  }
0x292: {  	(v2sf) =	vpush v63, $0x6;
	v4 =	vor.u32 @!p1 s10, v4  }
0x293: {  	(v2sf) =	vpush v1, $0x7;
	_ =	sdelay $0x2  }
0x294: {  	v1 =	vld.idx.msk @p1 [tilespmem:v3+s0+$0x0], $0xffff;
	v3 =	vor.u32 @!p1 $0x1000, v5;
	[tilespmem:$0x11C80] =	vst @!p1 v6  }
0x295: {  	v3 =	vor.u32 @!p1 v3, v2;
	v4 =	vld.idx.msk @!p1 [tilespmem:v4+s2+$0x0], $0xffff  }
0x296: {  	v3 =	vor.u32 @!p1 s10, v3;
	_ =	sdelay $0x3  }
0x297: {  	v5 =	vor.u32 @!p1 $0x1800, v5;
	[tilespmem:$0x11C90] =	vst @!p1 v4  }
0x298: {  	v2 =	vor.u32 @!p1 v5, v2;
	v3 =	vld.idx.msk @!p1 [tilespmem:v3+s2+$0x0], $0xffff  }
0x299: {  	v2 =	vor.u32 @!p1 s10, v2;
	_ =	sdelay $0x2  }
0x29a: {  	s31 =	spop (v2sf)  }
0x29b: {  	s10 =	spop (v2sf);
	[tilespmem:$0x11CA0] =	vst @!p1 v3  }
0x29c: {  	p0 =	sgt.s32 s10, $0x27ABFF;
	v2 =	vld.idx.msk @!p1 [tilespmem:v2+s2+$0x0], $0xffff  }
0x29d: {  	v3 =	vlaneseq.u32 @p0  }
0x29e: {  	v3 =	vmul.u32 @p0 $0x80, v3  }
0x29f: {  	s2 =	sadd.s32 @p0 $0xFFD85400, s10  }
0x2a0: {  	s0 =	sshll.u32 s31, $0x3;
	v4 =	vadd.s32 @p0 s2, v3  }
0x2a1: {  	s0 =	sand.u32 $0x1FFFFFF8, s0;
	v1 =	vpsel p1, v1, v2  }
0x2a2: {  	s0 =	sadd.s32 s4, s0;
	[tilespmem:$0x11CB0] =	vst v1  }
0x2a3: {  	[hbm4b:s0+s5] =	stream.linear.scatter [tilespmem:s19], [sflag:$0x2], $0x40, $0x38;
	[tilespmem:$0x13D00] =	vst v63  }
0x2a4: {  	s0 =	simm.s32 @p0 $0x11D00  }
0x2a5: {  	s29 =	smax.u32 s29, s30;
	s30 =	sshrl.u32 @!p0 s10, $0x7;
	v2 =	vor.u32 @p0 $0x800, v3;
	v1 =	vld.idx.msk @p0 [tilespmem:v4+s0+$0x0], $0xffff  }
0x2a6: {  	p2 =	slt.u32 @!p0 s10, $0x27AC00;
	p1 =	sgt.u32 @!p0 s30, s29;
	v2 =	vadd.s32 @p0 s2, v2  }
0x2a7: {  	p1 =	por @!p0 !p2, !p1  }
0x2a8: {  	p1 =	por @!p0 !p1, !p1  }
0x2a9: {  	s29 =	simm.s32 @!p0 $0x1;
	p1 =	por !p1, p0  }
0x2aa: {  	s29 =	simm.s32 @p1 $0x0;
	[tilespmem:$0x11CC0] =	vst @p0 v1  }
0x2ab: {  	s28 =	sadd.s32 @!p0 s29, s28;
	v1 =	vld.idx.msk @p0 [tilespmem:v2+s0+$0x0], $0xffff;
	v2 =	vor.u32 @p0 $0x1000, v3  }
0x2ac: {  	s28 =	sshll.u32 @!p0 s28, $0x6;
	v2 =	vadd.s32 @p0 s2, v2  }
0x2ad: {  	s28 =	sadd.s32 @!p0 $0x1C0, s28  }
0x2ae: {  	v4 =	vlaneseq.u32 @!p0;
	s28 =	sand.u32 @!p0 $0x1C0, s28  }
0x2af: {  	v4 =	vmul.u32 @!p0 $0x80, v4;
	v5 =	vmov @!p0 s28  }
0x2b0: {  	[tilespmem:$0x11CD0] =	vst @p0 v1;
	v1 =	vshll.u32 @!p0 v5, $0x7  }
0x2b1: {  	s10 =	sand.u32 @!p0 $0x7F, s10;
	v2 =	vld.idx.msk @p0 [tilespmem:v2+s0+$0x0], $0xffff;
	v5 =	vor.u32 @!p0 v4, v1  }
0x2b2: {  	v5 =	vor.u32 @!p0 s10, v5;
	_ =	sdelay $0x2  }
0x2b3: {  	v3 =	vor.u32 @p0 $0x1800, v3  }
0x2b4: {  	[tilespmem:$0x11CE0] =	vst @p0 v2;
	v2 =	vadd.s32 @p0 s2, v3;
	v3 =	vor.u32 @!p0 $0x800, v4;
	s2 =	simm.s32 @!p0 $0x1B00  }
0x2b5: {  	v5 =	vld.idx.msk @!p0 [tilespmem:v5+s2+$0x0], $0xffff;
	v3 =	vor.u32 @!p0 v3, v1  }
0x2b6: {  	v3 =	vor.u32 @!p0 s10, v3;
	_ =	sdelay $0x3  }
0x2b7: {  	v6 =	vor.u32 @!p0 $0x1000, v4;
	v2 =	vld.idx.msk @p0 [tilespmem:v2+s0+$0x0], $0xffff;
	[tilespmem:$0x11CC0] =	vst @!p0 v5  }
0x2b8: {  	(v2sf) =	vpush v63, $0x7;
	v0 =	vld.idx.msk @!p0 [tilespmem:v3+s2+$0x0], $0xffff;
	v3 =	vor.u32 @!p0 v6, v1  }
0x2b9: {  	v3 =	vor.u32 @!p0 s10, v3;
	_ =	sdelay $0x3  }
0x2ba: {  	v4 =	vor.u32 @!p0 $0x1800, v4;
	[tilespmem:$0x11CD0] =	vst @!p0 v0  }
0x2bb: {  	v1 =	vor.u32 @!p0 v4, v1;
	v0 =	vld.idx.msk @!p0 [tilespmem:v3+s2+$0x0], $0xffff  }
0x2bc: {  	v1 =	vor.u32 @!p0 s10, v1;
	_ =	sdelay $0x3  }
0x2bd: {  	[tilespmem:$0x11CE0] =	vst @!p0 v0  }
0x2be: {  	v0 =	vld.idx.msk @!p0 [tilespmem:v1+s2+$0x0], $0xffff;
	_ =	sdelay $0x2  }
0x2bf: {  	s31 =	spop (v2sf)  }
0x2c0: {  	s0 =	sshll.u32 s31, $0x3  }
0x2c1: {  	s0 =	sand.u32 $0x1FFFFFF8, s0;
	v0 =	vpsel p0, v2, v0  }
0x2c2: {  	s0 =	sadd.s32 s4, s0;
	[tilespmem:$0x11CF0] =	vst v0  }
0x2c3: {  	[hbm4b:s0+s5] =	stream.linear.scatter [tilespmem:s20], [sflag:$0x2], $0x40, $0x38;
	[tilespmem:$0x13D00] =	vst v63  }
.LBB2_6:
0x2c4: {  	v0 =	vld [tilespmem:s25+$0x0];
	_ =	sdelay $0x4  }
0x2c5: {  	(v2sf) =	vpush v0, $0x0;
	_ =	sdelay $0x8  }
0x2c6: {  	(v2sf) =	vpush v0, $0x1;
	_ =	sdelay $0x5  }
0x2c7: {  	s0 =	spop (v2sf)  }
0x2c8: {  	s2 =	sshrl.u32 s0, $0x7  }
0x2c9: {  	p1 =	slt.u32 s0, $0x27AC00;
	p0 =	sgt.s32 s2, s22  }
0x2ca: {  	(v2sf) =	vpush v0, $0x2;
	p0 =	por !p1, !p0  }
0x2cb: {  	p0 =	por !p0, !p0  }
0x2cc: {  	s10 =	sshll.u32 @p0 s23, $0xD  }
0x2cd: {  	s0 =	sand.u32 @p0 $0x3FFF80, s0;
	s28 =	simm.s32 @p0 $0x400;
	s10 =	sand.u32 @p0 $0xE000, s10  }
0x2ce: {  	s29 =	simm.s32 @p0 $0x13D6400;
	s0 =	sadd.s32 @p0 s3, s0;
	s10 =	sor.u32 @p0 $0x1B00, s10  }
0x2cf: {  	[tilespmem:s10], [sflag:$0x1] =	stream.strided.gather @p0 [hbm4b:s0+s28], $0x2000, s29, s28, $0x38;
	[tilespmem:$0x13D00] =	vst v63  }
0x2d0: {  	p1 =	sgt.s32 s22, s2;
	s0 =	spop (v2sf)  }
0x2d1: {  	s2 =	smov.u32 @p1 s22;
	s10 =	sshrl.u32 s0, $0x7  }
0x2d2: {  	s28 =	simm.s32 $0x1;
	p2 =	slt.u32 s0, $0x27AC00;
	p1 =	sgt.u32 s10, s2  }
0x2d3: {  	(v2sf) =	vpush v0, $0x3;
	s28 =	simm.s32 @!p0 $0x0;
	p4 =	por !p2, !p1  }
0x2d4: {  	s28 =	sadd.s32 s28, s23;
	p0 =	por !p4, !p4  }
0x2d5: {  	s29 =	sshll.u32 @p0 s28, $0xD  }
0x2d6: {  	s0 =	sand.u32 @p0 $0x3FFF80, s0;
	s30 =	simm.s32 @p0 $0x400;
	s29 =	sand.u32 @p0 $0xE000, s29  }
0x2d7: {  	s31 =	simm.s32 @p0 $0x13D6400;
	s0 =	sadd.s32 @p0 s3, s0;
	s29 =	sor.u32 @p0 $0x1B00, s29  }
0x2d8: {  	[tilespmem:s29], [sflag:$0x1] =	stream.strided.gather @p0 [hbm4b:s0+s30], $0x2000, s31, s30, $0x38;
	[tilespmem:$0x13D00] =	vst v63  }
0x2d9: {  	s0 =	spop (v2sf)  }
0x2da: {  	s2 =	smax.u32 s2, s10;
	s10 =	sshrl.u32 s0, $0x7  }
0x2db: {  	s29 =	simm.s32 $0x1;
	p6 =	slt.u32 s0, $0x27AC00;
	p5 =	sgt.u32 s10, s2  }
0x2dc: {  	(v2sf) =	vpush v0, $0x4;
	s29 =	simm.s32 @!p0 $0x0;
	p1 =	por !p6, !p5  }
0x2dd: {  	s28 =	sadd.s32 s29, s28;
	p0 =	por !p1, !p1  }
0x2de: {  	s29 =	sshll.u32 @p0 s28, $0xD  }
0x2df: {  	s0 =	sand.u32 @p0 $0x3FFF80, s0;
	s30 =	simm.s32 @p0 $0x400;
	s29 =	sand.u32 @p0 $0xE000, s29  }
0x2e0: {  	s31 =	simm.s32 @p0 $0x13D6400;
	s0 =	sadd.s32 @p0 s3, s0;
	s29 =	sor.u32 @p0 $0x1B00, s29  }
0x2e1: {  	[tilespmem:s29], [sflag:$0x1] =	stream.strided.gather @p0 [hbm4b:s0+s30], $0x2000, s31, s30, $0x38;
	[tilespmem:$0x13D00] =	vst v63  }
0x2e2: {  	s0 =	spop (v2sf)  }
0x2e3: {  	s2 =	smax.u32 s2, s10;
	s10 =	sshrl.u32 s0, $0x7  }
0x2e4: {  	s29 =	simm.s32 $0x1;
	p3 =	slt.u32 s0, $0x27AC00;
	p2 =	sgt.u32 s10, s2  }
0x2e5: {  	(v2sf) =	vpush v0, $0x5;
	s29 =	simm.s32 @!p0 $0x0;
	p4 =	por !p3, !p2  }
0x2e6: {  	s28 =	sadd.s32 s29, s28;
	p0 =	por !p4, !p4  }
0x2e7: {  	s29 =	sshll.u32 @p0 s28, $0xD  }
0x2e8: {  	s0 =	sand.u32 @p0 $0x3FFF80, s0;
	s30 =	simm.s32 @p0 $0x400;
	s29 =	sand.u32 @p0 $0xE000, s29  }
0x2e9: {  	s31 =	simm.s32 @p0 $0x13D6400;
	s0 =	sadd.s32 @p0 s3, s0;
	s29 =	sor.u32 @p0 $0x1B00, s29  }
0x2ea: {  	[tilespmem:s29], [sflag:$0x1] =	stream.strided.gather @p0 [hbm4b:s0+s30], $0x2000, s31, s30, $0x38;
	[tilespmem:$0x13D00] =	vst v63  }
0x2eb: {  	s0 =	spop (v2sf)  }
0x2ec: {  	s2 =	smax.u32 s2, s10;
	s10 =	sshrl.u32 s0, $0x7  }
0x2ed: {  	s29 =	simm.s32 $0x1;
	p6 =	slt.u32 s0, $0x27AC00;
	p5 =	sgt.u32 s10, s2  }
0x2ee: {  	(v2sf) =	vpush v0, $0x6;
	s29 =	simm.s32 @!p0 $0x0;
	p1 =	por !p6, !p5  }
0x2ef: {  	s28 =	sadd.s32 s29, s28;
	p0 =	por !p1, !p1  }
0x2f0: {  	s29 =	sshll.u32 @p0 s28, $0xD  }
0x2f1: {  	s0 =	sand.u32 @p0 $0x3FFF80, s0;
	s30 =	simm.s32 @p0 $0x400;
	s29 =	sand.u32 @p0 $0xE000, s29  }
0x2f2: {  	s31 =	simm.s32 @p0 $0x13D6400;
	s0 =	sadd.s32 @p0 s3, s0;
	s29 =	sor.u32 @p0 $0x1B00, s29  }
0x2f3: {  	[tilespmem:s29], [sflag:$0x1] =	stream.strided.gather @p0 [hbm4b:s0+s30], $0x2000, s31, s30, $0x38;
	[tilespmem:$0x13D00] =	vst v63  }
0x2f4: {  	s0 =	spop (v2sf)  }
0x2f5: {  	s2 =	smax.u32 s2, s10;
	s10 =	sshrl.u32 s0, $0x7  }
0x2f6: {  	s29 =	simm.s32 $0x1;
	p3 =	slt.u32 s0, $0x27AC00;
	p2 =	sgt.u32 s10, s2  }
0x2f7: {  	(v2sf) =	vpush v0, $0x7;
	s29 =	simm.s32 @!p0 $0x0;
	p4 =	por !p3, !p2  }
0x2f8: {  	s28 =	sadd.s32 s29, s28;
	p0 =	por !p4, !p4  }
0x2f9: {  	s29 =	sshll.u32 @p0 s28, $0xD  }
0x2fa: {  	s0 =	sand.u32 @p0 $0x3FFF80, s0;
	s30 =	simm.s32 @p0 $0x400;
	s29 =	sand.u32 @p0 $0xE000, s29  }
0x2fb: {  	s31 =	simm.s32 @p0 $0x13D6400;
	s0 =	sadd.s32 @p0 s3, s0;
	s29 =	sor.u32 @p0 $0x1B00, s29  }
0x2fc: {  	[tilespmem:s29], [sflag:$0x1] =	stream.strided.gather @p0 [hbm4b:s0+s30], $0x2000, s31, s30, $0x38;
	[tilespmem:$0x13D00] =	vst v63  }
0x2fd: {  	s0 =	spop (v2sf)  }
0x2fe: {  	s2 =	smax.u32 s2, s10;
	s10 =	sshrl.u32 s0, $0x7  }
0x2ff: {  	s29 =	simm.s32 $0x1;
	p6 =	slt.u32 s0, $0x27AC00;
	p5 =	sgt.u32 s10, s2  }
0x300: {  	s29 =	simm.s32 @!p0 $0x0;
	p3 =	por !p6, !p5  }
0x301: {  	s28 =	sadd.s32 s29, s28;
	p0 =	por !p3, !p3  }
0x302: {  	s29 =	sshll.u32 @p0 s28, $0xD  }
0x303: {  	s0 =	sand.u32 @p0 $0x3FFF80, s0;
	s30 =	simm.s32 @p0 $0x400;
	s29 =	sand.u32 @p0 $0xE000, s29  }
0x304: {  	s31 =	simm.s32 @p0 $0x13D6400;
	s0 =	sadd.s32 @p0 s3, s0;
	s29 =	sor.u32 @p0 $0x1B00, s29  }
0x305: {  	[tilespmem:s29], [sflag:$0x1] =	stream.strided.gather @p0 [hbm4b:s0+s30], $0x2000, s31, s30, $0x38;
	[tilespmem:$0x13D00] =	vst v63  }
0x306: {  	s0 =	spop (v2sf)  }
0x307: {  	s2 =	smax.u32 s2, s10;
	s10 =	sshrl.u32 s0, $0x7  }
0x308: {  	s29 =	simm.s32 $0x1;
	p5 =	slt.u32 s0, $0x27AC00;
	p4 =	sgt.u32 s10, s2  }
0x309: {  	s29 =	simm.s32 @!p0 $0x0;
	p6 =	por !p5, !p4  }
0x30a: {  	s28 =	sadd.s32 s29, s28;
	p0 =	por !p6, !p6  }
0x30b: {  	s29 =	sshll.u32 @p0 s28, $0xD  }
0x30c: {  	s0 =	sand.u32 @p0 $0x3FFF80, s0;
	s30 =	simm.s32 @p0 $0x400;
	s29 =	sand.u32 @p0 $0xE000, s29  }
0x30d: {  	s31 =	simm.s32 @p0 $0x13D6400;
	s0 =	sadd.s32 @p0 s3, s0;
	s29 =	sor.u32 @p0 $0x1B00, s29  }
0x30e: {  	[tilespmem:s29], [sflag:$0x1] =	stream.strided.gather @p0 [hbm4b:s0+s30], $0x2000, s31, s30, $0x38;
	[tilespmem:$0x13D00] =	vst v63  }
0x30f: {  	s26 =	sadd.s32 $0x1, s26;
	s0 =	simm.s32 $0x1  }
0x310: {  	s0 =	simm.s32 @!p0 $0x0;
	p0 =	sne.s32 s26, $0x1A0  }
.Ltmp3:
0x311: {  	_ = 	snop;
	(pc) =	sbr.rel @!p0 .LBB2_7-.Ltmp3, $3  }
0x312: {  	_ =	sdelay $0x1  }
0x313: {  	s25 =	sadd.s32 $0x8, s25;
	s24 =	sadd.s32 $0x8, s24;
	s29 =	smax.u32 s2, s10  }
0x314: {  	s30 =	smov.u32 s23;
	s31 =	sadd.s32 s0, s28;
	s28 =	smov.u32 s22  }
.LBB2_2:
0x315: {  	p0 =	sge.s32 s30, s31  }
0x316: {  	s22 =	simm.s32 @!p0 $0x1  }
0x317: {  	s23 =	smov.u32 s31;
	s10 =	sadd.s32 $0x1, s30;
	_ =	swait.ge @!p0 [sflag:s22], $0x2000  }
0x318: {  	p1 =	sge.s32 s10, s23;
	[sflag:s22] =	ssyncset.done @!p0 $0x0  }
0x319: {  	[sflag:s22] =	ssyncadd.s32 @!p0 $0xFFFFE000;
	s22 =	simm.s32 @!p1 $0x1  }
0x31a: {  	s0 =	sadd.s32 $0x2, s30;
	_ =	swait.ge @!p1 [sflag:s22], $0x2000  }
0x31b: {  	p0 =	sge.s32 s0, s23;
	[sflag:s22] =	ssyncset.done @!p1 $0x0  }
0x31c: {  	[sflag:s22] =	ssyncadd.s32 @!p1 $0xFFFFE000;
	s22 =	simm.s32 @!p0 $0x1  }
0x31d: {  	s2 =	sadd.s32 $0x3, s30;
	_ =	swait.ge @!p0 [sflag:s22], $0x2000  }
0x31e: {  	p1 =	sge.s32 s2, s23;
	[sflag:s22] =	ssyncset.done @!p0 $0x0  }
0x31f: {  	[sflag:s22] =	ssyncadd.s32 @!p0 $0xFFFFE000;
	s22 =	simm.s32 @!p1 $0x1  }
0x320: {  	s10 =	sadd.s32 $0x4, s30;
	_ =	swait.ge @!p1 [sflag:s22], $0x2000  }
0x321: {  	p0 =	sge.s32 s10, s23;
	[sflag:s22] =	ssyncset.done @!p1 $0x0  }
0x322: {  	[sflag:s22] =	ssyncadd.s32 @!p1 $0xFFFFE000;
	s22 =	simm.s32 @!p0 $0x1  }
0x323: {  	s0 =	sadd.s32 $0x5, s30;
	_ =	swait.ge @!p0 [sflag:s22], $0x2000  }
0x324: {  	p1 =	sge.s32 s0, s23;
	[sflag:s22] =	ssyncset.done @!p0 $0x0  }
0x325: {  	[sflag:s22] =	ssyncadd.s32 @!p0 $0xFFFFE000;
	s22 =	simm.s32 @!p1 $0x1  }
0x326: {  	s2 =	sadd.s32 $0x6, s30;
	_ =	swait.ge @!p1 [sflag:s22], $0x2000  }
0x327: {  	p0 =	sge.s32 s2, s23;
	[sflag:s22] =	ssyncset.done @!p1 $0x0  }
0x328: {  	[sflag:s22] =	ssyncadd.s32 @!p1 $0xFFFFE000;
	s22 =	simm.s32 @!p0 $0x1  }
0x329: {  	_ =	swait.ge @!p0 [sflag:s22], $0x2000  }
0x32a: {  	[sflag:s22] =	ssyncset.done @!p0 $0x0  }
0x32b: {  	s10 =	sadd.s32 $0x7, s30;
	[sflag:s22] =	ssyncadd.s32 @!p0 $0xFFFFE000;
	p0 =	slt.u32 s26, $0x2  }
.Ltmp4:
0x32c: {  	p1 =	sge.s32 s10, s23;
	(pc) =	sbr.rel @!p0 .LBB2_3-.Ltmp4, $4  }
0x32d: {  	s22 =	simm.s32 @!p1 $0x1  }
0x32e: {  	_ =	swait.ge @!p1 [sflag:s22], $0x2000  }
0x32f: {  	[sflag:s22] =	ssyncset.done @!p1 $0x0  }
0x330: {  	[sflag:s22] =	ssyncadd.s32 @!p1 $0xFFFFE000;
	s22 =	smov.u32 s29  }
0x331: {  	p0 =	seq.s32 s26, $0x0  }
.Ltmp5:
0x332: {  	_ = 	snop;
	(pc) =	sbr.rel @!p0 .LBB2_5-.Ltmp5, $4  }
.Ltmp6:
0x333: {  	_ = 	snop;
	(pc) =	sbr.rel @p0 .LBB2_6-.Ltmp6, $4  }
0x334: {  	_ = 	snop  }
0x335: {  	_ = 	snop  }
0x336: {  	_ = 	snop  }
0x337: {  	_ = 	snop  }
.LBB2_8:
0x338: {  	_ =	sfence.sel $0x180000  }
0x339: {  	[bflag:$0x0] =	sbarrier.arrive $0xFFFF  }
0x33a: {  	_ =	strace $0x90000047  }
0x33b: {  	s0 =	stileid.u32;
	[bflag:$0x2] =	sbarrier.arrive $0xFFFF  }
0x33c: {  	p0 =	sne.s32 s0, $0x0;
	s0 =	rddreg [dreg:$0x3]  }
0x33d: {  	s0 =	sadd.s32 @!p0 $0x100000, s0  }
0x33e: {  	[sflag:s0] =	ssyncadd.tile.s32 @!p0 $0x1;
	_ =	shalt  }
.Lfunc_end2:
_tile_overlayer_lowered:
.L_overlay_start_2:
0x33f: {  	(tag) =	ssettag $0x2  }
0x340: {  	s0 =	rddreg [dreg:$0x0];
	s2 =	stileid.u32  }
0x341: {  	s1 =	rddreg [dreg:$0x1];
	p0 =	sne.s32 s2, $0x0  }
0x342: {  	s3 =	rddreg [dreg:$0x2];
	[bflag:$0x3] =	sbarrier.arrive $0xFFFF;
	s2 =	simm.s32 @!p0 $0x1C03  }
0x343: {  	[timem:s3], [sflag:s2] =	dma.local @!p0 [hbm:s0], s1  }
0x344: {  	s0 =	simm.s32 @!p0 $0x3  }
0x345: {  	_ =	swait.ge @!p0 [sflag:s0], s1  }
0x346: {  	s1 =	ssub.s32 @!p0 $0x0, s1;
	[sflag:s0] =	ssyncset.done @!p0 $0x0  }
0x347: {  	[sflag:s0] =	ssyncadd.s32 @!p0 s1  }
0x348: {  	[bflag:$0x3] =	sbarrier.arrive $0xFFFF  }
0x349: {  	_ =	shalt  }

</sc_bundles>
